<compile_context>
chip_gen: v7x
topology: tpu7x:2x2x1
jax: 0.10.2.dev20260603
libtpu: 0.0.44.dev20260713+nightly
codegen_flags: <defaults>
</compile_context>

<pallas_src>
import functools

import jax
import jax.numpy as jnp
from jax import lax
from jax.experimental import pallas as pl
from jax.experimental.pallas import tpu as pltpu
from jax.experimental.pallas import tpu_sc as plsc

B = 4
T = 2048
D = 64
V = 1000000
NC = 2
NS = 16
NW = NC * NS
N = B * T
CHUNK = N // NW
LANES = 16
RING = 8


def _emb_body(x_hbm, wt_hbm, wtp_hbm, out_hbm,
              idx_v, colbuf_v, rows_v, pos_v, *sems):
    wid = lax.axis_index("s") * NC + lax.axis_index("c")
    base = wid * CHUNK
    b = base // T
    pos_off = lax.rem(base, T)

    pltpu.sync_copy(x_hbm.at[pl.ds(base, CHUNK)], idx_v)
    pltpu.sync_copy(wtp_hbm.at[:, pl.ds(pos_off, CHUNK)], pos_v)

    lane_iota = lax.iota(jnp.int32, LANES)

    def idx_scalar(i):
        v16 = idx_v[pl.ds((i // LANES) * LANES, LANES)]
        return lax.reduce_max(jnp.where(lane_iota == (i % LANES), v16, 0),
                              axes=(0,))

    def fire(i, r):
        v = idx_scalar(i)
        col = pl.multiple_of((v >> 7) * 128, 128)
        return pltpu.async_copy(
            wt_hbm.at[:, pl.ds(col, 128)], colbuf_v.at[r], sems[r])

    for r in range(RING):
        fire(r, r)

    def do_block(blk, carry):
        for r in range(RING):
            i = blk * RING + r
            pltpu.make_async_copy(
                wt_hbm.at[:, pl.ds(0, 128)], colbuf_v.at[r], sems[r]).wait()
            v = idx_scalar(i)
            i16 = jnp.full((LANES,), i, jnp.int32)
            lane = jnp.full((LANES,), v & 127, jnp.int32)
            for q in range(0, D, LANES):
                vals = plsc.load_gather(colbuf_v, [
                    jnp.full((LANES,), r, jnp.int32), q + lane_iota, lane])
                pvals = plsc.load_gather(pos_v, [q + lane_iota, i16])
                plsc.store_scatter(rows_v, [q + lane_iota, i16], vals + pvals)

            @pl.when(i + RING < CHUNK)
            def _():
                fire(i + RING, r)
        return carry

    lax.fori_loop(0, CHUNK // RING, do_block, 0)

    pltpu.sync_copy(rows_v, out_hbm.at[b, :, pl.ds(pos_off, CHUNK)])


@jax.jit
def _emb_lookup(x_flat, wt, wtp_t):
    mesh = plsc.VectorSubcoreMesh(core_axis_name="c", subcore_axis_name="s")
    return pl.kernel(
        _emb_body,
        out_type=jax.ShapeDtypeStruct((B, D, T), jnp.float32),
        mesh=mesh,
        scratch_types=[
            pltpu.VMEM((CHUNK,), jnp.int32),
            pltpu.VMEM((RING, D, 128), jnp.float32),
            pltpu.VMEM((D, CHUNK), jnp.float32),
            pltpu.VMEM((D, CHUNK), jnp.float32),
        ] + [pltpu.SemaphoreType.DMA] * RING,
        compiler_params=pltpu.CompilerParams(needs_layout_passes=False),
    )(x_flat, wt, wtp_t)


def kernel(x, wte, wtp):
    out_t = _emb_lookup(x.reshape(-1), wte.T, wtp.T)
    return out_t.transpose(0, 2, 1)

# --- scband reference (transcript-rebuilt; emitter-appended) ---
"""Pipeline reference for scband-embedding-14216341750327 (READ-ONLY COPY).

The authoritative reference and input builder live on the scoring server;
editing this copy changes nothing except your own understanding.
"""

import jax, jax.numpy as jnp
import numpy as np

VOCAB = 1000000
DIM = 64
BLOCK = 2048
BATCH = 4


def setup_inputs(seed: int = 0) -> dict:
    key = jax.random.key(seed)
    k1, k2, k3 = jax.random.split(key, 3)
    x = jax.random.randint(k1, (BATCH, BLOCK), 0, VOCAB, dtype=jnp.int32)
    wte = jax.random.normal(k2, (VOCAB, DIM), dtype=jnp.float32) * 0.02
    wtp = jax.random.normal(k3, (BLOCK, DIM), dtype=jnp.float32) * 0.02
    return {"x": x, "wte": wte, "wtp": wtp}


def reference(x, wte, wtp):
    # token embedding lookup: wte(x)
    tok = jnp.take(wte, x, axis=0)  # [B, BLOCK, DIM]
    # position ids: arange(block_size) repeated across batch
    position_ids = jnp.arange(BLOCK, dtype=jnp.int32)
    pos = jnp.take(wtp, position_ids, axis=0)  # [BLOCK, DIM]
    # broadcast add (equivalent to repeat over batch dim)
    out = tok + pos[None, :, :]
    return out

if __name__ == "__main__":
    import jax
    _d = setup_inputs()
    print(jax.jit(kernel)(*tuple(_d.values())))

</pallas_src>

<mosaic_0001>
#map = affine_map<(d0, d1) -> (0)>
#map1 = affine_map<(d0, d1) -> (0, 0)>
#map2 = affine_map<(d0, d1) -> (0, 0, 0)>
module attributes {stable_mosaic.version = 14 : i64} {
  func.func @_emb_body(%arg0: i32, %arg1: i32, %arg2: memref<8192xi32, #tpu.memory_space<hbm>>, %arg3: memref<64x1000000xf32, #tpu.memory_space<hbm>>, %arg4: memref<64x2048xf32, #tpu.memory_space<hbm>>, %arg5: memref<4x64x2048xf32, #tpu.memory_space<hbm>>, %arg6: memref<256xi32, #tpu.memory_space<vmem>>, %arg7: memref<8x64x128xf32, #tpu.memory_space<vmem>>, %arg8: memref<64x256xf32, #tpu.memory_space<vmem>>, %arg9: memref<64x256xf32, #tpu.memory_space<vmem>>, %arg10: memref<!tpu.dma_semaphore, #tpu.memory_space<semaphore_mem>>, %arg11: memref<!tpu.dma_semaphore, #tpu.memory_space<semaphore_mem>>, %arg12: memref<!tpu.dma_semaphore, #tpu.memory_space<semaphore_mem>>, %arg13: memref<!tpu.dma_semaphore, #tpu.memory_space<semaphore_mem>>, %arg14: memref<!tpu.dma_semaphore, #tpu.memory_space<semaphore_mem>>, %arg15: memref<!tpu.dma_semaphore, #tpu.memory_space<semaphore_mem>>, %arg16: memref<!tpu.dma_semaphore, #tpu.memory_space<semaphore_mem>>, %arg17: memref<!tpu.dma_semaphore, #tpu.memory_space<semaphore_mem>>) attributes {dimension_semantics = [#tpu.dimension_semantics<core_parallel>, #tpu.dimension_semantics<subcore_parallel>], iteration_bounds = array<i64: 2, 16>, scalar_prefetch = 0 : i64, scratch_operands = 12 : i64, tpu.core_type = #tpu.core_type<sc_vector_subcore>, window_params = [{transform_indices = #map}, {transform_indices = #map1}, {transform_indices = #map1}, {transform_indices = #map2}]} {
    %mul3A = arith.constant 2 : i32
    %mul3A_0 = arith.muli %arg1, %mul3A : i32
    %add3A = arith.addi %mul3A_0, %arg0 : i32
    %mul3A_1 = arith.constant 256 : i32
    %mul3A_2 = arith.muli %add3A, %mul3A_1 : i32
    %jit3A = arith.constant 2048 : i32
    %div3A = arith.divsi %mul3A_2, %jit3A : i32
    %sign3A = arith.constant 0 : i32
    %sign3A_3 = arith.cmpi sgt, %mul3A_2, %sign3A : i32
    %sign3A_4 = arith.extui %sign3A_3 : i1 to i32
    %sign3A_5 = arith.constant 0 : i32
    %sign3A_6 = arith.cmpi slt, %mul3A_2, %sign3A_5 : i32
    %sign3A_7 = arith.extui %sign3A_6 : i1 to i32
    %sign3A_8 = arith.subi %sign3A_4, %sign3A_7 : i32
    %sign3A_9 = arith.constant 0 : i32
    %sign3A_10 = arith.cmpi sgt, %jit3A, %sign3A_9 : i32
    %sign3A_11 = arith.extui %sign3A_10 : i1 to i32
    %sign3A_12 = arith.constant 0 : i32
    %sign3A_13 = arith.cmpi slt, %jit3A, %sign3A_12 : i32
    %sign3A_14 = arith.extui %sign3A_13 : i1 to i32
    %sign3A_15 = arith.subi %sign3A_11, %sign3A_14 : i32
    %ne3A = arith.cmpi ne, %sign3A_8, %sign3A_15 : i32
    %rem3A = arith.remsi %mul3A_2, %jit3A : i32
    %ne3A_16 = arith.constant 0 : i32
    %ne3A_17 = arith.cmpi ne, %rem3A, %ne3A_16 : i32
    %and3A = arith.andi %ne3A, %ne3A_17 : i1
    %sub3A = arith.constant 1 : i32
    %sub3A_18 = arith.subi %div3A, %sub3A : i32
    %select_n3A = arith.select %and3A, %sub3A_18, %div3A : i32
    %rem3A_19 = arith.constant 2048 : i32
    %rem3A_20 = arith.remsi %mul3A_2, %rem3A_19 : i32
    "tpu.region"() ({
      %run_scoped3A = tpu.sem_alloc : memref<!tpu.dma_semaphore, #tpu.memory_space<semaphore_mem>>
      %dma_start3A_291 = tpu.memref_slice %arg2[%mul3A_2] : memref<8192xi32, #tpu.memory_space<hbm>> -> memref<256xi32, #tpu.memory_space<hbm>>
      %dma_start3A_292 = tpu.memref_slice %arg2[%mul3A_2] : memref<8192xi32, #tpu.memory_space<hbm>> -> memref<256xi32, #tpu.memory_space<hbm>>
      tpu.enqueue_dma source(%dma_start3A_292 : memref<256xi32, #tpu.memory_space<hbm>>) target(%arg6 : memref<256xi32, #tpu.memory_space<vmem>>) target_semaphore(%run_scoped3A : memref<!tpu.dma_semaphore, #tpu.memory_space<semaphore_mem>>)
      %dma_wait3A = tpu.memref_slice %arg2[%mul3A_2] : memref<8192xi32, #tpu.memory_space<hbm>> -> memref<256xi32, #tpu.memory_space<hbm>>
      %dma_wait3A_293 = tpu.memref_slice %arg2[%mul3A_2] : memref<8192xi32, #tpu.memory_space<hbm>> -> memref<256xi32, #tpu.memory_space<hbm>>
      tpu.wait_dma2 semaphore(%run_scoped3A : memref<!tpu.dma_semaphore, #tpu.memory_space<semaphore_mem>>) src(%dma_wait3A_293 : memref<256xi32, #tpu.memory_space<hbm>>) dst(%arg6 : memref<256xi32, #tpu.memory_space<vmem>>)
      tpu.yield
    }) : () -> ()
    "tpu.region"() ({
      %run_scoped3A = tpu.sem_alloc : memref<!tpu.dma_semaphore, #tpu.memory_space<semaphore_mem>>
      %dma_start3A_291 = arith.constant 0 : i32
      %dma_start3A_292 = tpu.memref_slice %arg4[%dma_start3A_291, %rem3A_20] : memref<64x2048xf32, #tpu.memory_space<hbm>> -> memref<64x256xf32, #tpu.memory_space<hbm>>
      %dma_start3A_293 = arith.constant 0 : i32
      %dma_start3A_294 = tpu.memref_slice %arg4[%dma_start3A_293, %rem3A_20] : memref<64x2048xf32, #tpu.memory_space<hbm>> -> memref<64x256xf32, #tpu.memory_space<hbm>>
      tpu.enqueue_dma source(%dma_start3A_294 : memref<64x256xf32, #tpu.memory_space<hbm>>) target(%arg9 : memref<64x256xf32, #tpu.memory_space<vmem>>) target_semaphore(%run_scoped3A : memref<!tpu.dma_semaphore, #tpu.memory_space<semaphore_mem>>)
      %dma_wait3A = arith.constant 0 : i32
      %dma_wait3A_295 = tpu.memref_slice %arg4[%dma_wait3A, %rem3A_20] : memref<64x2048xf32, #tpu.memory_space<hbm>> -> memref<64x256xf32, #tpu.memory_space<hbm>>
      %dma_wait3A_296 = arith.constant 0 : i32
      %dma_wait3A_297 = tpu.memref_slice %arg4[%dma_wait3A_296, %rem3A_20] : memref<64x2048xf32, #tpu.memory_space<hbm>> -> memref<64x256xf32, #tpu.memory_space<hbm>>
      tpu.wait_dma2 semaphore(%run_scoped3A : memref<!tpu.dma_semaphore, #tpu.memory_space<semaphore_mem>>) src(%dma_wait3A_297 : memref<64x256xf32, #tpu.memory_space<hbm>>) dst(%arg9 : memref<64x256xf32, #tpu.memory_space<vmem>>)
      tpu.yield
    }) : () -> ()
    %iota3A = tpu.iota {dimensions = array<i32: 0>} : vector<16xi32>
    %get3A = arith.constant 0 : index
    %get3A_21 = tpu.vector_load %arg6[%get3A] {strides = array<i32>} : memref<256xi32, #tpu.memory_space<vmem>>, vector<16xi32>,
    %eq3A = arith.constant 0 : i32
    %eq3A_22 = vector.broadcast %eq3A : i32 to vector<16xi32>
    %eq3A_23 = arith.cmpi eq, %iota3A, %eq3A_22 : vector<16xi32>
    %jit3A_24 = arith.constant 0 : i32
    %broadcast_in_dim3A = vector.broadcast %jit3A_24 : i32 to vector<16xi32>
    %select_n3A_25 = arith.select %eq3A_23, %get3A_21, %broadcast_in_dim3A : vector<16xi1>, vector<16xi32>
    %reduce_max3A = arith.constant true
    %reduce_max3A_26 = vector.broadcast %reduce_max3A : i1 to vector<16xi1>
    %reduce_max3A_27 = arith.constant -2147483648 : i32
    %reduce_max3A_28 = vector.broadcast %reduce_max3A_27 : i32 to vector<16xi32>
    %reduce_max3A_29 = arith.xori %select_n3A_25, %reduce_max3A_28 : vector<16xi32>
    %reduce_max3A_30 = tpu.scan <max>, %reduce_max3A_29 masked %reduce_max3A_26 : vector<16xi32>, vector<16xi1> -> vector<16xi32>
    %reduce_max3A_31 = arith.xori %reduce_max3A_30, %reduce_max3A_28 : vector<16xi32>
    %reduce_max3A_32 = vector.extract %reduce_max3A_31[15] : i32 from vector<16xi32>
    %shift_right_arithmetic3A = arith.constant 7 : i32
    %shift_right_arithmetic3A_33 = arith.shrsi %reduce_max3A_32, %shift_right_arithmetic3A : i32
    %mul3A_34 = arith.constant 128 : i32
    %mul3A_35 = arith.muli %shift_right_arithmetic3A_33, %mul3A_34 : i32
    %multiple_of3A = tpu.assume_multiple %mul3A_35, 128 : i32
    %dma_start3A = arith.constant 0 : i32
    %dma_start3A_36 = arith.constant 0 : i32
    %dma_start3A_37 = arith.constant 0 : i32
    %dma_start3A_38 = tpu.memref_slice %arg7[%dma_start3A, %dma_start3A_36, %dma_start3A_37] : memref<8x64x128xf32, #tpu.memory_space<vmem>> -> memref<1x64x128xf32, #tpu.memory_space<vmem>>
    %dma_start3A_39 = tpu.memref_squeeze %dma_start3A_38 : memref<1x64x128xf32, #tpu.memory_space<vmem>> -> memref<64x128xf32, #tpu.memory_space<vmem>>
    %dma_start3A_40 = arith.constant 0 : i32
    %dma_start3A_41 = tpu.memref_slice %arg3[%dma_start3A_40, %multiple_of3A] : memref<64x1000000xf32, #tpu.memory_space<hbm>> -> memref<64x128xf32, #tpu.memory_space<hbm>>
    %dma_start3A_42 = arith.constant 0 : i32
    %dma_start3A_43 = arith.constant 0 : i32
    %dma_start3A_44 = tpu.memref_slice %arg7[%dma_start3A, %dma_start3A_42, %dma_start3A_43] : memref<8x64x128xf32, #tpu.memory_space<vmem>> -> memref<1x64x128xf32, #tpu.memory_space<vmem>>
    %dma_start3A_45 = tpu.memref_squeeze %dma_start3A_44 : memref<1x64x128xf32, #tpu.memory_space<vmem>> -> memref<64x128xf32, #tpu.memory_space<vmem>>
    %dma_start3A_46 = arith.constant 0 : i32
    %dma_start3A_47 = tpu.memref_slice %arg3[%dma_start3A_46, %multiple_of3A] : memref<64x1000000xf32, #tpu.memory_space<hbm>> -> memref<64x128xf32, #tpu.memory_space<hbm>>
    tpu.enqueue_dma source(%dma_start3A_47 : memref<64x128xf32, #tpu.memory_space<hbm>>) target(%dma_start3A_45 : memref<64x128xf32, #tpu.memory_space<vmem>>) target_semaphore(%arg10 : memref<!tpu.dma_semaphore, #tpu.memory_space<semaphore_mem>>)
    %get3A_48 = arith.constant 0 : index
    %get3A_49 = tpu.vector_load %arg6[%get3A_48] {strides = array<i32>} : memref<256xi32, #tpu.memory_space<vmem>>, vector<16xi32>,
    %eq3A_50 = arith.constant 1 : i32
    %eq3A_51 = vector.broadcast %eq3A_50 : i32 to vector<16xi32>
    %eq3A_52 = arith.cmpi eq, %iota3A, %eq3A_51 : vector<16xi32>
    %jit3A_53 = arith.constant 0 : i32
    %broadcast_in_dim3A_54 = vector.broadcast %jit3A_53 : i32 to vector<16xi32>
    %select_n3A_55 = arith.select %eq3A_52, %get3A_49, %broadcast_in_dim3A_54 : vector<16xi1>, vector<16xi32>
    %reduce_max3A_56 = arith.constant true
    %reduce_max3A_57 = vector.broadcast %reduce_max3A_56 : i1 to vector<16xi1>
    %reduce_max3A_58 = arith.constant -2147483648 : i32
    %reduce_max3A_59 = vector.broadcast %reduce_max3A_58 : i32 to vector<16xi32>
    %reduce_max3A_60 = arith.xori %select_n3A_55, %reduce_max3A_59 : vector<16xi32>
    %reduce_max3A_61 = tpu.scan <max>, %reduce_max3A_60 masked %reduce_max3A_57 : vector<16xi32>, vector<16xi1> -> vector<16xi32>
    %reduce_max3A_62 = arith.xori %reduce_max3A_61, %reduce_max3A_59 : vector<16xi32>
    %reduce_max3A_63 = vector.extract %reduce_max3A_62[15] : i32 from vector<16xi32>
    %shift_right_arithmetic3A_64 = arith.constant 7 : i32
    %shift_right_arithmetic3A_65 = arith.shrsi %reduce_max3A_63, %shift_right_arithmetic3A_64 : i32
    %mul3A_66 = arith.constant 128 : i32
    %mul3A_67 = arith.muli %shift_right_arithmetic3A_65, %mul3A_66 : i32
    %multiple_of3A_68 = tpu.assume_multiple %mul3A_67, 128 : i32
    %dma_start3A_69 = arith.constant 1 : i32
    %dma_start3A_70 = arith.constant 0 : i32
    %dma_start3A_71 = arith.constant 0 : i32
    %dma_start3A_72 = tpu.memref_slice %arg7[%dma_start3A_69, %dma_start3A_70, %dma_start3A_71] : memref<8x64x128xf32, #tpu.memory_space<vmem>> -> memref<1x64x128xf32, #tpu.memory_space<vmem>>
    %dma_start3A_73 = tpu.memref_squeeze %dma_start3A_72 : memref<1x64x128xf32, #tpu.memory_space<vmem>> -> memref<64x128xf32, #tpu.memory_space<vmem>>
    %dma_start3A_74 = arith.constant 0 : i32
    %dma_start3A_75 = tpu.memref_slice %arg3[%dma_start3A_74, %multiple_of3A_68] : memref<64x1000000xf32, #tpu.memory_space<hbm>> -> memref<64x128xf32, #tpu.memory_space<hbm>>
    %dma_start3A_76 = arith.constant 0 : i32
    %dma_start3A_77 = arith.constant 0 : i32
    %dma_start3A_78 = tpu.memref_slice %arg7[%dma_start3A_69, %dma_start3A_76, %dma_start3A_77] : memref<8x64x128xf32, #tpu.memory_space<vmem>> -> memref<1x64x128xf32, #tpu.memory_space<vmem>>
    %dma_start3A_79 = tpu.memref_squeeze %dma_start3A_78 : memref<1x64x128xf32, #tpu.memory_space<vmem>> -> memref<64x128xf32, #tpu.memory_space<vmem>>
    %dma_start3A_80 = arith.constant 0 : i32
    %dma_start3A_81 = tpu.memref_slice %arg3[%dma_start3A_80, %multiple_of3A_68] : memref<64x1000000xf32, #tpu.memory_space<hbm>> -> memref<64x128xf32, #tpu.memory_space<hbm>>
    tpu.enqueue_dma source(%dma_start3A_81 : memref<64x128xf32, #tpu.memory_space<hbm>>) target(%dma_start3A_79 : memref<64x128xf32, #tpu.memory_space<vmem>>) target_semaphore(%arg11 : memref<!tpu.dma_semaphore, #tpu.memory_space<semaphore_mem>>)
    %get3A_82 = arith.constant 0 : index
    %get3A_83 = tpu.vector_load %arg6[%get3A_82] {strides = array<i32>} : memref<256xi32, #tpu.memory_space<vmem>>, vector<16xi32>,
    %eq3A_84 = arith.constant 2 : i32
    %eq3A_85 = vector.broadcast %eq3A_84 : i32 to vector<16xi32>
    %eq3A_86 = arith.cmpi eq, %iota3A, %eq3A_85 : vector<16xi32>
    %jit3A_87 = arith.constant 0 : i32
    %broadcast_in_dim3A_88 = vector.broadcast %jit3A_87 : i32 to vector<16xi32>
    %select_n3A_89 = arith.select %eq3A_86, %get3A_83, %broadcast_in_dim3A_88 : vector<16xi1>, vector<16xi32>
    %reduce_max3A_90 = arith.constant true
    %reduce_max3A_91 = vector.broadcast %reduce_max3A_90 : i1 to vector<16xi1>
    %reduce_max3A_92 = arith.constant -2147483648 : i32
    %reduce_max3A_93 = vector.broadcast %reduce_max3A_92 : i32 to vector<16xi32>
    %reduce_max3A_94 = arith.xori %select_n3A_89, %reduce_max3A_93 : vector<16xi32>
    %reduce_max3A_95 = tpu.scan <max>, %reduce_max3A_94 masked %reduce_max3A_91 : vector<16xi32>, vector<16xi1> -> vector<16xi32>
    %reduce_max3A_96 = arith.xori %reduce_max3A_95, %reduce_max3A_93 : vector<16xi32>
    %reduce_max3A_97 = vector.extract %reduce_max3A_96[15] : i32 from vector<16xi32>
    %shift_right_arithmetic3A_98 = arith.constant 7 : i32
    %shift_right_arithmetic3A_99 = arith.shrsi %reduce_max3A_97, %shift_right_arithmetic3A_98 : i32
    %mul3A_100 = arith.constant 128 : i32
    %mul3A_101 = arith.muli %shift_right_arithmetic3A_99, %mul3A_100 : i32
    %multiple_of3A_102 = tpu.assume_multiple %mul3A_101, 128 : i32
    %dma_start3A_103 = arith.constant 2 : i32
    %dma_start3A_104 = arith.constant 0 : i32
    %dma_start3A_105 = arith.constant 0 : i32
    %dma_start3A_106 = tpu.memref_slice %arg7[%dma_start3A_103, %dma_start3A_104, %dma_start3A_105] : memref<8x64x128xf32, #tpu.memory_space<vmem>> -> memref<1x64x128xf32, #tpu.memory_space<vmem>>
    %dma_start3A_107 = tpu.memref_squeeze %dma_start3A_106 : memref<1x64x128xf32, #tpu.memory_space<vmem>> -> memref<64x128xf32, #tpu.memory_space<vmem>>
    %dma_start3A_108 = arith.constant 0 : i32
    %dma_start3A_109 = tpu.memref_slice %arg3[%dma_start3A_108, %multiple_of3A_102] : memref<64x1000000xf32, #tpu.memory_space<hbm>> -> memref<64x128xf32, #tpu.memory_space<hbm>>
    %dma_start3A_110 = arith.constant 0 : i32
    %dma_start3A_111 = arith.constant 0 : i32
    %dma_start3A_112 = tpu.memref_slice %arg7[%dma_start3A_103, %dma_start3A_110, %dma_start3A_111] : memref<8x64x128xf32, #tpu.memory_space<vmem>> -> memref<1x64x128xf32, #tpu.memory_space<vmem>>
    %dma_start3A_113 = tpu.memref_squeeze %dma_start3A_112 : memref<1x64x128xf32, #tpu.memory_space<vmem>> -> memref<64x128xf32, #tpu.memory_space<vmem>>
    %dma_start3A_114 = arith.constant 0 : i32
    %dma_start3A_115 = tpu.memref_slice %arg3[%dma_start3A_114, %multiple_of3A_102] : memref<64x1000000xf32, #tpu.memory_space<hbm>> -> memref<64x128xf32, #tpu.memory_space<hbm>>
    tpu.enqueue_dma source(%dma_start3A_115 : memref<64x128xf32, #tpu.memory_space<hbm>>) target(%dma_start3A_113 : memref<64x128xf32, #tpu.memory_space<vmem>>) target_semaphore(%arg12 : memref<!tpu.dma_semaphore, #tpu.memory_space<semaphore_mem>>)
    %get3A_116 = arith.constant 0 : index
    %get3A_117 = tpu.vector_load %arg6[%get3A_116] {strides = array<i32>} : memref<256xi32, #tpu.memory_space<vmem>>, vector<16xi32>,
    %eq3A_118 = arith.constant 3 : i32
    %eq3A_119 = vector.broadcast %eq3A_118 : i32 to vector<16xi32>
    %eq3A_120 = arith.cmpi eq, %iota3A, %eq3A_119 : vector<16xi32>
    %jit3A_121 = arith.constant 0 : i32
    %broadcast_in_dim3A_122 = vector.broadcast %jit3A_121 : i32 to vector<16xi32>
    %select_n3A_123 = arith.select %eq3A_120, %get3A_117, %broadcast_in_dim3A_122 : vector<16xi1>, vector<16xi32>
    %reduce_max3A_124 = arith.constant true
    %reduce_max3A_125 = vector.broadcast %reduce_max3A_124 : i1 to vector<16xi1>
    %reduce_max3A_126 = arith.constant -2147483648 : i32
    %reduce_max3A_127 = vector.broadcast %reduce_max3A_126 : i32 to vector<16xi32>
    %reduce_max3A_128 = arith.xori %select_n3A_123, %reduce_max3A_127 : vector<16xi32>
    %reduce_max3A_129 = tpu.scan <max>, %reduce_max3A_128 masked %reduce_max3A_125 : vector<16xi32>, vector<16xi1> -> vector<16xi32>
    %reduce_max3A_130 = arith.xori %reduce_max3A_129, %reduce_max3A_127 : vector<16xi32>
    %reduce_max3A_131 = vector.extract %reduce_max3A_130[15] : i32 from vector<16xi32>
    %shift_right_arithmetic3A_132 = arith.constant 7 : i32
    %shift_right_arithmetic3A_133 = arith.shrsi %reduce_max3A_131, %shift_right_arithmetic3A_132 : i32
    %mul3A_134 = arith.constant 128 : i32
    %mul3A_135 = arith.muli %shift_right_arithmetic3A_133, %mul3A_134 : i32
    %multiple_of3A_136 = tpu.assume_multiple %mul3A_135, 128 : i32
    %dma_start3A_137 = arith.constant 3 : i32
    %dma_start3A_138 = arith.constant 0 : i32
    %dma_start3A_139 = arith.constant 0 : i32
    %dma_start3A_140 = tpu.memref_slice %arg7[%dma_start3A_137, %dma_start3A_138, %dma_start3A_139] : memref<8x64x128xf32, #tpu.memory_space<vmem>> -> memref<1x64x128xf32, #tpu.memory_space<vmem>>
    %dma_start3A_141 = tpu.memref_squeeze %dma_start3A_140 : memref<1x64x128xf32, #tpu.memory_space<vmem>> -> memref<64x128xf32, #tpu.memory_space<vmem>>
    %dma_start3A_142 = arith.constant 0 : i32
    %dma_start3A_143 = tpu.memref_slice %arg3[%dma_start3A_142, %multiple_of3A_136] : memref<64x1000000xf32, #tpu.memory_space<hbm>> -> memref<64x128xf32, #tpu.memory_space<hbm>>
    %dma_start3A_144 = arith.constant 0 : i32
    %dma_start3A_145 = arith.constant 0 : i32
    %dma_start3A_146 = tpu.memref_slice %arg7[%dma_start3A_137, %dma_start3A_144, %dma_start3A_145] : memref<8x64x128xf32, #tpu.memory_space<vmem>> -> memref<1x64x128xf32, #tpu.memory_space<vmem>>
    %dma_start3A_147 = tpu.memref_squeeze %dma_start3A_146 : memref<1x64x128xf32, #tpu.memory_space<vmem>> -> memref<64x128xf32, #tpu.memory_space<vmem>>
    %dma_start3A_148 = arith.constant 0 : i32
    %dma_start3A_149 = tpu.memref_slice %arg3[%dma_start3A_148, %multiple_of3A_136] : memref<64x1000000xf32, #tpu.memory_space<hbm>> -> memref<64x128xf32, #tpu.memory_space<hbm>>
    tpu.enqueue_dma source(%dma_start3A_149 : memref<64x128xf32, #tpu.memory_space<hbm>>) target(%dma_start3A_147 : memref<64x128xf32, #tpu.memory_space<vmem>>) target_semaphore(%arg13 : memref<!tpu.dma_semaphore, #tpu.memory_space<semaphore_mem>>)
    %get3A_150 = arith.constant 0 : index
    %get3A_151 = tpu.vector_load %arg6[%get3A_150] {strides = array<i32>} : memref<256xi32, #tpu.memory_space<vmem>>, vector<16xi32>,
    %eq3A_152 = arith.constant 4 : i32
    %eq3A_153 = vector.broadcast %eq3A_152 : i32 to vector<16xi32>
    %eq3A_154 = arith.cmpi eq, %iota3A, %eq3A_153 : vector<16xi32>
    %jit3A_155 = arith.constant 0 : i32
    %broadcast_in_dim3A_156 = vector.broadcast %jit3A_155 : i32 to vector<16xi32>
    %select_n3A_157 = arith.select %eq3A_154, %get3A_151, %broadcast_in_dim3A_156 : vector<16xi1>, vector<16xi32>
    %reduce_max3A_158 = arith.constant true
    %reduce_max3A_159 = vector.broadcast %reduce_max3A_158 : i1 to vector<16xi1>
    %reduce_max3A_160 = arith.constant -2147483648 : i32
    %reduce_max3A_161 = vector.broadcast %reduce_max3A_160 : i32 to vector<16xi32>
    %reduce_max3A_162 = arith.xori %select_n3A_157, %reduce_max3A_161 : vector<16xi32>
    %reduce_max3A_163 = tpu.scan <max>, %reduce_max3A_162 masked %reduce_max3A_159 : vector<16xi32>, vector<16xi1> -> vector<16xi32>
    %reduce_max3A_164 = arith.xori %reduce_max3A_163, %reduce_max3A_161 : vector<16xi32>
    %reduce_max3A_165 = vector.extract %reduce_max3A_164[15] : i32 from vector<16xi32>
    %shift_right_arithmetic3A_166 = arith.constant 7 : i32
    %shift_right_arithmetic3A_167 = arith.shrsi %reduce_max3A_165, %shift_right_arithmetic3A_166 : i32
    %mul3A_168 = arith.constant 128 : i32
    %mul3A_169 = arith.muli %shift_right_arithmetic3A_167, %mul3A_168 : i32
    %multiple_of3A_170 = tpu.assume_multiple %mul3A_169, 128 : i32
    %dma_start3A_171 = arith.constant 4 : i32
    %dma_start3A_172 = arith.constant 0 : i32
    %dma_start3A_173 = arith.constant 0 : i32
    %dma_start3A_174 = tpu.memref_slice %arg7[%dma_start3A_171, %dma_start3A_172, %dma_start3A_173] : memref<8x64x128xf32, #tpu.memory_space<vmem>> -> memref<1x64x128xf32, #tpu.memory_space<vmem>>
    %dma_start3A_175 = tpu.memref_squeeze %dma_start3A_174 : memref<1x64x128xf32, #tpu.memory_space<vmem>> -> memref<64x128xf32, #tpu.memory_space<vmem>>
    %dma_start3A_176 = arith.constant 0 : i32
    %dma_start3A_177 = tpu.memref_slice %arg3[%dma_start3A_176, %multiple_of3A_170] : memref<64x1000000xf32, #tpu.memory_space<hbm>> -> memref<64x128xf32, #tpu.memory_space<hbm>>
    %dma_start3A_178 = arith.constant 0 : i32
    %dma_start3A_179 = arith.constant 0 : i32
    %dma_start3A_180 = tpu.memref_slice %arg7[%dma_start3A_171, %dma_start3A_178, %dma_start3A_179] : memref<8x64x128xf32, #tpu.memory_space<vmem>> -> memref<1x64x128xf32, #tpu.memory_space<vmem>>
    %dma_start3A_181 = tpu.memref_squeeze %dma_start3A_180 : memref<1x64x128xf32, #tpu.memory_space<vmem>> -> memref<64x128xf32, #tpu.memory_space<vmem>>
    %dma_start3A_182 = arith.constant 0 : i32
    %dma_start3A_183 = tpu.memref_slice %arg3[%dma_start3A_182, %multiple_of3A_170] : memref<64x1000000xf32, #tpu.memory_space<hbm>> -> memref<64x128xf32, #tpu.memory_space<hbm>>
    tpu.enqueue_dma source(%dma_start3A_183 : memref<64x128xf32, #tpu.memory_space<hbm>>) target(%dma_start3A_181 : memref<64x128xf32, #tpu.memory_space<vmem>>) target_semaphore(%arg14 : memref<!tpu.dma_semaphore, #tpu.memory_space<semaphore_mem>>)
    %get3A_184 = arith.constant 0 : index
    %get3A_185 = tpu.vector_load %arg6[%get3A_184] {strides = array<i32>} : memref<256xi32, #tpu.memory_space<vmem>>, vector<16xi32>,
    %eq3A_186 = arith.constant 5 : i32
    %eq3A_187 = vector.broadcast %eq3A_186 : i32 to vector<16xi32>
    %eq3A_188 = arith.cmpi eq, %iota3A, %eq3A_187 : vector<16xi32>
    %jit3A_189 = arith.constant 0 : i32
    %broadcast_in_dim3A_190 = vector.broadcast %jit3A_189 : i32 to vector<16xi32>
    %select_n3A_191 = arith.select %eq3A_188, %get3A_185, %broadcast_in_dim3A_190 : vector<16xi1>, vector<16xi32>
    %reduce_max3A_192 = arith.constant true
    %reduce_max3A_193 = vector.broadcast %reduce_max3A_192 : i1 to vector<16xi1>
    %reduce_max3A_194 = arith.constant -2147483648 : i32
    %reduce_max3A_195 = vector.broadcast %reduce_max3A_194 : i32 to vector<16xi32>
    %reduce_max3A_196 = arith.xori %select_n3A_191, %reduce_max3A_195 : vector<16xi32>
    %reduce_max3A_197 = tpu.scan <max>, %reduce_max3A_196 masked %reduce_max3A_193 : vector<16xi32>, vector<16xi1> -> vector<16xi32>
    %reduce_max3A_198 = arith.xori %reduce_max3A_197, %reduce_max3A_195 : vector<16xi32>
    %reduce_max3A_199 = vector.extract %reduce_max3A_198[15] : i32 from vector<16xi32>
    %shift_right_arithmetic3A_200 = arith.constant 7 : i32
    %shift_right_arithmetic3A_201 = arith.shrsi %reduce_max3A_199, %shift_right_arithmetic3A_200 : i32
    %mul3A_202 = arith.constant 128 : i32
    %mul3A_203 = arith.muli %shift_right_arithmetic3A_201, %mul3A_202 : i32
    %multiple_of3A_204 = tpu.assume_multiple %mul3A_203, 128 : i32
    %dma_start3A_205 = arith.constant 5 : i32
    %dma_start3A_206 = arith.constant 0 : i32
    %dma_start3A_207 = arith.constant 0 : i32
    %dma_start3A_208 = tpu.memref_slice %arg7[%dma_start3A_205, %dma_start3A_206, %dma_start3A_207] : memref<8x64x128xf32, #tpu.memory_space<vmem>> -> memref<1x64x128xf32, #tpu.memory_space<vmem>>
    %dma_start3A_209 = tpu.memref_squeeze %dma_start3A_208 : memref<1x64x128xf32, #tpu.memory_space<vmem>> -> memref<64x128xf32, #tpu.memory_space<vmem>>
    %dma_start3A_210 = arith.constant 0 : i32
    %dma_start3A_211 = tpu.memref_slice %arg3[%dma_start3A_210, %multiple_of3A_204] : memref<64x1000000xf32, #tpu.memory_space<hbm>> -> memref<64x128xf32, #tpu.memory_space<hbm>>
    %dma_start3A_212 = arith.constant 0 : i32
    %dma_start3A_213 = arith.constant 0 : i32
    %dma_start3A_214 = tpu.memref_slice %arg7[%dma_start3A_205, %dma_start3A_212, %dma_start3A_213] : memref<8x64x128xf32, #tpu.memory_space<vmem>> -> memref<1x64x128xf32, #tpu.memory_space<vmem>>
    %dma_start3A_215 = tpu.memref_squeeze %dma_start3A_214 : memref<1x64x128xf32, #tpu.memory_space<vmem>> -> memref<64x128xf32, #tpu.memory_space<vmem>>
    %dma_start3A_216 = arith.constant 0 : i32
    %dma_start3A_217 = tpu.memref_slice %arg3[%dma_start3A_216, %multiple_of3A_204] : memref<64x1000000xf32, #tpu.memory_space<hbm>> -> memref<64x128xf32, #tpu.memory_space<hbm>>
    tpu.enqueue_dma source(%dma_start3A_217 : memref<64x128xf32, #tpu.memory_space<hbm>>) target(%dma_start3A_215 : memref<64x128xf32, #tpu.memory_space<vmem>>) target_semaphore(%arg15 : memref<!tpu.dma_semaphore, #tpu.memory_space<semaphore_mem>>)
    %get3A_218 = arith.constant 0 : index
    %get3A_219 = tpu.vector_load %arg6[%get3A_218] {strides = array<i32>} : memref<256xi32, #tpu.memory_space<vmem>>, vector<16xi32>,
    %eq3A_220 = arith.constant 6 : i32
    %eq3A_221 = vector.broadcast %eq3A_220 : i32 to vector<16xi32>
    %eq3A_222 = arith.cmpi eq, %iota3A, %eq3A_221 : vector<16xi32>
    %jit3A_223 = arith.constant 0 : i32
    %broadcast_in_dim3A_224 = vector.broadcast %jit3A_223 : i32 to vector<16xi32>
    %select_n3A_225 = arith.select %eq3A_222, %get3A_219, %broadcast_in_dim3A_224 : vector<16xi1>, vector<16xi32>
    %reduce_max3A_226 = arith.constant true
    %reduce_max3A_227 = vector.broadcast %reduce_max3A_226 : i1 to vector<16xi1>
    %reduce_max3A_228 = arith.constant -2147483648 : i32
    %reduce_max3A_229 = vector.broadcast %reduce_max3A_228 : i32 to vector<16xi32>
    %reduce_max3A_230 = arith.xori %select_n3A_225, %reduce_max3A_229 : vector<16xi32>
    %reduce_max3A_231 = tpu.scan <max>, %reduce_max3A_230 masked %reduce_max3A_227 : vector<16xi32>, vector<16xi1> -> vector<16xi32>
    %reduce_max3A_232 = arith.xori %reduce_max3A_231, %reduce_max3A_229 : vector<16xi32>
    %reduce_max3A_233 = vector.extract %reduce_max3A_232[15] : i32 from vector<16xi32>
    %shift_right_arithmetic3A_234 = arith.constant 7 : i32
    %shift_right_arithmetic3A_235 = arith.shrsi %reduce_max3A_233, %shift_right_arithmetic3A_234 : i32
    %mul3A_236 = arith.constant 128 : i32
    %mul3A_237 = arith.muli %shift_right_arithmetic3A_235, %mul3A_236 : i32
    %multiple_of3A_238 = tpu.assume_multiple %mul3A_237, 128 : i32
    %dma_start3A_239 = arith.constant 6 : i32
    %dma_start3A_240 = arith.constant 0 : i32
    %dma_start3A_241 = arith.constant 0 : i32
    %dma_start3A_242 = tpu.memref_slice %arg7[%dma_start3A_239, %dma_start3A_240, %dma_start3A_241] : memref<8x64x128xf32, #tpu.memory_space<vmem>> -> memref<1x64x128xf32, #tpu.memory_space<vmem>>
    %dma_start3A_243 = tpu.memref_squeeze %dma_start3A_242 : memref<1x64x128xf32, #tpu.memory_space<vmem>> -> memref<64x128xf32, #tpu.memory_space<vmem>>
    %dma_start3A_244 = arith.constant 0 : i32
    %dma_start3A_245 = tpu.memref_slice %arg3[%dma_start3A_244, %multiple_of3A_238] : memref<64x1000000xf32, #tpu.memory_space<hbm>> -> memref<64x128xf32, #tpu.memory_space<hbm>>
    %dma_start3A_246 = arith.constant 0 : i32
    %dma_start3A_247 = arith.constant 0 : i32
    %dma_start3A_248 = tpu.memref_slice %arg7[%dma_start3A_239, %dma_start3A_246, %dma_start3A_247] : memref<8x64x128xf32, #tpu.memory_space<vmem>> -> memref<1x64x128xf32, #tpu.memory_space<vmem>>
    %dma_start3A_249 = tpu.memref_squeeze %dma_start3A_248 : memref<1x64x128xf32, #tpu.memory_space<vmem>> -> memref<64x128xf32, #tpu.memory_space<vmem>>
    %dma_start3A_250 = arith.constant 0 : i32
    %dma_start3A_251 = tpu.memref_slice %arg3[%dma_start3A_250, %multiple_of3A_238] : memref<64x1000000xf32, #tpu.memory_space<hbm>> -> memref<64x128xf32, #tpu.memory_space<hbm>>
    tpu.enqueue_dma source(%dma_start3A_251 : memref<64x128xf32, #tpu.memory_space<hbm>>) target(%dma_start3A_249 : memref<64x128xf32, #tpu.memory_space<vmem>>) target_semaphore(%arg16 : memref<!tpu.dma_semaphore, #tpu.memory_space<semaphore_mem>>)
    %get3A_252 = arith.constant 0 : index
    %get3A_253 = tpu.vector_load %arg6[%get3A_252] {strides = array<i32>} : memref<256xi32, #tpu.memory_space<vmem>>, vector<16xi32>,
    %eq3A_254 = arith.constant 7 : i32
    %eq3A_255 = vector.broadcast %eq3A_254 : i32 to vector<16xi32>
    %eq3A_256 = arith.cmpi eq, %iota3A, %eq3A_255 : vector<16xi32>
    %jit3A_257 = arith.constant 0 : i32
    %broadcast_in_dim3A_258 = vector.broadcast %jit3A_257 : i32 to vector<16xi32>
    %select_n3A_259 = arith.select %eq3A_256, %get3A_253, %broadcast_in_dim3A_258 : vector<16xi1>, vector<16xi32>
    %reduce_max3A_260 = arith.constant true
    %reduce_max3A_261 = vector.broadcast %reduce_max3A_260 : i1 to vector<16xi1>
    %reduce_max3A_262 = arith.constant -2147483648 : i32
    %reduce_max3A_263 = vector.broadcast %reduce_max3A_262 : i32 to vector<16xi32>
    %reduce_max3A_264 = arith.xori %select_n3A_259, %reduce_max3A_263 : vector<16xi32>
    %reduce_max3A_265 = tpu.scan <max>, %reduce_max3A_264 masked %reduce_max3A_261 : vector<16xi32>, vector<16xi1> -> vector<16xi32>
    %reduce_max3A_266 = arith.xori %reduce_max3A_265, %reduce_max3A_263 : vector<16xi32>
    %reduce_max3A_267 = vector.extract %reduce_max3A_266[15] : i32 from vector<16xi32>
    %shift_right_arithmetic3A_268 = arith.constant 7 : i32
    %shift_right_arithmetic3A_269 = arith.shrsi %reduce_max3A_267, %shift_right_arithmetic3A_268 : i32
    %mul3A_270 = arith.constant 128 : i32
    %mul3A_271 = arith.muli %shift_right_arithmetic3A_269, %mul3A_270 : i32
    %multiple_of3A_272 = tpu.assume_multiple %mul3A_271, 128 : i32
    %dma_start3A_273 = arith.constant 7 : i32
    %dma_start3A_274 = arith.constant 0 : i32
    %dma_start3A_275 = arith.constant 0 : i32
    %dma_start3A_276 = tpu.memref_slice %arg7[%dma_start3A_273, %dma_start3A_274, %dma_start3A_275] : memref<8x64x128xf32, #tpu.memory_space<vmem>> -> memref<1x64x128xf32, #tpu.memory_space<vmem>>
    %dma_start3A_277 = tpu.memref_squeeze %dma_start3A_276 : memref<1x64x128xf32, #tpu.memory_space<vmem>> -> memref<64x128xf32, #tpu.memory_space<vmem>>
    %dma_start3A_278 = arith.constant 0 : i32
    %dma_start3A_279 = tpu.memref_slice %arg3[%dma_start3A_278, %multiple_of3A_272] : memref<64x1000000xf32, #tpu.memory_space<hbm>> -> memref<64x128xf32, #tpu.memory_space<hbm>>
    %dma_start3A_280 = arith.constant 0 : i32
    %dma_start3A_281 = arith.constant 0 : i32
    %dma_start3A_282 = tpu.memref_slice %arg7[%dma_start3A_273, %dma_start3A_280, %dma_start3A_281] : memref<8x64x128xf32, #tpu.memory_space<vmem>> -> memref<1x64x128xf32, #tpu.memory_space<vmem>>
    %dma_start3A_283 = tpu.memref_squeeze %dma_start3A_282 : memref<1x64x128xf32, #tpu.memory_space<vmem>> -> memref<64x128xf32, #tpu.memory_space<vmem>>
    %dma_start3A_284 = arith.constant 0 : i32
    %dma_start3A_285 = tpu.memref_slice %arg3[%dma_start3A_284, %multiple_of3A_272] : memref<64x1000000xf32, #tpu.memory_space<hbm>> -> memref<64x128xf32, #tpu.memory_space<hbm>>
    tpu.enqueue_dma source(%dma_start3A_285 : memref<64x128xf32, #tpu.memory_space<hbm>>) target(%dma_start3A_283 : memref<64x128xf32, #tpu.memory_space<vmem>>) target_semaphore(%arg17 : memref<!tpu.dma_semaphore, #tpu.memory_space<semaphore_mem>>)
    %scan3A = arith.constant 0 : i32
    %scan3A_286 = arith.constant 0 : i32
    %scan3A_287 = arith.constant 32 : i32
    %scan3A_288 = arith.addi %scan3A_286, %scan3A_287 : i32
    %scan3A_289 = arith.constant 1 : i32
    scf.for %scan3A_291 = %scan3A_286 to %scan3A_288 step %scan3A_289  : i32 {
      %mul3A_292 = arith.constant 8 : i32
      %mul3A_293 = arith.muli %scan3A_291, %mul3A_292 : i32
      %add3A_294 = arith.constant 0 : i32
      %add3A_295 = arith.addi %mul3A_293, %add3A_294 : i32
      %dma_wait3A = arith.constant 0 : i32
      %dma_wait3A_296 = arith.constant 0 : i32
      %dma_wait3A_297 = arith.constant 0 : i32
      %dma_wait3A_298 = tpu.memref_slice %arg7[%dma_wait3A, %dma_wait3A_296, %dma_wait3A_297] : memref<8x64x128xf32, #tpu.memory_space<vmem>> -> memref<1x64x128xf32, #tpu.memory_space<vmem>>
      %dma_wait3A_299 = tpu.memref_squeeze %dma_wait3A_298 : memref<1x64x128xf32, #tpu.memory_space<vmem>> -> memref<64x128xf32, #tpu.memory_space<vmem>>
      %dma_wait3A_300 = arith.constant 0 : i32
      %dma_wait3A_301 = arith.constant 0 : i32
      %dma_wait3A_302 = tpu.memref_slice %arg3[%dma_wait3A_300, %dma_wait3A_301] : memref<64x1000000xf32, #tpu.memory_space<hbm>> -> memref<64x128xf32, #tpu.memory_space<hbm>>
      %dma_wait3A_303 = arith.constant 0 : i32
      %dma_wait3A_304 = arith.constant 0 : i32
      %dma_wait3A_305 = tpu.memref_slice %arg7[%dma_wait3A, %dma_wait3A_303, %dma_wait3A_304] : memref<8x64x128xf32, #tpu.memory_space<vmem>> -> memref<1x64x128xf32, #tpu.memory_space<vmem>>
      %dma_wait3A_306 = tpu.memref_squeeze %dma_wait3A_305 : memref<1x64x128xf32, #tpu.memory_space<vmem>> -> memref<64x128xf32, #tpu.memory_space<vmem>>
      %dma_wait3A_307 = arith.constant 0 : i32
      %dma_wait3A_308 = arith.constant 0 : i32
      %dma_wait3A_309 = tpu.memref_slice %arg3[%dma_wait3A_307, %dma_wait3A_308] : memref<64x1000000xf32, #tpu.memory_space<hbm>> -> memref<64x128xf32, #tpu.memory_space<hbm>>
      tpu.wait_dma2 semaphore(%arg10 : memref<!tpu.dma_semaphore, #tpu.memory_space<semaphore_mem>>) src(%dma_wait3A_309 : memref<64x128xf32, #tpu.memory_space<hbm>>) dst(%dma_wait3A_306 : memref<64x128xf32, #tpu.memory_space<vmem>>)
      %jit3A_310 = arith.constant 16 : i32
      %div3A_311 = arith.divsi %add3A_295, %jit3A_310 : i32
      %sign3A_312 = arith.constant 0 : i32
      %sign3A_313 = arith.cmpi sgt, %add3A_295, %sign3A_312 : i32
      %sign3A_314 = arith.extui %sign3A_313 : i1 to i32
      %sign3A_315 = arith.constant 0 : i32
      %sign3A_316 = arith.cmpi slt, %add3A_295, %sign3A_315 : i32
      %sign3A_317 = arith.extui %sign3A_316 : i1 to i32
      %sign3A_318 = arith.subi %sign3A_314, %sign3A_317 : i32
      %sign3A_319 = arith.constant 0 : i32
      %sign3A_320 = arith.cmpi sgt, %jit3A_310, %sign3A_319 : i32
      %sign3A_321 = arith.extui %sign3A_320 : i1 to i32
      %sign3A_322 = arith.constant 0 : i32
      %sign3A_323 = arith.cmpi slt, %jit3A_310, %sign3A_322 : i32
      %sign3A_324 = arith.extui %sign3A_323 : i1 to i32
      %sign3A_325 = arith.subi %sign3A_321, %sign3A_324 : i32
      %ne3A_326 = arith.cmpi ne, %sign3A_318, %sign3A_325 : i32
      %rem3A_327 = arith.remsi %add3A_295, %jit3A_310 : i32
      %ne3A_328 = arith.constant 0 : i32
      %ne3A_329 = arith.cmpi ne, %rem3A_327, %ne3A_328 : i32
      %and3A_330 = arith.andi %ne3A_326, %ne3A_329 : i1
      %sub3A_331 = arith.constant 1 : i32
      %sub3A_332 = arith.subi %div3A_311, %sub3A_331 : i32
      %select_n3A_333 = arith.select %and3A_330, %sub3A_332, %div3A_311 : i32
      %mul3A_334 = arith.constant 16 : i32
      %mul3A_335 = arith.muli %select_n3A_333, %mul3A_334 : i32
      %get3A_336 = arith.index_cast %mul3A_335 : i32 to index
      %get3A_337 = tpu.vector_load %arg6[%get3A_336] {strides = array<i32>} : memref<256xi32, #tpu.memory_space<vmem>>, vector<16xi32>,
      %jit3A_338 = arith.constant 16 : i32
      %eq3A_339 = arith.constant 0 : i32
      %eq3A_340 = arith.cmpi eq, %jit3A_338, %eq3A_339 : i32
      %jit3A_341 = arith.constant 1 : i32
      %select_n3A_342 = arith.select %eq3A_340, %jit3A_341, %jit3A_338 : i32
      %rem3A_343 = arith.remsi %add3A_295, %select_n3A_342 : i32
      %ne3A_344 = arith.constant 0 : i32
      %ne3A_345 = arith.cmpi ne, %rem3A_343, %ne3A_344 : i32
      %lt3A = arith.constant 0 : i32
      %lt3A_346 = arith.cmpi slt, %rem3A_343, %lt3A : i32
      %lt3A_347 = arith.constant 0 : i32
      %lt3A_348 = arith.cmpi slt, %select_n3A_342, %lt3A_347 : i32
      %ne3A_349 = arith.xori %lt3A_346, %lt3A_348 : i1
      %and3A_350 = arith.andi %ne3A_349, %ne3A_345 : i1
      %add3A_351 = arith.addi %rem3A_343, %select_n3A_342 : i32
      %select_n3A_352 = arith.select %and3A_350, %add3A_351, %rem3A_343 : i32
      %eq3A_353 = vector.broadcast %select_n3A_352 : i32 to vector<16xi32>
      %eq3A_354 = arith.cmpi eq, %iota3A, %eq3A_353 : vector<16xi32>
      %jit3A_355 = arith.constant 0 : i32
      %broadcast_in_dim3A_356 = vector.broadcast %jit3A_355 : i32 to vector<16xi32>
      %select_n3A_357 = arith.select %eq3A_354, %get3A_337, %broadcast_in_dim3A_356 : vector<16xi1>, vector<16xi32>
      %reduce_max3A_358 = arith.constant true
      %reduce_max3A_359 = vector.broadcast %reduce_max3A_358 : i1 to vector<16xi1>
      %reduce_max3A_360 = arith.constant -2147483648 : i32
      %reduce_max3A_361 = vector.broadcast %reduce_max3A_360 : i32 to vector<16xi32>
      %reduce_max3A_362 = arith.xori %select_n3A_357, %reduce_max3A_361 : vector<16xi32>
      %reduce_max3A_363 = tpu.scan <max>, %reduce_max3A_362 masked %reduce_max3A_359 : vector<16xi32>, vector<16xi1> -> vector<16xi32>
      %reduce_max3A_364 = arith.xori %reduce_max3A_363, %reduce_max3A_361 : vector<16xi32>
      %reduce_max3A_365 = vector.extract %reduce_max3A_364[15] : i32 from vector<16xi32>
      %broadcast_in_dim3A_366 = vector.broadcast %add3A_295 : i32 to vector<16xi32>
      %and3A_367 = arith.constant 127 : i32
      %and3A_368 = arith.andi %reduce_max3A_365, %and3A_367 : i32
      %broadcast_in_dim3A_369 = vector.broadcast %and3A_368 : i32 to vector<16xi32>
      %broadcast_in_dim3A_370 = arith.constant 0 : i32
      %broadcast_in_dim3A_371 = vector.broadcast %broadcast_in_dim3A_370 : i32 to vector<16xi32>
      %add3A_372 = arith.constant 0 : i32
      %add3A_373 = vector.broadcast %add3A_372 : i32 to vector<16xi32>
      %add3A_374 = arith.addi %add3A_373, %iota3A : vector<16xi32>
      %gather3A = tpu.vector_load_idx %arg7[%broadcast_in_dim3A_371, %add3A_374, %broadcast_in_dim3A_369] : memref<8x64x128xf32, #tpu.memory_space<vmem>>[vector<16xi32>, vector<16xi32>, vector<16xi32>], vector<16xf32>,
      %add3A_375 = arith.constant 0 : i32
      %add3A_376 = vector.broadcast %add3A_375 : i32 to vector<16xi32>
      %add3A_377 = arith.addi %add3A_376, %iota3A : vector<16xi32>
      %gather3A_378 = tpu.vector_load_idx %arg9[%add3A_377, %broadcast_in_dim3A_366] : memref<64x256xf32, #tpu.memory_space<vmem>>[vector<16xi32>, vector<16xi32>], vector<16xf32>,
      %add3A_379 = arith.constant 0 : i32
      %add3A_380 = vector.broadcast %add3A_379 : i32 to vector<16xi32>
      %add3A_381 = arith.addi %add3A_380, %iota3A : vector<16xi32>
      %add3A_382 = arith.addf %gather3A, %gather3A_378 : vector<16xf32>
      tpu.vector_store_idx %arg8[%add3A_381, %broadcast_in_dim3A_366], %add3A_382 : memref<64x256xf32, #tpu.memory_space<vmem>>[vector<16xi32>, vector<16xi32>], vector<16xf32>,
      %broadcast_in_dim3A_383 = arith.constant 0 : i32
      %broadcast_in_dim3A_384 = vector.broadcast %broadcast_in_dim3A_383 : i32 to vector<16xi32>
      %add3A_385 = arith.constant 16 : i32
      %add3A_386 = vector.broadcast %add3A_385 : i32 to vector<16xi32>
      %add3A_387 = arith.addi %add3A_386, %iota3A : vector<16xi32>
      %gather3A_388 = tpu.vector_load_idx %arg7[%broadcast_in_dim3A_384, %add3A_387, %broadcast_in_dim3A_369] : memref<8x64x128xf32, #tpu.memory_space<vmem>>[vector<16xi32>, vector<16xi32>, vector<16xi32>], vector<16xf32>,
      %add3A_389 = arith.constant 16 : i32
      %add3A_390 = vector.broadcast %add3A_389 : i32 to vector<16xi32>
      %add3A_391 = arith.addi %add3A_390, %iota3A : vector<16xi32>
      %gather3A_392 = tpu.vector_load_idx %arg9[%add3A_391, %broadcast_in_dim3A_366] : memref<64x256xf32, #tpu.memory_space<vmem>>[vector<16xi32>, vector<16xi32>], vector<16xf32>,
      %add3A_393 = arith.constant 16 : i32
      %add3A_394 = vector.broadcast %add3A_393 : i32 to vector<16xi32>
      %add3A_395 = arith.addi %add3A_394, %iota3A : vector<16xi32>
      %add3A_396 = arith.addf %gather3A_388, %gather3A_392 : vector<16xf32>
      tpu.vector_store_idx %arg8[%add3A_395, %broadcast_in_dim3A_366], %add3A_396 : memref<64x256xf32, #tpu.memory_space<vmem>>[vector<16xi32>, vector<16xi32>], vector<16xf32>,
      %broadcast_in_dim3A_397 = arith.constant 0 : i32
      %broadcast_in_dim3A_398 = vector.broadcast %broadcast_in_dim3A_397 : i32 to vector<16xi32>
      %add3A_399 = arith.constant 32 : i32
      %add3A_400 = vector.broadcast %add3A_399 : i32 to vector<16xi32>
      %add3A_401 = arith.addi %add3A_400, %iota3A : vector<16xi32>
      %gather3A_402 = tpu.vector_load_idx %arg7[%broadcast_in_dim3A_398, %add3A_401, %broadcast_in_dim3A_369] : memref<8x64x128xf32, #tpu.memory_space<vmem>>[vector<16xi32>, vector<16xi32>, vector<16xi32>], vector<16xf32>,
      %add3A_403 = arith.constant 32 : i32
      %add3A_404 = vector.broadcast %add3A_403 : i32 to vector<16xi32>
      %add3A_405 = arith.addi %add3A_404, %iota3A : vector<16xi32>
      %gather3A_406 = tpu.vector_load_idx %arg9[%add3A_405, %broadcast_in_dim3A_366] : memref<64x256xf32, #tpu.memory_space<vmem>>[vector<16xi32>, vector<16xi32>], vector<16xf32>,
      %add3A_407 = arith.constant 32 : i32
      %add3A_408 = vector.broadcast %add3A_407 : i32 to vector<16xi32>
      %add3A_409 = arith.addi %add3A_408, %iota3A : vector<16xi32>
      %add3A_410 = arith.addf %gather3A_402, %gather3A_406 : vector<16xf32>
      tpu.vector_store_idx %arg8[%add3A_409, %broadcast_in_dim3A_366], %add3A_410 : memref<64x256xf32, #tpu.memory_space<vmem>>[vector<16xi32>, vector<16xi32>], vector<16xf32>,
      %broadcast_in_dim3A_411 = arith.constant 0 : i32
      %broadcast_in_dim3A_412 = vector.broadcast %broadcast_in_dim3A_411 : i32 to vector<16xi32>
      %add3A_413 = arith.constant 48 : i32
      %add3A_414 = vector.broadcast %add3A_413 : i32 to vector<16xi32>
      %add3A_415 = arith.addi %add3A_414, %iota3A : vector<16xi32>
      %gather3A_416 = tpu.vector_load_idx %arg7[%broadcast_in_dim3A_412, %add3A_415, %broadcast_in_dim3A_369] : memref<8x64x128xf32, #tpu.memory_space<vmem>>[vector<16xi32>, vector<16xi32>, vector<16xi32>], vector<16xf32>,
      %add3A_417 = arith.constant 48 : i32
      %add3A_418 = vector.broadcast %add3A_417 : i32 to vector<16xi32>
      %add3A_419 = arith.addi %add3A_418, %iota3A : vector<16xi32>
      %gather3A_420 = tpu.vector_load_idx %arg9[%add3A_419, %broadcast_in_dim3A_366] : memref<64x256xf32, #tpu.memory_space<vmem>>[vector<16xi32>, vector<16xi32>], vector<16xf32>,
      %add3A_421 = arith.constant 48 : i32
      %add3A_422 = vector.broadcast %add3A_421 : i32 to vector<16xi32>
      %add3A_423 = arith.addi %add3A_422, %iota3A : vector<16xi32>
      %add3A_424 = arith.addf %gather3A_416, %gather3A_420 : vector<16xf32>
      tpu.vector_store_idx %arg8[%add3A_423, %broadcast_in_dim3A_366], %add3A_424 : memref<64x256xf32, #tpu.memory_space<vmem>>[vector<16xi32>, vector<16xi32>], vector<16xf32>,
      %add3A_425 = arith.constant 8 : i32
      %add3A_426 = arith.addi %add3A_295, %add3A_425 : i32
      %lt3A_427 = arith.constant 256 : i32
      %lt3A_428 = arith.cmpi slt, %add3A_426, %lt3A_427 : i32
      %convert_element_type3A = arith.extui %lt3A_428 : i1 to i32
      %cond3A = arith.constant 0 : i32
      %cond3A_429 = arith.cmpi ne, %convert_element_type3A, %cond3A : i32
      scf.if %cond3A_429 {
        %add3A_1431 = arith.constant 8 : i32
        %add3A_1432 = arith.addi %add3A_295, %add3A_1431 : i32
        %jit3A_1433 = arith.constant 16 : i32
        %div3A_1434 = arith.divsi %add3A_1432, %jit3A_1433 : i32
        %sign3A_1435 = arith.constant 0 : i32
        %sign3A_1436 = arith.cmpi sgt, %add3A_1432, %sign3A_1435 : i32
        %sign3A_1437 = arith.extui %sign3A_1436 : i1 to i32
        %sign3A_1438 = arith.constant 0 : i32
        %sign3A_1439 = arith.cmpi slt, %add3A_1432, %sign3A_1438 : i32
        %sign3A_1440 = arith.extui %sign3A_1439 : i1 to i32
        %sign3A_1441 = arith.subi %sign3A_1437, %sign3A_1440 : i32
        %sign3A_1442 = arith.constant 0 : i32
        %sign3A_1443 = arith.cmpi sgt, %jit3A_1433, %sign3A_1442 : i32
        %sign3A_1444 = arith.extui %sign3A_1443 : i1 to i32
        %sign3A_1445 = arith.constant 0 : i32
        %sign3A_1446 = arith.cmpi slt, %jit3A_1433, %sign3A_1445 : i32
        %sign3A_1447 = arith.extui %sign3A_1446 : i1 to i32
        %sign3A_1448 = arith.subi %sign3A_1444, %sign3A_1447 : i32
        %ne3A_1449 = arith.cmpi ne, %sign3A_1441, %sign3A_1448 : i32
        %rem3A_1450 = arith.remsi %add3A_1432, %jit3A_1433 : i32
        %ne3A_1451 = arith.constant 0 : i32
        %ne3A_1452 = arith.cmpi ne, %rem3A_1450, %ne3A_1451 : i32
        %and3A_1453 = arith.andi %ne3A_1449, %ne3A_1452 : i1
        %sub3A_1454 = arith.constant 1 : i32
        %sub3A_1455 = arith.subi %div3A_1434, %sub3A_1454 : i32
        %select_n3A_1456 = arith.select %and3A_1453, %sub3A_1455, %div3A_1434 : i32
        %mul3A_1457 = arith.constant 16 : i32
        %mul3A_1458 = arith.muli %select_n3A_1456, %mul3A_1457 : i32
        %get3A_1459 = arith.index_cast %mul3A_1458 : i32 to index
        %get3A_1460 = tpu.vector_load %arg6[%get3A_1459] {strides = array<i32>} : memref<256xi32, #tpu.memory_space<vmem>>, vector<16xi32>,
        %jit3A_1461 = arith.constant 16 : i32
        %eq3A_1462 = arith.constant 0 : i32
        %eq3A_1463 = arith.cmpi eq, %jit3A_1461, %eq3A_1462 : i32
        %jit3A_1464 = arith.constant 1 : i32
        %select_n3A_1465 = arith.select %eq3A_1463, %jit3A_1464, %jit3A_1461 : i32
        %rem3A_1466 = arith.remsi %add3A_1432, %select_n3A_1465 : i32
        %ne3A_1467 = arith.constant 0 : i32
        %ne3A_1468 = arith.cmpi ne, %rem3A_1466, %ne3A_1467 : i32
        %lt3A_1469 = arith.constant 0 : i32
        %lt3A_1470 = arith.cmpi slt, %rem3A_1466, %lt3A_1469 : i32
        %lt3A_1471 = arith.constant 0 : i32
        %lt3A_1472 = arith.cmpi slt, %select_n3A_1465, %lt3A_1471 : i32
        %ne3A_1473 = arith.xori %lt3A_1470, %lt3A_1472 : i1
        %and3A_1474 = arith.andi %ne3A_1473, %ne3A_1468 : i1
        %add3A_1475 = arith.addi %rem3A_1466, %select_n3A_1465 : i32
        %select_n3A_1476 = arith.select %and3A_1474, %add3A_1475, %rem3A_1466 : i32
        %eq3A_1477 = vector.broadcast %select_n3A_1476 : i32 to vector<16xi32>
        %eq3A_1478 = arith.cmpi eq, %iota3A, %eq3A_1477 : vector<16xi32>
        %jit3A_1479 = arith.constant 0 : i32
        %broadcast_in_dim3A_1480 = vector.broadcast %jit3A_1479 : i32 to vector<16xi32>
        %select_n3A_1481 = arith.select %eq3A_1478, %get3A_1460, %broadcast_in_dim3A_1480 : vector<16xi1>, vector<16xi32>
        %reduce_max3A_1482 = arith.constant true
        %reduce_max3A_1483 = vector.broadcast %reduce_max3A_1482 : i1 to vector<16xi1>
        %reduce_max3A_1484 = arith.constant -2147483648 : i32
        %reduce_max3A_1485 = vector.broadcast %reduce_max3A_1484 : i32 to vector<16xi32>
        %reduce_max3A_1486 = arith.xori %select_n3A_1481, %reduce_max3A_1485 : vector<16xi32>
        %reduce_max3A_1487 = tpu.scan <max>, %reduce_max3A_1486 masked %reduce_max3A_1483 : vector<16xi32>, vector<16xi1> -> vector<16xi32>
        %reduce_max3A_1488 = arith.xori %reduce_max3A_1487, %reduce_max3A_1485 : vector<16xi32>
        %reduce_max3A_1489 = vector.extract %reduce_max3A_1488[15] : i32 from vector<16xi32>
        %shift_right_arithmetic3A_1490 = arith.constant 7 : i32
        %shift_right_arithmetic3A_1491 = arith.shrsi %reduce_max3A_1489, %shift_right_arithmetic3A_1490 : i32
        %mul3A_1492 = arith.constant 128 : i32
        %mul3A_1493 = arith.muli %shift_right_arithmetic3A_1491, %mul3A_1492 : i32
        %multiple_of3A_1494 = tpu.assume_multiple %mul3A_1493, 128 : i32
        %dma_start3A_1495 = arith.constant 0 : i32
        %dma_start3A_1496 = arith.constant 0 : i32
        %dma_start3A_1497 = arith.constant 0 : i32
        %dma_start3A_1498 = tpu.memref_slice %arg7[%dma_start3A_1495, %dma_start3A_1496, %dma_start3A_1497] : memref<8x64x128xf32, #tpu.memory_space<vmem>> -> memref<1x64x128xf32, #tpu.memory_space<vmem>>
        %dma_start3A_1499 = tpu.memref_squeeze %dma_start3A_1498 : memref<1x64x128xf32, #tpu.memory_space<vmem>> -> memref<64x128xf32, #tpu.memory_space<vmem>>
        %dma_start3A_1500 = arith.constant 0 : i32
        %dma_start3A_1501 = tpu.memref_slice %arg3[%dma_start3A_1500, %multiple_of3A_1494] : memref<64x1000000xf32, #tpu.memory_space<hbm>> -> memref<64x128xf32, #tpu.memory_space<hbm>>
        %dma_start3A_1502 = arith.constant 0 : i32
        %dma_start3A_1503 = arith.constant 0 : i32
        %dma_start3A_1504 = tpu.memref_slice %arg7[%dma_start3A_1495, %dma_start3A_1502, %dma_start3A_1503] : memref<8x64x128xf32, #tpu.memory_space<vmem>> -> memref<1x64x128xf32, #tpu.memory_space<vmem>>
        %dma_start3A_1505 = tpu.memref_squeeze %dma_start3A_1504 : memref<1x64x128xf32, #tpu.memory_space<vmem>> -> memref<64x128xf32, #tpu.memory_space<vmem>>
        %dma_start3A_1506 = arith.constant 0 : i32
        %dma_start3A_1507 = tpu.memref_slice %arg3[%dma_start3A_1506, %multiple_of3A_1494] : memref<64x1000000xf32, #tpu.memory_space<hbm>> -> memref<64x128xf32, #tpu.memory_space<hbm>>
        tpu.enqueue_dma source(%dma_start3A_1507 : memref<64x128xf32, #tpu.memory_space<hbm>>) target(%dma_start3A_1505 : memref<64x128xf32, #tpu.memory_space<vmem>>) target_semaphore(%arg10 : memref<!tpu.dma_semaphore, #tpu.memory_space<semaphore_mem>>)
      } else {
      }
      %mul3A_430 = arith.constant 8 : i32
      %mul3A_431 = arith.muli %scan3A_291, %mul3A_430 : i32
      %add3A_432 = arith.constant 1 : i32
      %add3A_433 = arith.addi %mul3A_431, %add3A_432 : i32
      %dma_wait3A_434 = arith.constant 1 : i32
      %dma_wait3A_435 = arith.constant 0 : i32
      %dma_wait3A_436 = arith.constant 0 : i32
      %dma_wait3A_437 = tpu.memref_slice %arg7[%dma_wait3A_434, %dma_wait3A_435, %dma_wait3A_436] : memref<8x64x128xf32, #tpu.memory_space<vmem>> -> memref<1x64x128xf32, #tpu.memory_space<vmem>>
      %dma_wait3A_438 = tpu.memref_squeeze %dma_wait3A_437 : memref<1x64x128xf32, #tpu.memory_space<vmem>> -> memref<64x128xf32, #tpu.memory_space<vmem>>
      %dma_wait3A_439 = arith.constant 0 : i32
      %dma_wait3A_440 = arith.constant 0 : i32
      %dma_wait3A_441 = tpu.memref_slice %arg3[%dma_wait3A_439, %dma_wait3A_440] : memref<64x1000000xf32, #tpu.memory_space<hbm>> -> memref<64x128xf32, #tpu.memory_space<hbm>>
      %dma_wait3A_442 = arith.constant 0 : i32
      %dma_wait3A_443 = arith.constant 0 : i32
      %dma_wait3A_444 = tpu.memref_slice %arg7[%dma_wait3A_434, %dma_wait3A_442, %dma_wait3A_443] : memref<8x64x128xf32, #tpu.memory_space<vmem>> -> memref<1x64x128xf32, #tpu.memory_space<vmem>>
      %dma_wait3A_445 = tpu.memref_squeeze %dma_wait3A_444 : memref<1x64x128xf32, #tpu.memory_space<vmem>> -> memref<64x128xf32, #tpu.memory_space<vmem>>
      %dma_wait3A_446 = arith.constant 0 : i32
      %dma_wait3A_447 = arith.constant 0 : i32
      %dma_wait3A_448 = tpu.memref_slice %arg3[%dma_wait3A_446, %dma_wait3A_447] : memref<64x1000000xf32, #tpu.memory_space<hbm>> -> memref<64x128xf32, #tpu.memory_space<hbm>>
      tpu.wait_dma2 semaphore(%arg11 : memref<!tpu.dma_semaphore, #tpu.memory_space<semaphore_mem>>) src(%dma_wait3A_448 : memref<64x128xf32, #tpu.memory_space<hbm>>) dst(%dma_wait3A_445 : memref<64x128xf32, #tpu.memory_space<vmem>>)
      %jit3A_449 = arith.constant 16 : i32
      %div3A_450 = arith.divsi %add3A_433, %jit3A_449 : i32
      %sign3A_451 = arith.constant 0 : i32
      %sign3A_452 = arith.cmpi sgt, %add3A_433, %sign3A_451 : i32
      %sign3A_453 = arith.extui %sign3A_452 : i1 to i32
      %sign3A_454 = arith.constant 0 : i32
      %sign3A_455 = arith.cmpi slt, %add3A_433, %sign3A_454 : i32
      %sign3A_456 = arith.extui %sign3A_455 : i1 to i32
      %sign3A_457 = arith.subi %sign3A_453, %sign3A_456 : i32
      %sign3A_458 = arith.constant 0 : i32
      %sign3A_459 = arith.cmpi sgt, %jit3A_449, %sign3A_458 : i32
      %sign3A_460 = arith.extui %sign3A_459 : i1 to i32
      %sign3A_461 = arith.constant 0 : i32
      %sign3A_462 = arith.cmpi slt, %jit3A_449, %sign3A_461 : i32
      %sign3A_463 = arith.extui %sign3A_462 : i1 to i32
      %sign3A_464 = arith.subi %sign3A_460, %sign3A_463 : i32
      %ne3A_465 = arith.cmpi ne, %sign3A_457, %sign3A_464 : i32
      %rem3A_466 = arith.remsi %add3A_433, %jit3A_449 : i32
      %ne3A_467 = arith.constant 0 : i32
      %ne3A_468 = arith.cmpi ne, %rem3A_466, %ne3A_467 : i32
      %and3A_469 = arith.andi %ne3A_465, %ne3A_468 : i1
      %sub3A_470 = arith.constant 1 : i32
      %sub3A_471 = arith.subi %div3A_450, %sub3A_470 : i32
      %select_n3A_472 = arith.select %and3A_469, %sub3A_471, %div3A_450 : i32
      %mul3A_473 = arith.constant 16 : i32
      %mul3A_474 = arith.muli %select_n3A_472, %mul3A_473 : i32
      %get3A_475 = arith.index_cast %mul3A_474 : i32 to index
      %get3A_476 = tpu.vector_load %arg6[%get3A_475] {strides = array<i32>} : memref<256xi32, #tpu.memory_space<vmem>>, vector<16xi32>,
      %jit3A_477 = arith.constant 16 : i32
      %eq3A_478 = arith.constant 0 : i32
      %eq3A_479 = arith.cmpi eq, %jit3A_477, %eq3A_478 : i32
      %jit3A_480 = arith.constant 1 : i32
      %select_n3A_481 = arith.select %eq3A_479, %jit3A_480, %jit3A_477 : i32
      %rem3A_482 = arith.remsi %add3A_433, %select_n3A_481 : i32
      %ne3A_483 = arith.constant 0 : i32
      %ne3A_484 = arith.cmpi ne, %rem3A_482, %ne3A_483 : i32
      %lt3A_485 = arith.constant 0 : i32
      %lt3A_486 = arith.cmpi slt, %rem3A_482, %lt3A_485 : i32
      %lt3A_487 = arith.constant 0 : i32
      %lt3A_488 = arith.cmpi slt, %select_n3A_481, %lt3A_487 : i32
      %ne3A_489 = arith.xori %lt3A_486, %lt3A_488 : i1
      %and3A_490 = arith.andi %ne3A_489, %ne3A_484 : i1
      %add3A_491 = arith.addi %rem3A_482, %select_n3A_481 : i32
      %select_n3A_492 = arith.select %and3A_490, %add3A_491, %rem3A_482 : i32
      %eq3A_493 = vector.broadcast %select_n3A_492 : i32 to vector<16xi32>
      %eq3A_494 = arith.cmpi eq, %iota3A, %eq3A_493 : vector<16xi32>
      %jit3A_495 = arith.constant 0 : i32
      %broadcast_in_dim3A_496 = vector.broadcast %jit3A_495 : i32 to vector<16xi32>
      %select_n3A_497 = arith.select %eq3A_494, %get3A_476, %broadcast_in_dim3A_496 : vector<16xi1>, vector<16xi32>
      %reduce_max3A_498 = arith.constant true
      %reduce_max3A_499 = vector.broadcast %reduce_max3A_498 : i1 to vector<16xi1>
      %reduce_max3A_500 = arith.constant -2147483648 : i32
      %reduce_max3A_501 = vector.broadcast %reduce_max3A_500 : i32 to vector<16xi32>
      %reduce_max3A_502 = arith.xori %select_n3A_497, %reduce_max3A_501 : vector<16xi32>
      %reduce_max3A_503 = tpu.scan <max>, %reduce_max3A_502 masked %reduce_max3A_499 : vector<16xi32>, vector<16xi1> -> vector<16xi32>
      %reduce_max3A_504 = arith.xori %reduce_max3A_503, %reduce_max3A_501 : vector<16xi32>
      %reduce_max3A_505 = vector.extract %reduce_max3A_504[15] : i32 from vector<16xi32>
      %broadcast_in_dim3A_506 = vector.broadcast %add3A_433 : i32 to vector<16xi32>
      %and3A_507 = arith.constant 127 : i32
      %and3A_508 = arith.andi %reduce_max3A_505, %and3A_507 : i32
      %broadcast_in_dim3A_509 = vector.broadcast %and3A_508 : i32 to vector<16xi32>
      %broadcast_in_dim3A_510 = arith.constant 1 : i32
      %broadcast_in_dim3A_511 = vector.broadcast %broadcast_in_dim3A_510 : i32 to vector<16xi32>
      %add3A_512 = arith.constant 0 : i32
      %add3A_513 = vector.broadcast %add3A_512 : i32 to vector<16xi32>
      %add3A_514 = arith.addi %add3A_513, %iota3A : vector<16xi32>
      %gather3A_515 = tpu.vector_load_idx %arg7[%broadcast_in_dim3A_511, %add3A_514, %broadcast_in_dim3A_509] : memref<8x64x128xf32, #tpu.memory_space<vmem>>[vector<16xi32>, vector<16xi32>, vector<16xi32>], vector<16xf32>,
      %add3A_516 = arith.constant 0 : i32
      %add3A_517 = vector.broadcast %add3A_516 : i32 to vector<16xi32>
      %add3A_518 = arith.addi %add3A_517, %iota3A : vector<16xi32>
      %gather3A_519 = tpu.vector_load_idx %arg9[%add3A_518, %broadcast_in_dim3A_506] : memref<64x256xf32, #tpu.memory_space<vmem>>[vector<16xi32>, vector<16xi32>], vector<16xf32>,
      %add3A_520 = arith.constant 0 : i32
      %add3A_521 = vector.broadcast %add3A_520 : i32 to vector<16xi32>
      %add3A_522 = arith.addi %add3A_521, %iota3A : vector<16xi32>
      %add3A_523 = arith.addf %gather3A_515, %gather3A_519 : vector<16xf32>
      tpu.vector_store_idx %arg8[%add3A_522, %broadcast_in_dim3A_506], %add3A_523 : memref<64x256xf32, #tpu.memory_space<vmem>>[vector<16xi32>, vector<16xi32>], vector<16xf32>,
      %broadcast_in_dim3A_524 = arith.constant 1 : i32
      %broadcast_in_dim3A_525 = vector.broadcast %broadcast_in_dim3A_524 : i32 to vector<16xi32>
      %add3A_526 = arith.constant 16 : i32
      %add3A_527 = vector.broadcast %add3A_526 : i32 to vector<16xi32>
      %add3A_528 = arith.addi %add3A_527, %iota3A : vector<16xi32>
      %gather3A_529 = tpu.vector_load_idx %arg7[%broadcast_in_dim3A_525, %add3A_528, %broadcast_in_dim3A_509] : memref<8x64x128xf32, #tpu.memory_space<vmem>>[vector<16xi32>, vector<16xi32>, vector<16xi32>], vector<16xf32>,
      %add3A_530 = arith.constant 16 : i32
      %add3A_531 = vector.broadcast %add3A_530 : i32 to vector<16xi32>
      %add3A_532 = arith.addi %add3A_531, %iota3A : vector<16xi32>
      %gather3A_533 = tpu.vector_load_idx %arg9[%add3A_532, %broadcast_in_dim3A_506] : memref<64x256xf32, #tpu.memory_space<vmem>>[vector<16xi32>, vector<16xi32>], vector<16xf32>,
      %add3A_534 = arith.constant 16 : i32
      %add3A_535 = vector.broadcast %add3A_534 : i32 to vector<16xi32>
      %add3A_536 = arith.addi %add3A_535, %iota3A : vector<16xi32>
      %add3A_537 = arith.addf %gather3A_529, %gather3A_533 : vector<16xf32>
      tpu.vector_store_idx %arg8[%add3A_536, %broadcast_in_dim3A_506], %add3A_537 : memref<64x256xf32, #tpu.memory_space<vmem>>[vector<16xi32>, vector<16xi32>], vector<16xf32>,
      %broadcast_in_dim3A_538 = arith.constant 1 : i32
      %broadcast_in_dim3A_539 = vector.broadcast %broadcast_in_dim3A_538 : i32 to vector<16xi32>
      %add3A_540 = arith.constant 32 : i32
      %add3A_541 = vector.broadcast %add3A_540 : i32 to vector<16xi32>
      %add3A_542 = arith.addi %add3A_541, %iota3A : vector<16xi32>
      %gather3A_543 = tpu.vector_load_idx %arg7[%broadcast_in_dim3A_539, %add3A_542, %broadcast_in_dim3A_509] : memref<8x64x128xf32, #tpu.memory_space<vmem>>[vector<16xi32>, vector<16xi32>, vector<16xi32>], vector<16xf32>,
      %add3A_544 = arith.constant 32 : i32
      %add3A_545 = vector.broadcast %add3A_544 : i32 to vector<16xi32>
      %add3A_546 = arith.addi %add3A_545, %iota3A : vector<16xi32>
      %gather3A_547 = tpu.vector_load_idx %arg9[%add3A_546, %broadcast_in_dim3A_506] : memref<64x256xf32, #tpu.memory_space<vmem>>[vector<16xi32>, vector<16xi32>], vector<16xf32>,
      %add3A_548 = arith.constant 32 : i32
      %add3A_549 = vector.broadcast %add3A_548 : i32 to vector<16xi32>
      %add3A_550 = arith.addi %add3A_549, %iota3A : vector<16xi32>
      %add3A_551 = arith.addf %gather3A_543, %gather3A_547 : vector<16xf32>
      tpu.vector_store_idx %arg8[%add3A_550, %broadcast_in_dim3A_506], %add3A_551 : memref<64x256xf32, #tpu.memory_space<vmem>>[vector<16xi32>, vector<16xi32>], vector<16xf32>,
      %broadcast_in_dim3A_552 = arith.constant 1 : i32
      %broadcast_in_dim3A_553 = vector.broadcast %broadcast_in_dim3A_552 : i32 to vector<16xi32>
      %add3A_554 = arith.constant 48 : i32
      %add3A_555 = vector.broadcast %add3A_554 : i32 to vector<16xi32>
      %add3A_556 = arith.addi %add3A_555, %iota3A : vector<16xi32>
      %gather3A_557 = tpu.vector_load_idx %arg7[%broadcast_in_dim3A_553, %add3A_556, %broadcast_in_dim3A_509] : memref<8x64x128xf32, #tpu.memory_space<vmem>>[vector<16xi32>, vector<16xi32>, vector<16xi32>], vector<16xf32>,
      %add3A_558 = arith.constant 48 : i32
      %add3A_559 = vector.broadcast %add3A_558 : i32 to vector<16xi32>
      %add3A_560 = arith.addi %add3A_559, %iota3A : vector<16xi32>
      %gather3A_561 = tpu.vector_load_idx %arg9[%add3A_560, %broadcast_in_dim3A_506] : memref<64x256xf32, #tpu.memory_space<vmem>>[vector<16xi32>, vector<16xi32>], vector<16xf32>,
      %add3A_562 = arith.constant 48 : i32
      %add3A_563 = vector.broadcast %add3A_562 : i32 to vector<16xi32>
      %add3A_564 = arith.addi %add3A_563, %iota3A : vector<16xi32>
      %add3A_565 = arith.addf %gather3A_557, %gather3A_561 : vector<16xf32>
      tpu.vector_store_idx %arg8[%add3A_564, %broadcast_in_dim3A_506], %add3A_565 : memref<64x256xf32, #tpu.memory_space<vmem>>[vector<16xi32>, vector<16xi32>], vector<16xf32>,
      %add3A_566 = arith.constant 8 : i32
      %add3A_567 = arith.addi %add3A_433, %add3A_566 : i32
      %lt3A_568 = arith.constant 256 : i32
      %lt3A_569 = arith.cmpi slt, %add3A_567, %lt3A_568 : i32
      %convert_element_type3A_570 = arith.extui %lt3A_569 : i1 to i32
      %cond3A_571 = arith.constant 0 : i32
      %cond3A_572 = arith.cmpi ne, %convert_element_type3A_570, %cond3A_571 : i32
      scf.if %cond3A_572 {
        %add3A_1431 = arith.constant 8 : i32
        %add3A_1432 = arith.addi %add3A_433, %add3A_1431 : i32
        %jit3A_1433 = arith.constant 16 : i32
        %div3A_1434 = arith.divsi %add3A_1432, %jit3A_1433 : i32
        %sign3A_1435 = arith.constant 0 : i32
        %sign3A_1436 = arith.cmpi sgt, %add3A_1432, %sign3A_1435 : i32
        %sign3A_1437 = arith.extui %sign3A_1436 : i1 to i32
        %sign3A_1438 = arith.constant 0 : i32
        %sign3A_1439 = arith.cmpi slt, %add3A_1432, %sign3A_1438 : i32
        %sign3A_1440 = arith.extui %sign3A_1439 : i1 to i32
        %sign3A_1441 = arith.subi %sign3A_1437, %sign3A_1440 : i32
        %sign3A_1442 = arith.constant 0 : i32
        %sign3A_1443 = arith.cmpi sgt, %jit3A_1433, %sign3A_1442 : i32
        %sign3A_1444 = arith.extui %sign3A_1443 : i1 to i32
        %sign3A_1445 = arith.constant 0 : i32
        %sign3A_1446 = arith.cmpi slt, %jit3A_1433, %sign3A_1445 : i32
        %sign3A_1447 = arith.extui %sign3A_1446 : i1 to i32
        %sign3A_1448 = arith.subi %sign3A_1444, %sign3A_1447 : i32
        %ne3A_1449 = arith.cmpi ne, %sign3A_1441, %sign3A_1448 : i32
        %rem3A_1450 = arith.remsi %add3A_1432, %jit3A_1433 : i32
        %ne3A_1451 = arith.constant 0 : i32
        %ne3A_1452 = arith.cmpi ne, %rem3A_1450, %ne3A_1451 : i32
        %and3A_1453 = arith.andi %ne3A_1449, %ne3A_1452 : i1
        %sub3A_1454 = arith.constant 1 : i32
        %sub3A_1455 = arith.subi %div3A_1434, %sub3A_1454 : i32
        %select_n3A_1456 = arith.select %and3A_1453, %sub3A_1455, %div3A_1434 : i32
        %mul3A_1457 = arith.constant 16 : i32
        %mul3A_1458 = arith.muli %select_n3A_1456, %mul3A_1457 : i32
        %get3A_1459 = arith.index_cast %mul3A_1458 : i32 to index
        %get3A_1460 = tpu.vector_load %arg6[%get3A_1459] {strides = array<i32>} : memref<256xi32, #tpu.memory_space<vmem>>, vector<16xi32>,
        %jit3A_1461 = arith.constant 16 : i32
        %eq3A_1462 = arith.constant 0 : i32
        %eq3A_1463 = arith.cmpi eq, %jit3A_1461, %eq3A_1462 : i32
        %jit3A_1464 = arith.constant 1 : i32
        %select_n3A_1465 = arith.select %eq3A_1463, %jit3A_1464, %jit3A_1461 : i32
        %rem3A_1466 = arith.remsi %add3A_1432, %select_n3A_1465 : i32
        %ne3A_1467 = arith.constant 0 : i32
        %ne3A_1468 = arith.cmpi ne, %rem3A_1466, %ne3A_1467 : i32
        %lt3A_1469 = arith.constant 0 : i32
        %lt3A_1470 = arith.cmpi slt, %rem3A_1466, %lt3A_1469 : i32
        %lt3A_1471 = arith.constant 0 : i32
        %lt3A_1472 = arith.cmpi slt, %select_n3A_1465, %lt3A_1471 : i32
        %ne3A_1473 = arith.xori %lt3A_1470, %lt3A_1472 : i1
        %and3A_1474 = arith.andi %ne3A_1473, %ne3A_1468 : i1
        %add3A_1475 = arith.addi %rem3A_1466, %select_n3A_1465 : i32
        %select_n3A_1476 = arith.select %and3A_1474, %add3A_1475, %rem3A_1466 : i32
        %eq3A_1477 = vector.broadcast %select_n3A_1476 : i32 to vector<16xi32>
        %eq3A_1478 = arith.cmpi eq, %iota3A, %eq3A_1477 : vector<16xi32>
        %jit3A_1479 = arith.constant 0 : i32
        %broadcast_in_dim3A_1480 = vector.broadcast %jit3A_1479 : i32 to vector<16xi32>
        %select_n3A_1481 = arith.select %eq3A_1478, %get3A_1460, %broadcast_in_dim3A_1480 : vector<16xi1>, vector<16xi32>
        %reduce_max3A_1482 = arith.constant true
        %reduce_max3A_1483 = vector.broadcast %reduce_max3A_1482 : i1 to vector<16xi1>
        %reduce_max3A_1484 = arith.constant -2147483648 : i32
        %reduce_max3A_1485 = vector.broadcast %reduce_max3A_1484 : i32 to vector<16xi32>
        %reduce_max3A_1486 = arith.xori %select_n3A_1481, %reduce_max3A_1485 : vector<16xi32>
        %reduce_max3A_1487 = tpu.scan <max>, %reduce_max3A_1486 masked %reduce_max3A_1483 : vector<16xi32>, vector<16xi1> -> vector<16xi32>
        %reduce_max3A_1488 = arith.xori %reduce_max3A_1487, %reduce_max3A_1485 : vector<16xi32>
        %reduce_max3A_1489 = vector.extract %reduce_max3A_1488[15] : i32 from vector<16xi32>
        %shift_right_arithmetic3A_1490 = arith.constant 7 : i32
        %shift_right_arithmetic3A_1491 = arith.shrsi %reduce_max3A_1489, %shift_right_arithmetic3A_1490 : i32
        %mul3A_1492 = arith.constant 128 : i32
        %mul3A_1493 = arith.muli %shift_right_arithmetic3A_1491, %mul3A_1492 : i32
        %multiple_of3A_1494 = tpu.assume_multiple %mul3A_1493, 128 : i32
        %dma_start3A_1495 = arith.constant 1 : i32
        %dma_start3A_1496 = arith.constant 0 : i32
        %dma_start3A_1497 = arith.constant 0 : i32
        %dma_start3A_1498 = tpu.memref_slice %arg7[%dma_start3A_1495, %dma_start3A_1496, %dma_start3A_1497] : memref<8x64x128xf32, #tpu.memory_space<vmem>> -> memref<1x64x128xf32, #tpu.memory_space<vmem>>
        %dma_start3A_1499 = tpu.memref_squeeze %dma_start3A_1498 : memref<1x64x128xf32, #tpu.memory_space<vmem>> -> memref<64x128xf32, #tpu.memory_space<vmem>>
        %dma_start3A_1500 = arith.constant 0 : i32
        %dma_start3A_1501 = tpu.memref_slice %arg3[%dma_start3A_1500, %multiple_of3A_1494] : memref<64x1000000xf32, #tpu.memory_space<hbm>> -> memref<64x128xf32, #tpu.memory_space<hbm>>
        %dma_start3A_1502 = arith.constant 0 : i32
        %dma_start3A_1503 = arith.constant 0 : i32
        %dma_start3A_1504 = tpu.memref_slice %arg7[%dma_start3A_1495, %dma_start3A_1502, %dma_start3A_1503] : memref<8x64x128xf32, #tpu.memory_space<vmem>> -> memref<1x64x128xf32, #tpu.memory_space<vmem>>
        %dma_start3A_1505 = tpu.memref_squeeze %dma_start3A_1504 : memref<1x64x128xf32, #tpu.memory_space<vmem>> -> memref<64x128xf32, #tpu.memory_space<vmem>>
        %dma_start3A_1506 = arith.constant 0 : i32
        %dma_start3A_1507 = tpu.memref_slice %arg3[%dma_start3A_1506, %multiple_of3A_1494] : memref<64x1000000xf32, #tpu.memory_space<hbm>> -> memref<64x128xf32, #tpu.memory_space<hbm>>
        tpu.enqueue_dma source(%dma_start3A_1507 : memref<64x128xf32, #tpu.memory_space<hbm>>) target(%dma_start3A_1505 : memref<64x128xf32, #tpu.memory_space<vmem>>) target_semaphore(%arg11 : memref<!tpu.dma_semaphore, #tpu.memory_space<semaphore_mem>>)
      } else {
      }
      %mul3A_573 = arith.constant 8 : i32
      %mul3A_574 = arith.muli %scan3A_291, %mul3A_573 : i32
      %add3A_575 = arith.constant 2 : i32
      %add3A_576 = arith.addi %mul3A_574, %add3A_575 : i32
      %dma_wait3A_577 = arith.constant 2 : i32
      %dma_wait3A_578 = arith.constant 0 : i32
      %dma_wait3A_579 = arith.constant 0 : i32
      %dma_wait3A_580 = tpu.memref_slice %arg7[%dma_wait3A_577, %dma_wait3A_578, %dma_wait3A_579] : memref<8x64x128xf32, #tpu.memory_space<vmem>> -> memref<1x64x128xf32, #tpu.memory_space<vmem>>
      %dma_wait3A_581 = tpu.memref_squeeze %dma_wait3A_580 : memref<1x64x128xf32, #tpu.memory_space<vmem>> -> memref<64x128xf32, #tpu.memory_space<vmem>>
      %dma_wait3A_582 = arith.constant 0 : i32
      %dma_wait3A_583 = arith.constant 0 : i32
      %dma_wait3A_584 = tpu.memref_slice %arg3[%dma_wait3A_582, %dma_wait3A_583] : memref<64x1000000xf32, #tpu.memory_space<hbm>> -> memref<64x128xf32, #tpu.memory_space<hbm>>
      %dma_wait3A_585 = arith.constant 0 : i32
      %dma_wait3A_586 = arith.constant 0 : i32
      %dma_wait3A_587 = tpu.memref_slice %arg7[%dma_wait3A_577, %dma_wait3A_585, %dma_wait3A_586] : memref<8x64x128xf32, #tpu.memory_space<vmem>> -> memref<1x64x128xf32, #tpu.memory_space<vmem>>
      %dma_wait3A_588 = tpu.memref_squeeze %dma_wait3A_587 : memref<1x64x128xf32, #tpu.memory_space<vmem>> -> memref<64x128xf32, #tpu.memory_space<vmem>>
      %dma_wait3A_589 = arith.constant 0 : i32
      %dma_wait3A_590 = arith.constant 0 : i32
      %dma_wait3A_591 = tpu.memref_slice %arg3[%dma_wait3A_589, %dma_wait3A_590] : memref<64x1000000xf32, #tpu.memory_space<hbm>> -> memref<64x128xf32, #tpu.memory_space<hbm>>
      tpu.wait_dma2 semaphore(%arg12 : memref<!tpu.dma_semaphore, #tpu.memory_space<semaphore_mem>>) src(%dma_wait3A_591 : memref<64x128xf32, #tpu.memory_space<hbm>>) dst(%dma_wait3A_588 : memref<64x128xf32, #tpu.memory_space<vmem>>)
      %jit3A_592 = arith.constant 16 : i32
      %div3A_593 = arith.divsi %add3A_576, %jit3A_592 : i32
      %sign3A_594 = arith.constant 0 : i32
      %sign3A_595 = arith.cmpi sgt, %add3A_576, %sign3A_594 : i32
      %sign3A_596 = arith.extui %sign3A_595 : i1 to i32
      %sign3A_597 = arith.constant 0 : i32
      %sign3A_598 = arith.cmpi slt, %add3A_576, %sign3A_597 : i32
      %sign3A_599 = arith.extui %sign3A_598 : i1 to i32
      %sign3A_600 = arith.subi %sign3A_596, %sign3A_599 : i32
      %sign3A_601 = arith.constant 0 : i32
      %sign3A_602 = arith.cmpi sgt, %jit3A_592, %sign3A_601 : i32
      %sign3A_603 = arith.extui %sign3A_602 : i1 to i32
      %sign3A_604 = arith.constant 0 : i32
      %sign3A_605 = arith.cmpi slt, %jit3A_592, %sign3A_604 : i32
      %sign3A_606 = arith.extui %sign3A_605 : i1 to i32
      %sign3A_607 = arith.subi %sign3A_603, %sign3A_606 : i32
      %ne3A_608 = arith.cmpi ne, %sign3A_600, %sign3A_607 : i32
      %rem3A_609 = arith.remsi %add3A_576, %jit3A_592 : i32
      %ne3A_610 = arith.constant 0 : i32
      %ne3A_611 = arith.cmpi ne, %rem3A_609, %ne3A_610 : i32
      %and3A_612 = arith.andi %ne3A_608, %ne3A_611 : i1
      %sub3A_613 = arith.constant 1 : i32
      %sub3A_614 = arith.subi %div3A_593, %sub3A_613 : i32
      %select_n3A_615 = arith.select %and3A_612, %sub3A_614, %div3A_593 : i32
      %mul3A_616 = arith.constant 16 : i32
      %mul3A_617 = arith.muli %select_n3A_615, %mul3A_616 : i32
      %get3A_618 = arith.index_cast %mul3A_617 : i32 to index
      %get3A_619 = tpu.vector_load %arg6[%get3A_618] {strides = array<i32>} : memref<256xi32, #tpu.memory_space<vmem>>, vector<16xi32>,
      %jit3A_620 = arith.constant 16 : i32
      %eq3A_621 = arith.constant 0 : i32
      %eq3A_622 = arith.cmpi eq, %jit3A_620, %eq3A_621 : i32
      %jit3A_623 = arith.constant 1 : i32
      %select_n3A_624 = arith.select %eq3A_622, %jit3A_623, %jit3A_620 : i32
      %rem3A_625 = arith.remsi %add3A_576, %select_n3A_624 : i32
      %ne3A_626 = arith.constant 0 : i32
      %ne3A_627 = arith.cmpi ne, %rem3A_625, %ne3A_626 : i32
      %lt3A_628 = arith.constant 0 : i32
      %lt3A_629 = arith.cmpi slt, %rem3A_625, %lt3A_628 : i32
      %lt3A_630 = arith.constant 0 : i32
      %lt3A_631 = arith.cmpi slt, %select_n3A_624, %lt3A_630 : i32
      %ne3A_632 = arith.xori %lt3A_629, %lt3A_631 : i1
      %and3A_633 = arith.andi %ne3A_632, %ne3A_627 : i1
      %add3A_634 = arith.addi %rem3A_625, %select_n3A_624 : i32
      %select_n3A_635 = arith.select %and3A_633, %add3A_634, %rem3A_625 : i32
      %eq3A_636 = vector.broadcast %select_n3A_635 : i32 to vector<16xi32>
      %eq3A_637 = arith.cmpi eq, %iota3A, %eq3A_636 : vector<16xi32>
      %jit3A_638 = arith.constant 0 : i32
      %broadcast_in_dim3A_639 = vector.broadcast %jit3A_638 : i32 to vector<16xi32>
      %select_n3A_640 = arith.select %eq3A_637, %get3A_619, %broadcast_in_dim3A_639 : vector<16xi1>, vector<16xi32>
      %reduce_max3A_641 = arith.constant true
      %reduce_max3A_642 = vector.broadcast %reduce_max3A_641 : i1 to vector<16xi1>
      %reduce_max3A_643 = arith.constant -2147483648 : i32
      %reduce_max3A_644 = vector.broadcast %reduce_max3A_643 : i32 to vector<16xi32>
      %reduce_max3A_645 = arith.xori %select_n3A_640, %reduce_max3A_644 : vector<16xi32>
      %reduce_max3A_646 = tpu.scan <max>, %reduce_max3A_645 masked %reduce_max3A_642 : vector<16xi32>, vector<16xi1> -> vector<16xi32>
      %reduce_max3A_647 = arith.xori %reduce_max3A_646, %reduce_max3A_644 : vector<16xi32>
      %reduce_max3A_648 = vector.extract %reduce_max3A_647[15] : i32 from vector<16xi32>
      %broadcast_in_dim3A_649 = vector.broadcast %add3A_576 : i32 to vector<16xi32>
      %and3A_650 = arith.constant 127 : i32
      %and3A_651 = arith.andi %reduce_max3A_648, %and3A_650 : i32
      %broadcast_in_dim3A_652 = vector.broadcast %and3A_651 : i32 to vector<16xi32>
      %broadcast_in_dim3A_653 = arith.constant 2 : i32
      %broadcast_in_dim3A_654 = vector.broadcast %broadcast_in_dim3A_653 : i32 to vector<16xi32>
      %add3A_655 = arith.constant 0 : i32
      %add3A_656 = vector.broadcast %add3A_655 : i32 to vector<16xi32>
      %add3A_657 = arith.addi %add3A_656, %iota3A : vector<16xi32>
      %gather3A_658 = tpu.vector_load_idx %arg7[%broadcast_in_dim3A_654, %add3A_657, %broadcast_in_dim3A_652] : memref<8x64x128xf32, #tpu.memory_space<vmem>>[vector<16xi32>, vector<16xi32>, vector<16xi32>], vector<16xf32>,
      %add3A_659 = arith.constant 0 : i32
      %add3A_660 = vector.broadcast %add3A_659 : i32 to vector<16xi32>
      %add3A_661 = arith.addi %add3A_660, %iota3A : vector<16xi32>
      %gather3A_662 = tpu.vector_load_idx %arg9[%add3A_661, %broadcast_in_dim3A_649] : memref<64x256xf32, #tpu.memory_space<vmem>>[vector<16xi32>, vector<16xi32>], vector<16xf32>,
      %add3A_663 = arith.constant 0 : i32
      %add3A_664 = vector.broadcast %add3A_663 : i32 to vector<16xi32>
      %add3A_665 = arith.addi %add3A_664, %iota3A : vector<16xi32>
      %add3A_666 = arith.addf %gather3A_658, %gather3A_662 : vector<16xf32>
      tpu.vector_store_idx %arg8[%add3A_665, %broadcast_in_dim3A_649], %add3A_666 : memref<64x256xf32, #tpu.memory_space<vmem>>[vector<16xi32>, vector<16xi32>], vector<16xf32>,
      %broadcast_in_dim3A_667 = arith.constant 2 : i32
      %broadcast_in_dim3A_668 = vector.broadcast %broadcast_in_dim3A_667 : i32 to vector<16xi32>
      %add3A_669 = arith.constant 16 : i32
      %add3A_670 = vector.broadcast %add3A_669 : i32 to vector<16xi32>
      %add3A_671 = arith.addi %add3A_670, %iota3A : vector<16xi32>
      %gather3A_672 = tpu.vector_load_idx %arg7[%broadcast_in_dim3A_668, %add3A_671, %broadcast_in_dim3A_652] : memref<8x64x128xf32, #tpu.memory_space<vmem>>[vector<16xi32>, vector<16xi32>, vector<16xi32>], vector<16xf32>,
      %add3A_673 = arith.constant 16 : i32
      %add3A_674 = vector.broadcast %add3A_673 : i32 to vector<16xi32>
      %add3A_675 = arith.addi %add3A_674, %iota3A : vector<16xi32>
      %gather3A_676 = tpu.vector_load_idx %arg9[%add3A_675, %broadcast_in_dim3A_649] : memref<64x256xf32, #tpu.memory_space<vmem>>[vector<16xi32>, vector<16xi32>], vector<16xf32>,
      %add3A_677 = arith.constant 16 : i32
      %add3A_678 = vector.broadcast %add3A_677 : i32 to vector<16xi32>
      %add3A_679 = arith.addi %add3A_678, %iota3A : vector<16xi32>
      %add3A_680 = arith.addf %gather3A_672, %gather3A_676 : vector<16xf32>
      tpu.vector_store_idx %arg8[%add3A_679, %broadcast_in_dim3A_649], %add3A_680 : memref<64x256xf32, #tpu.memory_space<vmem>>[vector<16xi32>, vector<16xi32>], vector<16xf32>,
      %broadcast_in_dim3A_681 = arith.constant 2 : i32
      %broadcast_in_dim3A_682 = vector.broadcast %broadcast_in_dim3A_681 : i32 to vector<16xi32>
      %add3A_683 = arith.constant 32 : i32
      %add3A_684 = vector.broadcast %add3A_683 : i32 to vector<16xi32>
      %add3A_685 = arith.addi %add3A_684, %iota3A : vector<16xi32>
      %gather3A_686 = tpu.vector_load_idx %arg7[%broadcast_in_dim3A_682, %add3A_685, %broadcast_in_dim3A_652] : memref<8x64x128xf32, #tpu.memory_space<vmem>>[vector<16xi32>, vector<16xi32>, vector<16xi32>], vector<16xf32>,
      %add3A_687 = arith.constant 32 : i32
      %add3A_688 = vector.broadcast %add3A_687 : i32 to vector<16xi32>
      %add3A_689 = arith.addi %add3A_688, %iota3A : vector<16xi32>
      %gather3A_690 = tpu.vector_load_idx %arg9[%add3A_689, %broadcast_in_dim3A_649] : memref<64x256xf32, #tpu.memory_space<vmem>>[vector<16xi32>, vector<16xi32>], vector<16xf32>,
      %add3A_691 = arith.constant 32 : i32
      %add3A_692 = vector.broadcast %add3A_691 : i32 to vector<16xi32>
      %add3A_693 = arith.addi %add3A_692, %iota3A : vector<16xi32>
      %add3A_694 = arith.addf %gather3A_686, %gather3A_690 : vector<16xf32>
      tpu.vector_store_idx %arg8[%add3A_693, %broadcast_in_dim3A_649], %add3A_694 : memref<64x256xf32, #tpu.memory_space<vmem>>[vector<16xi32>, vector<16xi32>], vector<16xf32>,
      %broadcast_in_dim3A_695 = arith.constant 2 : i32
      %broadcast_in_dim3A_696 = vector.broadcast %broadcast_in_dim3A_695 : i32 to vector<16xi32>
      %add3A_697 = arith.constant 48 : i32
      %add3A_698 = vector.broadcast %add3A_697 : i32 to vector<16xi32>
      %add3A_699 = arith.addi %add3A_698, %iota3A : vector<16xi32>
      %gather3A_700 = tpu.vector_load_idx %arg7[%broadcast_in_dim3A_696, %add3A_699, %broadcast_in_dim3A_652] : memref<8x64x128xf32, #tpu.memory_space<vmem>>[vector<16xi32>, vector<16xi32>, vector<16xi32>], vector<16xf32>,
      %add3A_701 = arith.constant 48 : i32
      %add3A_702 = vector.broadcast %add3A_701 : i32 to vector<16xi32>
      %add3A_703 = arith.addi %add3A_702, %iota3A : vector<16xi32>
      %gather3A_704 = tpu.vector_load_idx %arg9[%add3A_703, %broadcast_in_dim3A_649] : memref<64x256xf32, #tpu.memory_space<vmem>>[vector<16xi32>, vector<16xi32>], vector<16xf32>,
      %add3A_705 = arith.constant 48 : i32
      %add3A_706 = vector.broadcast %add3A_705 : i32 to vector<16xi32>
      %add3A_707 = arith.addi %add3A_706, %iota3A : vector<16xi32>
      %add3A_708 = arith.addf %gather3A_700, %gather3A_704 : vector<16xf32>
      tpu.vector_store_idx %arg8[%add3A_707, %broadcast_in_dim3A_649], %add3A_708 : memref<64x256xf32, #tpu.memory_space<vmem>>[vector<16xi32>, vector<16xi32>], vector<16xf32>,
      %add3A_709 = arith.constant 8 : i32
      %add3A_710 = arith.addi %add3A_576, %add3A_709 : i32
      %lt3A_711 = arith.constant 256 : i32
      %lt3A_712 = arith.cmpi slt, %add3A_710, %lt3A_711 : i32
      %convert_element_type3A_713 = arith.extui %lt3A_712 : i1 to i32
      %cond3A_714 = arith.constant 0 : i32
      %cond3A_715 = arith.cmpi ne, %convert_element_type3A_713, %cond3A_714 : i32
      scf.if %cond3A_715 {
        %add3A_1431 = arith.constant 8 : i32
        %add3A_1432 = arith.addi %add3A_576, %add3A_1431 : i32
        %jit3A_1433 = arith.constant 16 : i32
        %div3A_1434 = arith.divsi %add3A_1432, %jit3A_1433 : i32
        %sign3A_1435 = arith.constant 0 : i32
        %sign3A_1436 = arith.cmpi sgt, %add3A_1432, %sign3A_1435 : i32
        %sign3A_1437 = arith.extui %sign3A_1436 : i1 to i32
        %sign3A_1438 = arith.constant 0 : i32
        %sign3A_1439 = arith.cmpi slt, %add3A_1432, %sign3A_1438 : i32
        %sign3A_1440 = arith.extui %sign3A_1439 : i1 to i32
        %sign3A_1441 = arith.subi %sign3A_1437, %sign3A_1440 : i32
        %sign3A_1442 = arith.constant 0 : i32
        %sign3A_1443 = arith.cmpi sgt, %jit3A_1433, %sign3A_1442 : i32
        %sign3A_1444 = arith.extui %sign3A_1443 : i1 to i32
        %sign3A_1445 = arith.constant 0 : i32
        %sign3A_1446 = arith.cmpi slt, %jit3A_1433, %sign3A_1445 : i32
        %sign3A_1447 = arith.extui %sign3A_1446 : i1 to i32
        %sign3A_1448 = arith.subi %sign3A_1444, %sign3A_1447 : i32
        %ne3A_1449 = arith.cmpi ne, %sign3A_1441, %sign3A_1448 : i32
        %rem3A_1450 = arith.remsi %add3A_1432, %jit3A_1433 : i32
        %ne3A_1451 = arith.constant 0 : i32
        %ne3A_1452 = arith.cmpi ne, %rem3A_1450, %ne3A_1451 : i32
        %and3A_1453 = arith.andi %ne3A_1449, %ne3A_1452 : i1
        %sub3A_1454 = arith.constant 1 : i32
        %sub3A_1455 = arith.subi %div3A_1434, %sub3A_1454 : i32
        %select_n3A_1456 = arith.select %and3A_1453, %sub3A_1455, %div3A_1434 : i32
        %mul3A_1457 = arith.constant 16 : i32
        %mul3A_1458 = arith.muli %select_n3A_1456, %mul3A_1457 : i32
        %get3A_1459 = arith.index_cast %mul3A_1458 : i32 to index
        %get3A_1460 = tpu.vector_load %arg6[%get3A_1459] {strides = array<i32>} : memref<256xi32, #tpu.memory_space<vmem>>, vector<16xi32>,
        %jit3A_1461 = arith.constant 16 : i32
        %eq3A_1462 = arith.constant 0 : i32
        %eq3A_1463 = arith.cmpi eq, %jit3A_1461, %eq3A_1462 : i32
        %jit3A_1464 = arith.constant 1 : i32
        %select_n3A_1465 = arith.select %eq3A_1463, %jit3A_1464, %jit3A_1461 : i32
        %rem3A_1466 = arith.remsi %add3A_1432, %select_n3A_1465 : i32
        %ne3A_1467 = arith.constant 0 : i32
        %ne3A_1468 = arith.cmpi ne, %rem3A_1466, %ne3A_1467 : i32
        %lt3A_1469 = arith.constant 0 : i32
        %lt3A_1470 = arith.cmpi slt, %rem3A_1466, %lt3A_1469 : i32
        %lt3A_1471 = arith.constant 0 : i32
        %lt3A_1472 = arith.cmpi slt, %select_n3A_1465, %lt3A_1471 : i32
        %ne3A_1473 = arith.xori %lt3A_1470, %lt3A_1472 : i1
        %and3A_1474 = arith.andi %ne3A_1473, %ne3A_1468 : i1
        %add3A_1475 = arith.addi %rem3A_1466, %select_n3A_1465 : i32
        %select_n3A_1476 = arith.select %and3A_1474, %add3A_1475, %rem3A_1466 : i32
        %eq3A_1477 = vector.broadcast %select_n3A_1476 : i32 to vector<16xi32>
        %eq3A_1478 = arith.cmpi eq, %iota3A, %eq3A_1477 : vector<16xi32>
        %jit3A_1479 = arith.constant 0 : i32
        %broadcast_in_dim3A_1480 = vector.broadcast %jit3A_1479 : i32 to vector<16xi32>
        %select_n3A_1481 = arith.select %eq3A_1478, %get3A_1460, %broadcast_in_dim3A_1480 : vector<16xi1>, vector<16xi32>
        %reduce_max3A_1482 = arith.constant true
        %reduce_max3A_1483 = vector.broadcast %reduce_max3A_1482 : i1 to vector<16xi1>
        %reduce_max3A_1484 = arith.constant -2147483648 : i32
        %reduce_max3A_1485 = vector.broadcast %reduce_max3A_1484 : i32 to vector<16xi32>
        %reduce_max3A_1486 = arith.xori %select_n3A_1481, %reduce_max3A_1485 : vector<16xi32>
        %reduce_max3A_1487 = tpu.scan <max>, %reduce_max3A_1486 masked %reduce_max3A_1483 : vector<16xi32>, vector<16xi1> -> vector<16xi32>
        %reduce_max3A_1488 = arith.xori %reduce_max3A_1487, %reduce_max3A_1485 : vector<16xi32>
        %reduce_max3A_1489 = vector.extract %reduce_max3A_1488[15] : i32 from vector<16xi32>
        %shift_right_arithmetic3A_1490 = arith.constant 7 : i32
        %shift_right_arithmetic3A_1491 = arith.shrsi %reduce_max3A_1489, %shift_right_arithmetic3A_1490 : i32
        %mul3A_1492 = arith.constant 128 : i32
        %mul3A_1493 = arith.muli %shift_right_arithmetic3A_1491, %mul3A_1492 : i32
        %multiple_of3A_1494 = tpu.assume_multiple %mul3A_1493, 128 : i32
        %dma_start3A_1495 = arith.constant 2 : i32
        %dma_start3A_1496 = arith.constant 0 : i32
        %dma_start3A_1497 = arith.constant 0 : i32
        %dma_start3A_1498 = tpu.memref_slice %arg7[%dma_start3A_1495, %dma_start3A_1496, %dma_start3A_1497] : memref<8x64x128xf32, #tpu.memory_space<vmem>> -> memref<1x64x128xf32, #tpu.memory_space<vmem>>
        %dma_start3A_1499 = tpu.memref_squeeze %dma_start3A_1498 : memref<1x64x128xf32, #tpu.memory_space<vmem>> -> memref<64x128xf32, #tpu.memory_space<vmem>>
        %dma_start3A_1500 = arith.constant 0 : i32
        %dma_start3A_1501 = tpu.memref_slice %arg3[%dma_start3A_1500, %multiple_of3A_1494] : memref<64x1000000xf32, #tpu.memory_space<hbm>> -> memref<64x128xf32, #tpu.memory_space<hbm>>
        %dma_start3A_1502 = arith.constant 0 : i32
        %dma_start3A_1503 = arith.constant 0 : i32
        %dma_start3A_1504 = tpu.memref_slice %arg7[%dma_start3A_1495, %dma_start3A_1502, %dma_start3A_1503] : memref<8x64x128xf32, #tpu.memory_space<vmem>> -> memref<1x64x128xf32, #tpu.memory_space<vmem>>
        %dma_start3A_1505 = tpu.memref_squeeze %dma_start3A_1504 : memref<1x64x128xf32, #tpu.memory_space<vmem>> -> memref<64x128xf32, #tpu.memory_space<vmem>>
        %dma_start3A_1506 = arith.constant 0 : i32
        %dma_start3A_1507 = tpu.memref_slice %arg3[%dma_start3A_1506, %multiple_of3A_1494] : memref<64x1000000xf32, #tpu.memory_space<hbm>> -> memref<64x128xf32, #tpu.memory_space<hbm>>
        tpu.enqueue_dma source(%dma_start3A_1507 : memref<64x128xf32, #tpu.memory_space<hbm>>) target(%dma_start3A_1505 : memref<64x128xf32, #tpu.memory_space<vmem>>) target_semaphore(%arg12 : memref<!tpu.dma_semaphore, #tpu.memory_space<semaphore_mem>>)
      } else {
      }
      %mul3A_716 = arith.constant 8 : i32
      %mul3A_717 = arith.muli %scan3A_291, %mul3A_716 : i32
      %add3A_718 = arith.constant 3 : i32
      %add3A_719 = arith.addi %mul3A_717, %add3A_718 : i32
      %dma_wait3A_720 = arith.constant 3 : i32
      %dma_wait3A_721 = arith.constant 0 : i32
      %dma_wait3A_722 = arith.constant 0 : i32
      %dma_wait3A_723 = tpu.memref_slice %arg7[%dma_wait3A_720, %dma_wait3A_721, %dma_wait3A_722] : memref<8x64x128xf32, #tpu.memory_space<vmem>> -> memref<1x64x128xf32, #tpu.memory_space<vmem>>
      %dma_wait3A_724 = tpu.memref_squeeze %dma_wait3A_723 : memref<1x64x128xf32, #tpu.memory_space<vmem>> -> memref<64x128xf32, #tpu.memory_space<vmem>>
      %dma_wait3A_725 = arith.constant 0 : i32
      %dma_wait3A_726 = arith.constant 0 : i32
      %dma_wait3A_727 = tpu.memref_slice %arg3[%dma_wait3A_725, %dma_wait3A_726] : memref<64x1000000xf32, #tpu.memory_space<hbm>> -> memref<64x128xf32, #tpu.memory_space<hbm>>
      %dma_wait3A_728 = arith.constant 0 : i32
      %dma_wait3A_729 = arith.constant 0 : i32
      %dma_wait3A_730 = tpu.memref_slice %arg7[%dma_wait3A_720, %dma_wait3A_728, %dma_wait3A_729] : memref<8x64x128xf32, #tpu.memory_space<vmem>> -> memref<1x64x128xf32, #tpu.memory_space<vmem>>
      %dma_wait3A_731 = tpu.memref_squeeze %dma_wait3A_730 : memref<1x64x128xf32, #tpu.memory_space<vmem>> -> memref<64x128xf32, #tpu.memory_space<vmem>>
      %dma_wait3A_732 = arith.constant 0 : i32
      %dma_wait3A_733 = arith.constant 0 : i32
      %dma_wait3A_734 = tpu.memref_slice %arg3[%dma_wait3A_732, %dma_wait3A_733] : memref<64x1000000xf32, #tpu.memory_space<hbm>> -> memref<64x128xf32, #tpu.memory_space<hbm>>
      tpu.wait_dma2 semaphore(%arg13 : memref<!tpu.dma_semaphore, #tpu.memory_space<semaphore_mem>>) src(%dma_wait3A_734 : memref<64x128xf32, #tpu.memory_space<hbm>>) dst(%dma_wait3A_731 : memref<64x128xf32, #tpu.memory_space<vmem>>)
      %jit3A_735 = arith.constant 16 : i32
      %div3A_736 = arith.divsi %add3A_719, %jit3A_735 : i32
      %sign3A_737 = arith.constant 0 : i32
      %sign3A_738 = arith.cmpi sgt, %add3A_719, %sign3A_737 : i32
      %sign3A_739 = arith.extui %sign3A_738 : i1 to i32
      %sign3A_740 = arith.constant 0 : i32
      %sign3A_741 = arith.cmpi slt, %add3A_719, %sign3A_740 : i32
      %sign3A_742 = arith.extui %sign3A_741 : i1 to i32
      %sign3A_743 = arith.subi %sign3A_739, %sign3A_742 : i32
      %sign3A_744 = arith.constant 0 : i32
      %sign3A_745 = arith.cmpi sgt, %jit3A_735, %sign3A_744 : i32
      %sign3A_746 = arith.extui %sign3A_745 : i1 to i32
      %sign3A_747 = arith.constant 0 : i32
      %sign3A_748 = arith.cmpi slt, %jit3A_735, %sign3A_747 : i32
      %sign3A_749 = arith.extui %sign3A_748 : i1 to i32
      %sign3A_750 = arith.subi %sign3A_746, %sign3A_749 : i32
      %ne3A_751 = arith.cmpi ne, %sign3A_743, %sign3A_750 : i32
      %rem3A_752 = arith.remsi %add3A_719, %jit3A_735 : i32
      %ne3A_753 = arith.constant 0 : i32
      %ne3A_754 = arith.cmpi ne, %rem3A_752, %ne3A_753 : i32
      %and3A_755 = arith.andi %ne3A_751, %ne3A_754 : i1
      %sub3A_756 = arith.constant 1 : i32
      %sub3A_757 = arith.subi %div3A_736, %sub3A_756 : i32
      %select_n3A_758 = arith.select %and3A_755, %sub3A_757, %div3A_736 : i32
      %mul3A_759 = arith.constant 16 : i32
      %mul3A_760 = arith.muli %select_n3A_758, %mul3A_759 : i32
      %get3A_761 = arith.index_cast %mul3A_760 : i32 to index
      %get3A_762 = tpu.vector_load %arg6[%get3A_761] {strides = array<i32>} : memref<256xi32, #tpu.memory_space<vmem>>, vector<16xi32>,
      %jit3A_763 = arith.constant 16 : i32
      %eq3A_764 = arith.constant 0 : i32
      %eq3A_765 = arith.cmpi eq, %jit3A_763, %eq3A_764 : i32
      %jit3A_766 = arith.constant 1 : i32
      %select_n3A_767 = arith.select %eq3A_765, %jit3A_766, %jit3A_763 : i32
      %rem3A_768 = arith.remsi %add3A_719, %select_n3A_767 : i32
      %ne3A_769 = arith.constant 0 : i32
      %ne3A_770 = arith.cmpi ne, %rem3A_768, %ne3A_769 : i32
      %lt3A_771 = arith.constant 0 : i32
      %lt3A_772 = arith.cmpi slt, %rem3A_768, %lt3A_771 : i32
      %lt3A_773 = arith.constant 0 : i32
      %lt3A_774 = arith.cmpi slt, %select_n3A_767, %lt3A_773 : i32
      %ne3A_775 = arith.xori %lt3A_772, %lt3A_774 : i1
      %and3A_776 = arith.andi %ne3A_775, %ne3A_770 : i1
      %add3A_777 = arith.addi %rem3A_768, %select_n3A_767 : i32
      %select_n3A_778 = arith.select %and3A_776, %add3A_777, %rem3A_768 : i32
      %eq3A_779 = vector.broadcast %select_n3A_778 : i32 to vector<16xi32>
      %eq3A_780 = arith.cmpi eq, %iota3A, %eq3A_779 : vector<16xi32>
      %jit3A_781 = arith.constant 0 : i32
      %broadcast_in_dim3A_782 = vector.broadcast %jit3A_781 : i32 to vector<16xi32>
      %select_n3A_783 = arith.select %eq3A_780, %get3A_762, %broadcast_in_dim3A_782 : vector<16xi1>, vector<16xi32>
      %reduce_max3A_784 = arith.constant true
      %reduce_max3A_785 = vector.broadcast %reduce_max3A_784 : i1 to vector<16xi1>
      %reduce_max3A_786 = arith.constant -2147483648 : i32
      %reduce_max3A_787 = vector.broadcast %reduce_max3A_786 : i32 to vector<16xi32>
      %reduce_max3A_788 = arith.xori %select_n3A_783, %reduce_max3A_787 : vector<16xi32>
      %reduce_max3A_789 = tpu.scan <max>, %reduce_max3A_788 masked %reduce_max3A_785 : vector<16xi32>, vector<16xi1> -> vector<16xi32>
      %reduce_max3A_790 = arith.xori %reduce_max3A_789, %reduce_max3A_787 : vector<16xi32>
      %reduce_max3A_791 = vector.extract %reduce_max3A_790[15] : i32 from vector<16xi32>
      %broadcast_in_dim3A_792 = vector.broadcast %add3A_719 : i32 to vector<16xi32>
      %and3A_793 = arith.constant 127 : i32
      %and3A_794 = arith.andi %reduce_max3A_791, %and3A_793 : i32
      %broadcast_in_dim3A_795 = vector.broadcast %and3A_794 : i32 to vector<16xi32>
      %broadcast_in_dim3A_796 = arith.constant 3 : i32
      %broadcast_in_dim3A_797 = vector.broadcast %broadcast_in_dim3A_796 : i32 to vector<16xi32>
      %add3A_798 = arith.constant 0 : i32
      %add3A_799 = vector.broadcast %add3A_798 : i32 to vector<16xi32>
      %add3A_800 = arith.addi %add3A_799, %iota3A : vector<16xi32>
      %gather3A_801 = tpu.vector_load_idx %arg7[%broadcast_in_dim3A_797, %add3A_800, %broadcast_in_dim3A_795] : memref<8x64x128xf32, #tpu.memory_space<vmem>>[vector<16xi32>, vector<16xi32>, vector<16xi32>], vector<16xf32>,
      %add3A_802 = arith.constant 0 : i32
      %add3A_803 = vector.broadcast %add3A_802 : i32 to vector<16xi32>
      %add3A_804 = arith.addi %add3A_803, %iota3A : vector<16xi32>
      %gather3A_805 = tpu.vector_load_idx %arg9[%add3A_804, %broadcast_in_dim3A_792] : memref<64x256xf32, #tpu.memory_space<vmem>>[vector<16xi32>, vector<16xi32>], vector<16xf32>,
      %add3A_806 = arith.constant 0 : i32
      %add3A_807 = vector.broadcast %add3A_806 : i32 to vector<16xi32>
      %add3A_808 = arith.addi %add3A_807, %iota3A : vector<16xi32>
      %add3A_809 = arith.addf %gather3A_801, %gather3A_805 : vector<16xf32>
      tpu.vector_store_idx %arg8[%add3A_808, %broadcast_in_dim3A_792], %add3A_809 : memref<64x256xf32, #tpu.memory_space<vmem>>[vector<16xi32>, vector<16xi32>], vector<16xf32>,
      %broadcast_in_dim3A_810 = arith.constant 3 : i32
      %broadcast_in_dim3A_811 = vector.broadcast %broadcast_in_dim3A_810 : i32 to vector<16xi32>
      %add3A_812 = arith.constant 16 : i32
      %add3A_813 = vector.broadcast %add3A_812 : i32 to vector<16xi32>
      %add3A_814 = arith.addi %add3A_813, %iota3A : vector<16xi32>
      %gather3A_815 = tpu.vector_load_idx %arg7[%broadcast_in_dim3A_811, %add3A_814, %broadcast_in_dim3A_795] : memref<8x64x128xf32, #tpu.memory_space<vmem>>[vector<16xi32>, vector<16xi32>, vector<16xi32>], vector<16xf32>,
      %add3A_816 = arith.constant 16 : i32
      %add3A_817 = vector.broadcast %add3A_816 : i32 to vector<16xi32>
      %add3A_818 = arith.addi %add3A_817, %iota3A : vector<16xi32>
      %gather3A_819 = tpu.vector_load_idx %arg9[%add3A_818, %broadcast_in_dim3A_792] : memref<64x256xf32, #tpu.memory_space<vmem>>[vector<16xi32>, vector<16xi32>], vector<16xf32>,
      %add3A_820 = arith.constant 16 : i32
      %add3A_821 = vector.broadcast %add3A_820 : i32 to vector<16xi32>
      %add3A_822 = arith.addi %add3A_821, %iota3A : vector<16xi32>
      %add3A_823 = arith.addf %gather3A_815, %gather3A_819 : vector<16xf32>
      tpu.vector_store_idx %arg8[%add3A_822, %broadcast_in_dim3A_792], %add3A_823 : memref<64x256xf32, #tpu.memory_space<vmem>>[vector<16xi32>, vector<16xi32>], vector<16xf32>,
      %broadcast_in_dim3A_824 = arith.constant 3 : i32
      %broadcast_in_dim3A_825 = vector.broadcast %broadcast_in_dim3A_824 : i32 to vector<16xi32>
      %add3A_826 = arith.constant 32 : i32
      %add3A_827 = vector.broadcast %add3A_826 : i32 to vector<16xi32>
      %add3A_828 = arith.addi %add3A_827, %iota3A : vector<16xi32>
      %gather3A_829 = tpu.vector_load_idx %arg7[%broadcast_in_dim3A_825, %add3A_828, %broadcast_in_dim3A_795] : memref<8x64x128xf32, #tpu.memory_space<vmem>>[vector<16xi32>, vector<16xi32>, vector<16xi32>], vector<16xf32>,
      %add3A_830 = arith.constant 32 : i32
      %add3A_831 = vector.broadcast %add3A_830 : i32 to vector<16xi32>
      %add3A_832 = arith.addi %add3A_831, %iota3A : vector<16xi32>
      %gather3A_833 = tpu.vector_load_idx %arg9[%add3A_832, %broadcast_in_dim3A_792] : memref<64x256xf32, #tpu.memory_space<vmem>>[vector<16xi32>, vector<16xi32>], vector<16xf32>,
      %add3A_834 = arith.constant 32 : i32
      %add3A_835 = vector.broadcast %add3A_834 : i32 to vector<16xi32>
      %add3A_836 = arith.addi %add3A_835, %iota3A : vector<16xi32>
      %add3A_837 = arith.addf %gather3A_829, %gather3A_833 : vector<16xf32>
      tpu.vector_store_idx %arg8[%add3A_836, %broadcast_in_dim3A_792], %add3A_837 : memref<64x256xf32, #tpu.memory_space<vmem>>[vector<16xi32>, vector<16xi32>], vector<16xf32>,
      %broadcast_in_dim3A_838 = arith.constant 3 : i32
      %broadcast_in_dim3A_839 = vector.broadcast %broadcast_in_dim3A_838 : i32 to vector<16xi32>
      %add3A_840 = arith.constant 48 : i32
      %add3A_841 = vector.broadcast %add3A_840 : i32 to vector<16xi32>
      %add3A_842 = arith.addi %add3A_841, %iota3A : vector<16xi32>
      %gather3A_843 = tpu.vector_load_idx %arg7[%broadcast_in_dim3A_839, %add3A_842, %broadcast_in_dim3A_795] : memref<8x64x128xf32, #tpu.memory_space<vmem>>[vector<16xi32>, vector<16xi32>, vector<16xi32>], vector<16xf32>,
      %add3A_844 = arith.constant 48 : i32
      %add3A_845 = vector.broadcast %add3A_844 : i32 to vector<16xi32>
      %add3A_846 = arith.addi %add3A_845, %iota3A : vector<16xi32>
      %gather3A_847 = tpu.vector_load_idx %arg9[%add3A_846, %broadcast_in_dim3A_792] : memref<64x256xf32, #tpu.memory_space<vmem>>[vector<16xi32>, vector<16xi32>], vector<16xf32>,
      %add3A_848 = arith.constant 48 : i32
      %add3A_849 = vector.broadcast %add3A_848 : i32 to vector<16xi32>
      %add3A_850 = arith.addi %add3A_849, %iota3A : vector<16xi32>
      %add3A_851 = arith.addf %gather3A_843, %gather3A_847 : vector<16xf32>
      tpu.vector_store_idx %arg8[%add3A_850, %broadcast_in_dim3A_792], %add3A_851 : memref<64x256xf32, #tpu.memory_space<vmem>>[vector<16xi32>, vector<16xi32>], vector<16xf32>,
      %add3A_852 = arith.constant 8 : i32
      %add3A_853 = arith.addi %add3A_719, %add3A_852 : i32
      %lt3A_854 = arith.constant 256 : i32
      %lt3A_855 = arith.cmpi slt, %add3A_853, %lt3A_854 : i32
      %convert_element_type3A_856 = arith.extui %lt3A_855 : i1 to i32
      %cond3A_857 = arith.constant 0 : i32
      %cond3A_858 = arith.cmpi ne, %convert_element_type3A_856, %cond3A_857 : i32
      scf.if %cond3A_858 {
        %add3A_1431 = arith.constant 8 : i32
        %add3A_1432 = arith.addi %add3A_719, %add3A_1431 : i32
        %jit3A_1433 = arith.constant 16 : i32
        %div3A_1434 = arith.divsi %add3A_1432, %jit3A_1433 : i32
        %sign3A_1435 = arith.constant 0 : i32
        %sign3A_1436 = arith.cmpi sgt, %add3A_1432, %sign3A_1435 : i32
        %sign3A_1437 = arith.extui %sign3A_1436 : i1 to i32
        %sign3A_1438 = arith.constant 0 : i32
        %sign3A_1439 = arith.cmpi slt, %add3A_1432, %sign3A_1438 : i32
        %sign3A_1440 = arith.extui %sign3A_1439 : i1 to i32
        %sign3A_1441 = arith.subi %sign3A_1437, %sign3A_1440 : i32
        %sign3A_1442 = arith.constant 0 : i32
        %sign3A_1443 = arith.cmpi sgt, %jit3A_1433, %sign3A_1442 : i32
        %sign3A_1444 = arith.extui %sign3A_1443 : i1 to i32
        %sign3A_1445 = arith.constant 0 : i32
        %sign3A_1446 = arith.cmpi slt, %jit3A_1433, %sign3A_1445 : i32
        %sign3A_1447 = arith.extui %sign3A_1446 : i1 to i32
        %sign3A_1448 = arith.subi %sign3A_1444, %sign3A_1447 : i32
        %ne3A_1449 = arith.cmpi ne, %sign3A_1441, %sign3A_1448 : i32
        %rem3A_1450 = arith.remsi %add3A_1432, %jit3A_1433 : i32
        %ne3A_1451 = arith.constant 0 : i32
        %ne3A_1452 = arith.cmpi ne, %rem3A_1450, %ne3A_1451 : i32
        %and3A_1453 = arith.andi %ne3A_1449, %ne3A_1452 : i1
        %sub3A_1454 = arith.constant 1 : i32
        %sub3A_1455 = arith.subi %div3A_1434, %sub3A_1454 : i32
        %select_n3A_1456 = arith.select %and3A_1453, %sub3A_1455, %div3A_1434 : i32
        %mul3A_1457 = arith.constant 16 : i32
        %mul3A_1458 = arith.muli %select_n3A_1456, %mul3A_1457 : i32
        %get3A_1459 = arith.index_cast %mul3A_1458 : i32 to index
        %get3A_1460 = tpu.vector_load %arg6[%get3A_1459] {strides = array<i32>} : memref<256xi32, #tpu.memory_space<vmem>>, vector<16xi32>,
        %jit3A_1461 = arith.constant 16 : i32
        %eq3A_1462 = arith.constant 0 : i32
        %eq3A_1463 = arith.cmpi eq, %jit3A_1461, %eq3A_1462 : i32
        %jit3A_1464 = arith.constant 1 : i32
        %select_n3A_1465 = arith.select %eq3A_1463, %jit3A_1464, %jit3A_1461 : i32
        %rem3A_1466 = arith.remsi %add3A_1432, %select_n3A_1465 : i32
        %ne3A_1467 = arith.constant 0 : i32
        %ne3A_1468 = arith.cmpi ne, %rem3A_1466, %ne3A_1467 : i32
        %lt3A_1469 = arith.constant 0 : i32
        %lt3A_1470 = arith.cmpi slt, %rem3A_1466, %lt3A_1469 : i32
        %lt3A_1471 = arith.constant 0 : i32
        %lt3A_1472 = arith.cmpi slt, %select_n3A_1465, %lt3A_1471 : i32
        %ne3A_1473 = arith.xori %lt3A_1470, %lt3A_1472 : i1
        %and3A_1474 = arith.andi %ne3A_1473, %ne3A_1468 : i1
        %add3A_1475 = arith.addi %rem3A_1466, %select_n3A_1465 : i32
        %select_n3A_1476 = arith.select %and3A_1474, %add3A_1475, %rem3A_1466 : i32
        %eq3A_1477 = vector.broadcast %select_n3A_1476 : i32 to vector<16xi32>
        %eq3A_1478 = arith.cmpi eq, %iota3A, %eq3A_1477 : vector<16xi32>
        %jit3A_1479 = arith.constant 0 : i32
        %broadcast_in_dim3A_1480 = vector.broadcast %jit3A_1479 : i32 to vector<16xi32>
        %select_n3A_1481 = arith.select %eq3A_1478, %get3A_1460, %broadcast_in_dim3A_1480 : vector<16xi1>, vector<16xi32>
        %reduce_max3A_1482 = arith.constant true
        %reduce_max3A_1483 = vector.broadcast %reduce_max3A_1482 : i1 to vector<16xi1>
        %reduce_max3A_1484 = arith.constant -2147483648 : i32
        %reduce_max3A_1485 = vector.broadcast %reduce_max3A_1484 : i32 to vector<16xi32>
        %reduce_max3A_1486 = arith.xori %select_n3A_1481, %reduce_max3A_1485 : vector<16xi32>
        %reduce_max3A_1487 = tpu.scan <max>, %reduce_max3A_1486 masked %reduce_max3A_1483 : vector<16xi32>, vector<16xi1> -> vector<16xi32>
        %reduce_max3A_1488 = arith.xori %reduce_max3A_1487, %reduce_max3A_1485 : vector<16xi32>
        %reduce_max3A_1489 = vector.extract %reduce_max3A_1488[15] : i32 from vector<16xi32>
        %shift_right_arithmetic3A_1490 = arith.constant 7 : i32
        %shift_right_arithmetic3A_1491 = arith.shrsi %reduce_max3A_1489, %shift_right_arithmetic3A_1490 : i32
        %mul3A_1492 = arith.constant 128 : i32
        %mul3A_1493 = arith.muli %shift_right_arithmetic3A_1491, %mul3A_1492 : i32
        %multiple_of3A_1494 = tpu.assume_multiple %mul3A_1493, 128 : i32
        %dma_start3A_1495 = arith.constant 3 : i32
        %dma_start3A_1496 = arith.constant 0 : i32
        %dma_start3A_1497 = arith.constant 0 : i32
        %dma_start3A_1498 = tpu.memref_slice %arg7[%dma_start3A_1495, %dma_start3A_1496, %dma_start3A_1497] : memref<8x64x128xf32, #tpu.memory_space<vmem>> -> memref<1x64x128xf32, #tpu.memory_space<vmem>>
        %dma_start3A_1499 = tpu.memref_squeeze %dma_start3A_1498 : memref<1x64x128xf32, #tpu.memory_space<vmem>> -> memref<64x128xf32, #tpu.memory_space<vmem>>
        %dma_start3A_1500 = arith.constant 0 : i32
        %dma_start3A_1501 = tpu.memref_slice %arg3[%dma_start3A_1500, %multiple_of3A_1494] : memref<64x1000000xf32, #tpu.memory_space<hbm>> -> memref<64x128xf32, #tpu.memory_space<hbm>>
        %dma_start3A_1502 = arith.constant 0 : i32
        %dma_start3A_1503 = arith.constant 0 : i32
        %dma_start3A_1504 = tpu.memref_slice %arg7[%dma_start3A_1495, %dma_start3A_1502, %dma_start3A_1503] : memref<8x64x128xf32, #tpu.memory_space<vmem>> -> memref<1x64x128xf32, #tpu.memory_space<vmem>>
        %dma_start3A_1505 = tpu.memref_squeeze %dma_start3A_1504 : memref<1x64x128xf32, #tpu.memory_space<vmem>> -> memref<64x128xf32, #tpu.memory_space<vmem>>
        %dma_start3A_1506 = arith.constant 0 : i32
        %dma_start3A_1507 = tpu.memref_slice %arg3[%dma_start3A_1506, %multiple_of3A_1494] : memref<64x1000000xf32, #tpu.memory_space<hbm>> -> memref<64x128xf32, #tpu.memory_space<hbm>>
        tpu.enqueue_dma source(%dma_start3A_1507 : memref<64x128xf32, #tpu.memory_space<hbm>>) target(%dma_start3A_1505 : memref<64x128xf32, #tpu.memory_space<vmem>>) target_semaphore(%arg13 : memref<!tpu.dma_semaphore, #tpu.memory_space<semaphore_mem>>)
      } else {
      }
      %mul3A_859 = arith.constant 8 : i32
      %mul3A_860 = arith.muli %scan3A_291, %mul3A_859 : i32
      %add3A_861 = arith.constant 4 : i32
      %add3A_862 = arith.addi %mul3A_860, %add3A_861 : i32
      %dma_wait3A_863 = arith.constant 4 : i32
      %dma_wait3A_864 = arith.constant 0 : i32
      %dma_wait3A_865 = arith.constant 0 : i32
      %dma_wait3A_866 = tpu.memref_slice %arg7[%dma_wait3A_863, %dma_wait3A_864, %dma_wait3A_865] : memref<8x64x128xf32, #tpu.memory_space<vmem>> -> memref<1x64x128xf32, #tpu.memory_space<vmem>>
      %dma_wait3A_867 = tpu.memref_squeeze %dma_wait3A_866 : memref<1x64x128xf32, #tpu.memory_space<vmem>> -> memref<64x128xf32, #tpu.memory_space<vmem>>
      %dma_wait3A_868 = arith.constant 0 : i32
      %dma_wait3A_869 = arith.constant 0 : i32
      %dma_wait3A_870 = tpu.memref_slice %arg3[%dma_wait3A_868, %dma_wait3A_869] : memref<64x1000000xf32, #tpu.memory_space<hbm>> -> memref<64x128xf32, #tpu.memory_space<hbm>>
      %dma_wait3A_871 = arith.constant 0 : i32
      %dma_wait3A_872 = arith.constant 0 : i32
      %dma_wait3A_873 = tpu.memref_slice %arg7[%dma_wait3A_863, %dma_wait3A_871, %dma_wait3A_872] : memref<8x64x128xf32, #tpu.memory_space<vmem>> -> memref<1x64x128xf32, #tpu.memory_space<vmem>>
      %dma_wait3A_874 = tpu.memref_squeeze %dma_wait3A_873 : memref<1x64x128xf32, #tpu.memory_space<vmem>> -> memref<64x128xf32, #tpu.memory_space<vmem>>
      %dma_wait3A_875 = arith.constant 0 : i32
      %dma_wait3A_876 = arith.constant 0 : i32
      %dma_wait3A_877 = tpu.memref_slice %arg3[%dma_wait3A_875, %dma_wait3A_876] : memref<64x1000000xf32, #tpu.memory_space<hbm>> -> memref<64x128xf32, #tpu.memory_space<hbm>>
      tpu.wait_dma2 semaphore(%arg14 : memref<!tpu.dma_semaphore, #tpu.memory_space<semaphore_mem>>) src(%dma_wait3A_877 : memref<64x128xf32, #tpu.memory_space<hbm>>) dst(%dma_wait3A_874 : memref<64x128xf32, #tpu.memory_space<vmem>>)
      %jit3A_878 = arith.constant 16 : i32
      %div3A_879 = arith.divsi %add3A_862, %jit3A_878 : i32
      %sign3A_880 = arith.constant 0 : i32
      %sign3A_881 = arith.cmpi sgt, %add3A_862, %sign3A_880 : i32
      %sign3A_882 = arith.extui %sign3A_881 : i1 to i32
      %sign3A_883 = arith.constant 0 : i32
      %sign3A_884 = arith.cmpi slt, %add3A_862, %sign3A_883 : i32
      %sign3A_885 = arith.extui %sign3A_884 : i1 to i32
      %sign3A_886 = arith.subi %sign3A_882, %sign3A_885 : i32
      %sign3A_887 = arith.constant 0 : i32
      %sign3A_888 = arith.cmpi sgt, %jit3A_878, %sign3A_887 : i32
      %sign3A_889 = arith.extui %sign3A_888 : i1 to i32
      %sign3A_890 = arith.constant 0 : i32
      %sign3A_891 = arith.cmpi slt, %jit3A_878, %sign3A_890 : i32
      %sign3A_892 = arith.extui %sign3A_891 : i1 to i32
      %sign3A_893 = arith.subi %sign3A_889, %sign3A_892 : i32
      %ne3A_894 = arith.cmpi ne, %sign3A_886, %sign3A_893 : i32
      %rem3A_895 = arith.remsi %add3A_862, %jit3A_878 : i32
      %ne3A_896 = arith.constant 0 : i32
      %ne3A_897 = arith.cmpi ne, %rem3A_895, %ne3A_896 : i32
      %and3A_898 = arith.andi %ne3A_894, %ne3A_897 : i1
      %sub3A_899 = arith.constant 1 : i32
      %sub3A_900 = arith.subi %div3A_879, %sub3A_899 : i32
      %select_n3A_901 = arith.select %and3A_898, %sub3A_900, %div3A_879 : i32
      %mul3A_902 = arith.constant 16 : i32
      %mul3A_903 = arith.muli %select_n3A_901, %mul3A_902 : i32
      %get3A_904 = arith.index_cast %mul3A_903 : i32 to index
      %get3A_905 = tpu.vector_load %arg6[%get3A_904] {strides = array<i32>} : memref<256xi32, #tpu.memory_space<vmem>>, vector<16xi32>,
      %jit3A_906 = arith.constant 16 : i32
      %eq3A_907 = arith.constant 0 : i32
      %eq3A_908 = arith.cmpi eq, %jit3A_906, %eq3A_907 : i32
      %jit3A_909 = arith.constant 1 : i32
      %select_n3A_910 = arith.select %eq3A_908, %jit3A_909, %jit3A_906 : i32
      %rem3A_911 = arith.remsi %add3A_862, %select_n3A_910 : i32
      %ne3A_912 = arith.constant 0 : i32
      %ne3A_913 = arith.cmpi ne, %rem3A_911, %ne3A_912 : i32
      %lt3A_914 = arith.constant 0 : i32
      %lt3A_915 = arith.cmpi slt, %rem3A_911, %lt3A_914 : i32
      %lt3A_916 = arith.constant 0 : i32
      %lt3A_917 = arith.cmpi slt, %select_n3A_910, %lt3A_916 : i32
      %ne3A_918 = arith.xori %lt3A_915, %lt3A_917 : i1
      %and3A_919 = arith.andi %ne3A_918, %ne3A_913 : i1
      %add3A_920 = arith.addi %rem3A_911, %select_n3A_910 : i32
      %select_n3A_921 = arith.select %and3A_919, %add3A_920, %rem3A_911 : i32
      %eq3A_922 = vector.broadcast %select_n3A_921 : i32 to vector<16xi32>
      %eq3A_923 = arith.cmpi eq, %iota3A, %eq3A_922 : vector<16xi32>
      %jit3A_924 = arith.constant 0 : i32
      %broadcast_in_dim3A_925 = vector.broadcast %jit3A_924 : i32 to vector<16xi32>
      %select_n3A_926 = arith.select %eq3A_923, %get3A_905, %broadcast_in_dim3A_925 : vector<16xi1>, vector<16xi32>
      %reduce_max3A_927 = arith.constant true
      %reduce_max3A_928 = vector.broadcast %reduce_max3A_927 : i1 to vector<16xi1>
      %reduce_max3A_929 = arith.constant -2147483648 : i32
      %reduce_max3A_930 = vector.broadcast %reduce_max3A_929 : i32 to vector<16xi32>
      %reduce_max3A_931 = arith.xori %select_n3A_926, %reduce_max3A_930 : vector<16xi32>
      %reduce_max3A_932 = tpu.scan <max>, %reduce_max3A_931 masked %reduce_max3A_928 : vector<16xi32>, vector<16xi1> -> vector<16xi32>
      %reduce_max3A_933 = arith.xori %reduce_max3A_932, %reduce_max3A_930 : vector<16xi32>
      %reduce_max3A_934 = vector.extract %reduce_max3A_933[15] : i32 from vector<16xi32>
      %broadcast_in_dim3A_935 = vector.broadcast %add3A_862 : i32 to vector<16xi32>
      %and3A_936 = arith.constant 127 : i32
      %and3A_937 = arith.andi %reduce_max3A_934, %and3A_936 : i32
      %broadcast_in_dim3A_938 = vector.broadcast %and3A_937 : i32 to vector<16xi32>
      %broadcast_in_dim3A_939 = arith.constant 4 : i32
      %broadcast_in_dim3A_940 = vector.broadcast %broadcast_in_dim3A_939 : i32 to vector<16xi32>
      %add3A_941 = arith.constant 0 : i32
      %add3A_942 = vector.broadcast %add3A_941 : i32 to vector<16xi32>
      %add3A_943 = arith.addi %add3A_942, %iota3A : vector<16xi32>
      %gather3A_944 = tpu.vector_load_idx %arg7[%broadcast_in_dim3A_940, %add3A_943, %broadcast_in_dim3A_938] : memref<8x64x128xf32, #tpu.memory_space<vmem>>[vector<16xi32>, vector<16xi32>, vector<16xi32>], vector<16xf32>,
      %add3A_945 = arith.constant 0 : i32
      %add3A_946 = vector.broadcast %add3A_945 : i32 to vector<16xi32>
      %add3A_947 = arith.addi %add3A_946, %iota3A : vector<16xi32>
      %gather3A_948 = tpu.vector_load_idx %arg9[%add3A_947, %broadcast_in_dim3A_935] : memref<64x256xf32, #tpu.memory_space<vmem>>[vector<16xi32>, vector<16xi32>], vector<16xf32>,
      %add3A_949 = arith.constant 0 : i32
      %add3A_950 = vector.broadcast %add3A_949 : i32 to vector<16xi32>
      %add3A_951 = arith.addi %add3A_950, %iota3A : vector<16xi32>
      %add3A_952 = arith.addf %gather3A_944, %gather3A_948 : vector<16xf32>
      tpu.vector_store_idx %arg8[%add3A_951, %broadcast_in_dim3A_935], %add3A_952 : memref<64x256xf32, #tpu.memory_space<vmem>>[vector<16xi32>, vector<16xi32>], vector<16xf32>,
      %broadcast_in_dim3A_953 = arith.constant 4 : i32
      %broadcast_in_dim3A_954 = vector.broadcast %broadcast_in_dim3A_953 : i32 to vector<16xi32>
      %add3A_955 = arith.constant 16 : i32
      %add3A_956 = vector.broadcast %add3A_955 : i32 to vector<16xi32>
      %add3A_957 = arith.addi %add3A_956, %iota3A : vector<16xi32>
      %gather3A_958 = tpu.vector_load_idx %arg7[%broadcast_in_dim3A_954, %add3A_957, %broadcast_in_dim3A_938] : memref<8x64x128xf32, #tpu.memory_space<vmem>>[vector<16xi32>, vector<16xi32>, vector<16xi32>], vector<16xf32>,
      %add3A_959 = arith.constant 16 : i32
      %add3A_960 = vector.broadcast %add3A_959 : i32 to vector<16xi32>
      %add3A_961 = arith.addi %add3A_960, %iota3A : vector<16xi32>
      %gather3A_962 = tpu.vector_load_idx %arg9[%add3A_961, %broadcast_in_dim3A_935] : memref<64x256xf32, #tpu.memory_space<vmem>>[vector<16xi32>, vector<16xi32>], vector<16xf32>,
      %add3A_963 = arith.constant 16 : i32
      %add3A_964 = vector.broadcast %add3A_963 : i32 to vector<16xi32>
      %add3A_965 = arith.addi %add3A_964, %iota3A : vector<16xi32>
      %add3A_966 = arith.addf %gather3A_958, %gather3A_962 : vector<16xf32>
      tpu.vector_store_idx %arg8[%add3A_965, %broadcast_in_dim3A_935], %add3A_966 : memref<64x256xf32, #tpu.memory_space<vmem>>[vector<16xi32>, vector<16xi32>], vector<16xf32>,
      %broadcast_in_dim3A_967 = arith.constant 4 : i32
      %broadcast_in_dim3A_968 = vector.broadcast %broadcast_in_dim3A_967 : i32 to vector<16xi32>
      %add3A_969 = arith.constant 32 : i32
      %add3A_970 = vector.broadcast %add3A_969 : i32 to vector<16xi32>
      %add3A_971 = arith.addi %add3A_970, %iota3A : vector<16xi32>
      %gather3A_972 = tpu.vector_load_idx %arg7[%broadcast_in_dim3A_968, %add3A_971, %broadcast_in_dim3A_938] : memref<8x64x128xf32, #tpu.memory_space<vmem>>[vector<16xi32>, vector<16xi32>, vector<16xi32>], vector<16xf32>,
      %add3A_973 = arith.constant 32 : i32
      %add3A_974 = vector.broadcast %add3A_973 : i32 to vector<16xi32>
      %add3A_975 = arith.addi %add3A_974, %iota3A : vector<16xi32>
      %gather3A_976 = tpu.vector_load_idx %arg9[%add3A_975, %broadcast_in_dim3A_935] : memref<64x256xf32, #tpu.memory_space<vmem>>[vector<16xi32>, vector<16xi32>], vector<16xf32>,
      %add3A_977 = arith.constant 32 : i32
      %add3A_978 = vector.broadcast %add3A_977 : i32 to vector<16xi32>
      %add3A_979 = arith.addi %add3A_978, %iota3A : vector<16xi32>
      %add3A_980 = arith.addf %gather3A_972, %gather3A_976 : vector<16xf32>
      tpu.vector_store_idx %arg8[%add3A_979, %broadcast_in_dim3A_935], %add3A_980 : memref<64x256xf32, #tpu.memory_space<vmem>>[vector<16xi32>, vector<16xi32>], vector<16xf32>,
      %broadcast_in_dim3A_981 = arith.constant 4 : i32
      %broadcast_in_dim3A_982 = vector.broadcast %broadcast_in_dim3A_981 : i32 to vector<16xi32>
      %add3A_983 = arith.constant 48 : i32
      %add3A_984 = vector.broadcast %add3A_983 : i32 to vector<16xi32>
      %add3A_985 = arith.addi %add3A_984, %iota3A : vector<16xi32>
      %gather3A_986 = tpu.vector_load_idx %arg7[%broadcast_in_dim3A_982, %add3A_985, %broadcast_in_dim3A_938] : memref<8x64x128xf32, #tpu.memory_space<vmem>>[vector<16xi32>, vector<16xi32>, vector<16xi32>], vector<16xf32>,
      %add3A_987 = arith.constant 48 : i32
      %add3A_988 = vector.broadcast %add3A_987 : i32 to vector<16xi32>
      %add3A_989 = arith.addi %add3A_988, %iota3A : vector<16xi32>
      %gather3A_990 = tpu.vector_load_idx %arg9[%add3A_989, %broadcast_in_dim3A_935] : memref<64x256xf32, #tpu.memory_space<vmem>>[vector<16xi32>, vector<16xi32>], vector<16xf32>,
      %add3A_991 = arith.constant 48 : i32
      %add3A_992 = vector.broadcast %add3A_991 : i32 to vector<16xi32>
      %add3A_993 = arith.addi %add3A_992, %iota3A : vector<16xi32>
      %add3A_994 = arith.addf %gather3A_986, %gather3A_990 : vector<16xf32>
      tpu.vector_store_idx %arg8[%add3A_993, %broadcast_in_dim3A_935], %add3A_994 : memref<64x256xf32, #tpu.memory_space<vmem>>[vector<16xi32>, vector<16xi32>], vector<16xf32>,
      %add3A_995 = arith.constant 8 : i32
      %add3A_996 = arith.addi %add3A_862, %add3A_995 : i32
      %lt3A_997 = arith.constant 256 : i32
      %lt3A_998 = arith.cmpi slt, %add3A_996, %lt3A_997 : i32
      %convert_element_type3A_999 = arith.extui %lt3A_998 : i1 to i32
      %cond3A_1000 = arith.constant 0 : i32
      %cond3A_1001 = arith.cmpi ne, %convert_element_type3A_999, %cond3A_1000 : i32
      scf.if %cond3A_1001 {
        %add3A_1431 = arith.constant 8 : i32
        %add3A_1432 = arith.addi %add3A_862, %add3A_1431 : i32
        %jit3A_1433 = arith.constant 16 : i32
        %div3A_1434 = arith.divsi %add3A_1432, %jit3A_1433 : i32
        %sign3A_1435 = arith.constant 0 : i32
        %sign3A_1436 = arith.cmpi sgt, %add3A_1432, %sign3A_1435 : i32
        %sign3A_1437 = arith.extui %sign3A_1436 : i1 to i32
        %sign3A_1438 = arith.constant 0 : i32
        %sign3A_1439 = arith.cmpi slt, %add3A_1432, %sign3A_1438 : i32
        %sign3A_1440 = arith.extui %sign3A_1439 : i1 to i32
        %sign3A_1441 = arith.subi %sign3A_1437, %sign3A_1440 : i32
        %sign3A_1442 = arith.constant 0 : i32
        %sign3A_1443 = arith.cmpi sgt, %jit3A_1433, %sign3A_1442 : i32
        %sign3A_1444 = arith.extui %sign3A_1443 : i1 to i32
        %sign3A_1445 = arith.constant 0 : i32
        %sign3A_1446 = arith.cmpi slt, %jit3A_1433, %sign3A_1445 : i32
        %sign3A_1447 = arith.extui %sign3A_1446 : i1 to i32
        %sign3A_1448 = arith.subi %sign3A_1444, %sign3A_1447 : i32
        %ne3A_1449 = arith.cmpi ne, %sign3A_1441, %sign3A_1448 : i32
        %rem3A_1450 = arith.remsi %add3A_1432, %jit3A_1433 : i32
        %ne3A_1451 = arith.constant 0 : i32
        %ne3A_1452 = arith.cmpi ne, %rem3A_1450, %ne3A_1451 : i32
        %and3A_1453 = arith.andi %ne3A_1449, %ne3A_1452 : i1
        %sub3A_1454 = arith.constant 1 : i32
        %sub3A_1455 = arith.subi %div3A_1434, %sub3A_1454 : i32
        %select_n3A_1456 = arith.select %and3A_1453, %sub3A_1455, %div3A_1434 : i32
        %mul3A_1457 = arith.constant 16 : i32
        %mul3A_1458 = arith.muli %select_n3A_1456, %mul3A_1457 : i32
        %get3A_1459 = arith.index_cast %mul3A_1458 : i32 to index
        %get3A_1460 = tpu.vector_load %arg6[%get3A_1459] {strides = array<i32>} : memref<256xi32, #tpu.memory_space<vmem>>, vector<16xi32>,
        %jit3A_1461 = arith.constant 16 : i32
        %eq3A_1462 = arith.constant 0 : i32
        %eq3A_1463 = arith.cmpi eq, %jit3A_1461, %eq3A_1462 : i32
        %jit3A_1464 = arith.constant 1 : i32
        %select_n3A_1465 = arith.select %eq3A_1463, %jit3A_1464, %jit3A_1461 : i32
        %rem3A_1466 = arith.remsi %add3A_1432, %select_n3A_1465 : i32
        %ne3A_1467 = arith.constant 0 : i32
        %ne3A_1468 = arith.cmpi ne, %rem3A_1466, %ne3A_1467 : i32
        %lt3A_1469 = arith.constant 0 : i32
        %lt3A_1470 = arith.cmpi slt, %rem3A_1466, %lt3A_1469 : i32
        %lt3A_1471 = arith.constant 0 : i32
        %lt3A_1472 = arith.cmpi slt, %select_n3A_1465, %lt3A_1471 : i32
        %ne3A_1473 = arith.xori %lt3A_1470, %lt3A_1472 : i1
        %and3A_1474 = arith.andi %ne3A_1473, %ne3A_1468 : i1
        %add3A_1475 = arith.addi %rem3A_1466, %select_n3A_1465 : i32
        %select_n3A_1476 = arith.select %and3A_1474, %add3A_1475, %rem3A_1466 : i32
        %eq3A_1477 = vector.broadcast %select_n3A_1476 : i32 to vector<16xi32>
        %eq3A_1478 = arith.cmpi eq, %iota3A, %eq3A_1477 : vector<16xi32>
        %jit3A_1479 = arith.constant 0 : i32
        %broadcast_in_dim3A_1480 = vector.broadcast %jit3A_1479 : i32 to vector<16xi32>
        %select_n3A_1481 = arith.select %eq3A_1478, %get3A_1460, %broadcast_in_dim3A_1480 : vector<16xi1>, vector<16xi32>
        %reduce_max3A_1482 = arith.constant true
        %reduce_max3A_1483 = vector.broadcast %reduce_max3A_1482 : i1 to vector<16xi1>
        %reduce_max3A_1484 = arith.constant -2147483648 : i32
        %reduce_max3A_1485 = vector.broadcast %reduce_max3A_1484 : i32 to vector<16xi32>
        %reduce_max3A_1486 = arith.xori %select_n3A_1481, %reduce_max3A_1485 : vector<16xi32>
        %reduce_max3A_1487 = tpu.scan <max>, %reduce_max3A_1486 masked %reduce_max3A_1483 : vector<16xi32>, vector<16xi1> -> vector<16xi32>
        %reduce_max3A_1488 = arith.xori %reduce_max3A_1487, %reduce_max3A_1485 : vector<16xi32>
        %reduce_max3A_1489 = vector.extract %reduce_max3A_1488[15] : i32 from vector<16xi32>
        %shift_right_arithmetic3A_1490 = arith.constant 7 : i32
        %shift_right_arithmetic3A_1491 = arith.shrsi %reduce_max3A_1489, %shift_right_arithmetic3A_1490 : i32
        %mul3A_1492 = arith.constant 128 : i32
        %mul3A_1493 = arith.muli %shift_right_arithmetic3A_1491, %mul3A_1492 : i32
        %multiple_of3A_1494 = tpu.assume_multiple %mul3A_1493, 128 : i32
        %dma_start3A_1495 = arith.constant 4 : i32
        %dma_start3A_1496 = arith.constant 0 : i32
        %dma_start3A_1497 = arith.constant 0 : i32
        %dma_start3A_1498 = tpu.memref_slice %arg7[%dma_start3A_1495, %dma_start3A_1496, %dma_start3A_1497] : memref<8x64x128xf32, #tpu.memory_space<vmem>> -> memref<1x64x128xf32, #tpu.memory_space<vmem>>
        %dma_start3A_1499 = tpu.memref_squeeze %dma_start3A_1498 : memref<1x64x128xf32, #tpu.memory_space<vmem>> -> memref<64x128xf32, #tpu.memory_space<vmem>>
        %dma_start3A_1500 = arith.constant 0 : i32
        %dma_start3A_1501 = tpu.memref_slice %arg3[%dma_start3A_1500, %multiple_of3A_1494] : memref<64x1000000xf32, #tpu.memory_space<hbm>> -> memref<64x128xf32, #tpu.memory_space<hbm>>
        %dma_start3A_1502 = arith.constant 0 : i32
        %dma_start3A_1503 = arith.constant 0 : i32
        %dma_start3A_1504 = tpu.memref_slice %arg7[%dma_start3A_1495, %dma_start3A_1502, %dma_start3A_1503] : memref<8x64x128xf32, #tpu.memory_space<vmem>> -> memref<1x64x128xf32, #tpu.memory_space<vmem>>
        %dma_start3A_1505 = tpu.memref_squeeze %dma_start3A_1504 : memref<1x64x128xf32, #tpu.memory_space<vmem>> -> memref<64x128xf32, #tpu.memory_space<vmem>>
        %dma_start3A_1506 = arith.constant 0 : i32
        %dma_start3A_1507 = tpu.memref_slice %arg3[%dma_start3A_1506, %multiple_of3A_1494] : memref<64x1000000xf32, #tpu.memory_space<hbm>> -> memref<64x128xf32, #tpu.memory_space<hbm>>
        tpu.enqueue_dma source(%dma_start3A_1507 : memref<64x128xf32, #tpu.memory_space<hbm>>) target(%dma_start3A_1505 : memref<64x128xf32, #tpu.memory_space<vmem>>) target_semaphore(%arg14 : memref<!tpu.dma_semaphore, #tpu.memory_space<semaphore_mem>>)
      } else {
      }
      %mul3A_1002 = arith.constant 8 : i32
      %mul3A_1003 = arith.muli %scan3A_291, %mul3A_1002 : i32
      %add3A_1004 = arith.constant 5 : i32
      %add3A_1005 = arith.addi %mul3A_1003, %add3A_1004 : i32
      %dma_wait3A_1006 = arith.constant 5 : i32
      %dma_wait3A_1007 = arith.constant 0 : i32
      %dma_wait3A_1008 = arith.constant 0 : i32
      %dma_wait3A_1009 = tpu.memref_slice %arg7[%dma_wait3A_1006, %dma_wait3A_1007, %dma_wait3A_1008] : memref<8x64x128xf32, #tpu.memory_space<vmem>> -> memref<1x64x128xf32, #tpu.memory_space<vmem>>
      %dma_wait3A_1010 = tpu.memref_squeeze %dma_wait3A_1009 : memref<1x64x128xf32, #tpu.memory_space<vmem>> -> memref<64x128xf32, #tpu.memory_space<vmem>>
      %dma_wait3A_1011 = arith.constant 0 : i32
      %dma_wait3A_1012 = arith.constant 0 : i32
      %dma_wait3A_1013 = tpu.memref_slice %arg3[%dma_wait3A_1011, %dma_wait3A_1012] : memref<64x1000000xf32, #tpu.memory_space<hbm>> -> memref<64x128xf32, #tpu.memory_space<hbm>>
      %dma_wait3A_1014 = arith.constant 0 : i32
      %dma_wait3A_1015 = arith.constant 0 : i32
      %dma_wait3A_1016 = tpu.memref_slice %arg7[%dma_wait3A_1006, %dma_wait3A_1014, %dma_wait3A_1015] : memref<8x64x128xf32, #tpu.memory_space<vmem>> -> memref<1x64x128xf32, #tpu.memory_space<vmem>>
      %dma_wait3A_1017 = tpu.memref_squeeze %dma_wait3A_1016 : memref<1x64x128xf32, #tpu.memory_space<vmem>> -> memref<64x128xf32, #tpu.memory_space<vmem>>
      %dma_wait3A_1018 = arith.constant 0 : i32
      %dma_wait3A_1019 = arith.constant 0 : i32
      %dma_wait3A_1020 = tpu.memref_slice %arg3[%dma_wait3A_1018, %dma_wait3A_1019] : memref<64x1000000xf32, #tpu.memory_space<hbm>> -> memref<64x128xf32, #tpu.memory_space<hbm>>
      tpu.wait_dma2 semaphore(%arg15 : memref<!tpu.dma_semaphore, #tpu.memory_space<semaphore_mem>>) src(%dma_wait3A_1020 : memref<64x128xf32, #tpu.memory_space<hbm>>) dst(%dma_wait3A_1017 : memref<64x128xf32, #tpu.memory_space<vmem>>)
      %jit3A_1021 = arith.constant 16 : i32
      %div3A_1022 = arith.divsi %add3A_1005, %jit3A_1021 : i32
      %sign3A_1023 = arith.constant 0 : i32
      %sign3A_1024 = arith.cmpi sgt, %add3A_1005, %sign3A_1023 : i32
      %sign3A_1025 = arith.extui %sign3A_1024 : i1 to i32
      %sign3A_1026 = arith.constant 0 : i32
      %sign3A_1027 = arith.cmpi slt, %add3A_1005, %sign3A_1026 : i32
      %sign3A_1028 = arith.extui %sign3A_1027 : i1 to i32
      %sign3A_1029 = arith.subi %sign3A_1025, %sign3A_1028 : i32
      %sign3A_1030 = arith.constant 0 : i32
      %sign3A_1031 = arith.cmpi sgt, %jit3A_1021, %sign3A_1030 : i32
      %sign3A_1032 = arith.extui %sign3A_1031 : i1 to i32
      %sign3A_1033 = arith.constant 0 : i32
      %sign3A_1034 = arith.cmpi slt, %jit3A_1021, %sign3A_1033 : i32
      %sign3A_1035 = arith.extui %sign3A_1034 : i1 to i32
      %sign3A_1036 = arith.subi %sign3A_1032, %sign3A_1035 : i32
      %ne3A_1037 = arith.cmpi ne, %sign3A_1029, %sign3A_1036 : i32
      %rem3A_1038 = arith.remsi %add3A_1005, %jit3A_1021 : i32
      %ne3A_1039 = arith.constant 0 : i32
      %ne3A_1040 = arith.cmpi ne, %rem3A_1038, %ne3A_1039 : i32
      %and3A_1041 = arith.andi %ne3A_1037, %ne3A_1040 : i1
      %sub3A_1042 = arith.constant 1 : i32
      %sub3A_1043 = arith.subi %div3A_1022, %sub3A_1042 : i32
      %select_n3A_1044 = arith.select %and3A_1041, %sub3A_1043, %div3A_1022 : i32
      %mul3A_1045 = arith.constant 16 : i32
      %mul3A_1046 = arith.muli %select_n3A_1044, %mul3A_1045 : i32
      %get3A_1047 = arith.index_cast %mul3A_1046 : i32 to index
      %get3A_1048 = tpu.vector_load %arg6[%get3A_1047] {strides = array<i32>} : memref<256xi32, #tpu.memory_space<vmem>>, vector<16xi32>,
      %jit3A_1049 = arith.constant 16 : i32
      %eq3A_1050 = arith.constant 0 : i32
      %eq3A_1051 = arith.cmpi eq, %jit3A_1049, %eq3A_1050 : i32
      %jit3A_1052 = arith.constant 1 : i32
      %select_n3A_1053 = arith.select %eq3A_1051, %jit3A_1052, %jit3A_1049 : i32
      %rem3A_1054 = arith.remsi %add3A_1005, %select_n3A_1053 : i32
      %ne3A_1055 = arith.constant 0 : i32
      %ne3A_1056 = arith.cmpi ne, %rem3A_1054, %ne3A_1055 : i32
      %lt3A_1057 = arith.constant 0 : i32
      %lt3A_1058 = arith.cmpi slt, %rem3A_1054, %lt3A_1057 : i32
      %lt3A_1059 = arith.constant 0 : i32
      %lt3A_1060 = arith.cmpi slt, %select_n3A_1053, %lt3A_1059 : i32
      %ne3A_1061 = arith.xori %lt3A_1058, %lt3A_1060 : i1
      %and3A_1062 = arith.andi %ne3A_1061, %ne3A_1056 : i1
      %add3A_1063 = arith.addi %rem3A_1054, %select_n3A_1053 : i32
      %select_n3A_1064 = arith.select %and3A_1062, %add3A_1063, %rem3A_1054 : i32
      %eq3A_1065 = vector.broadcast %select_n3A_1064 : i32 to vector<16xi32>
      %eq3A_1066 = arith.cmpi eq, %iota3A, %eq3A_1065 : vector<16xi32>
      %jit3A_1067 = arith.constant 0 : i32
      %broadcast_in_dim3A_1068 = vector.broadcast %jit3A_1067 : i32 to vector<16xi32>
      %select_n3A_1069 = arith.select %eq3A_1066, %get3A_1048, %broadcast_in_dim3A_1068 : vector<16xi1>, vector<16xi32>
      %reduce_max3A_1070 = arith.constant true
      %reduce_max3A_1071 = vector.broadcast %reduce_max3A_1070 : i1 to vector<16xi1>
      %reduce_max3A_1072 = arith.constant -2147483648 : i32
      %reduce_max3A_1073 = vector.broadcast %reduce_max3A_1072 : i32 to vector<16xi32>
      %reduce_max3A_1074 = arith.xori %select_n3A_1069, %reduce_max3A_1073 : vector<16xi32>
      %reduce_max3A_1075 = tpu.scan <max>, %reduce_max3A_1074 masked %reduce_max3A_1071 : vector<16xi32>, vector<16xi1> -> vector<16xi32>
      %reduce_max3A_1076 = arith.xori %reduce_max3A_1075, %reduce_max3A_1073 : vector<16xi32>
      %reduce_max3A_1077 = vector.extract %reduce_max3A_1076[15] : i32 from vector<16xi32>
      %broadcast_in_dim3A_1078 = vector.broadcast %add3A_1005 : i32 to vector<16xi32>
      %and3A_1079 = arith.constant 127 : i32
      %and3A_1080 = arith.andi %reduce_max3A_1077, %and3A_1079 : i32
      %broadcast_in_dim3A_1081 = vector.broadcast %and3A_1080 : i32 to vector<16xi32>
      %broadcast_in_dim3A_1082 = arith.constant 5 : i32
      %broadcast_in_dim3A_1083 = vector.broadcast %broadcast_in_dim3A_1082 : i32 to vector<16xi32>
      %add3A_1084 = arith.constant 0 : i32
      %add3A_1085 = vector.broadcast %add3A_1084 : i32 to vector<16xi32>
      %add3A_1086 = arith.addi %add3A_1085, %iota3A : vector<16xi32>
      %gather3A_1087 = tpu.vector_load_idx %arg7[%broadcast_in_dim3A_1083, %add3A_1086, %broadcast_in_dim3A_1081] : memref<8x64x128xf32, #tpu.memory_space<vmem>>[vector<16xi32>, vector<16xi32>, vector<16xi32>], vector<16xf32>,
      %add3A_1088 = arith.constant 0 : i32
      %add3A_1089 = vector.broadcast %add3A_1088 : i32 to vector<16xi32>
      %add3A_1090 = arith.addi %add3A_1089, %iota3A : vector<16xi32>
      %gather3A_1091 = tpu.vector_load_idx %arg9[%add3A_1090, %broadcast_in_dim3A_1078] : memref<64x256xf32, #tpu.memory_space<vmem>>[vector<16xi32>, vector<16xi32>], vector<16xf32>,
      %add3A_1092 = arith.constant 0 : i32
      %add3A_1093 = vector.broadcast %add3A_1092 : i32 to vector<16xi32>
      %add3A_1094 = arith.addi %add3A_1093, %iota3A : vector<16xi32>
      %add3A_1095 = arith.addf %gather3A_1087, %gather3A_1091 : vector<16xf32>
      tpu.vector_store_idx %arg8[%add3A_1094, %broadcast_in_dim3A_1078], %add3A_1095 : memref<64x256xf32, #tpu.memory_space<vmem>>[vector<16xi32>, vector<16xi32>], vector<16xf32>,
      %broadcast_in_dim3A_1096 = arith.constant 5 : i32
      %broadcast_in_dim3A_1097 = vector.broadcast %broadcast_in_dim3A_1096 : i32 to vector<16xi32>
      %add3A_1098 = arith.constant 16 : i32
      %add3A_1099 = vector.broadcast %add3A_1098 : i32 to vector<16xi32>
      %add3A_1100 = arith.addi %add3A_1099, %iota3A : vector<16xi32>
      %gather3A_1101 = tpu.vector_load_idx %arg7[%broadcast_in_dim3A_1097, %add3A_1100, %broadcast_in_dim3A_1081] : memref<8x64x128xf32, #tpu.memory_space<vmem>>[vector<16xi32>, vector<16xi32>, vector<16xi32>], vector<16xf32>,
      %add3A_1102 = arith.constant 16 : i32
      %add3A_1103 = vector.broadcast %add3A_1102 : i32 to vector<16xi32>
      %add3A_1104 = arith.addi %add3A_1103, %iota3A : vector<16xi32>
      %gather3A_1105 = tpu.vector_load_idx %arg9[%add3A_1104, %broadcast_in_dim3A_1078] : memref<64x256xf32, #tpu.memory_space<vmem>>[vector<16xi32>, vector<16xi32>], vector<16xf32>,
      %add3A_1106 = arith.constant 16 : i32
      %add3A_1107 = vector.broadcast %add3A_1106 : i32 to vector<16xi32>
      %add3A_1108 = arith.addi %add3A_1107, %iota3A : vector<16xi32>
      %add3A_1109 = arith.addf %gather3A_1101, %gather3A_1105 : vector<16xf32>
      tpu.vector_store_idx %arg8[%add3A_1108, %broadcast_in_dim3A_1078], %add3A_1109 : memref<64x256xf32, #tpu.memory_space<vmem>>[vector<16xi32>, vector<16xi32>], vector<16xf32>,
      %broadcast_in_dim3A_1110 = arith.constant 5 : i32
      %broadcast_in_dim3A_1111 = vector.broadcast %broadcast_in_dim3A_1110 : i32 to vector<16xi32>
      %add3A_1112 = arith.constant 32 : i32
      %add3A_1113 = vector.broadcast %add3A_1112 : i32 to vector<16xi32>
      %add3A_1114 = arith.addi %add3A_1113, %iota3A : vector<16xi32>
      %gather3A_1115 = tpu.vector_load_idx %arg7[%broadcast_in_dim3A_1111, %add3A_1114, %broadcast_in_dim3A_1081] : memref<8x64x128xf32, #tpu.memory_space<vmem>>[vector<16xi32>, vector<16xi32>, vector<16xi32>], vector<16xf32>,
      %add3A_1116 = arith.constant 32 : i32
      %add3A_1117 = vector.broadcast %add3A_1116 : i32 to vector<16xi32>
      %add3A_1118 = arith.addi %add3A_1117, %iota3A : vector<16xi32>
      %gather3A_1119 = tpu.vector_load_idx %arg9[%add3A_1118, %broadcast_in_dim3A_1078] : memref<64x256xf32, #tpu.memory_space<vmem>>[vector<16xi32>, vector<16xi32>], vector<16xf32>,
      %add3A_1120 = arith.constant 32 : i32
      %add3A_1121 = vector.broadcast %add3A_1120 : i32 to vector<16xi32>
      %add3A_1122 = arith.addi %add3A_1121, %iota3A : vector<16xi32>
      %add3A_1123 = arith.addf %gather3A_1115, %gather3A_1119 : vector<16xf32>
      tpu.vector_store_idx %arg8[%add3A_1122, %broadcast_in_dim3A_1078], %add3A_1123 : memref<64x256xf32, #tpu.memory_space<vmem>>[vector<16xi32>, vector<16xi32>], vector<16xf32>,
      %broadcast_in_dim3A_1124 = arith.constant 5 : i32
      %broadcast_in_dim3A_1125 = vector.broadcast %broadcast_in_dim3A_1124 : i32 to vector<16xi32>
      %add3A_1126 = arith.constant 48 : i32
      %add3A_1127 = vector.broadcast %add3A_1126 : i32 to vector<16xi32>
      %add3A_1128 = arith.addi %add3A_1127, %iota3A : vector<16xi32>
      %gather3A_1129 = tpu.vector_load_idx %arg7[%broadcast_in_dim3A_1125, %add3A_1128, %broadcast_in_dim3A_1081] : memref<8x64x128xf32, #tpu.memory_space<vmem>>[vector<16xi32>, vector<16xi32>, vector<16xi32>], vector<16xf32>,
      %add3A_1130 = arith.constant 48 : i32
      %add3A_1131 = vector.broadcast %add3A_1130 : i32 to vector<16xi32>
      %add3A_1132 = arith.addi %add3A_1131, %iota3A : vector<16xi32>
      %gather3A_1133 = tpu.vector_load_idx %arg9[%add3A_1132, %broadcast_in_dim3A_1078] : memref<64x256xf32, #tpu.memory_space<vmem>>[vector<16xi32>, vector<16xi32>], vector<16xf32>,
      %add3A_1134 = arith.constant 48 : i32
      %add3A_1135 = vector.broadcast %add3A_1134 : i32 to vector<16xi32>
      %add3A_1136 = arith.addi %add3A_1135, %iota3A : vector<16xi32>
      %add3A_1137 = arith.addf %gather3A_1129, %gather3A_1133 : vector<16xf32>
      tpu.vector_store_idx %arg8[%add3A_1136, %broadcast_in_dim3A_1078], %add3A_1137 : memref<64x256xf32, #tpu.memory_space<vmem>>[vector<16xi32>, vector<16xi32>], vector<16xf32>,
      %add3A_1138 = arith.constant 8 : i32
      %add3A_1139 = arith.addi %add3A_1005, %add3A_1138 : i32
      %lt3A_1140 = arith.constant 256 : i32
      %lt3A_1141 = arith.cmpi slt, %add3A_1139, %lt3A_1140 : i32
      %convert_element_type3A_1142 = arith.extui %lt3A_1141 : i1 to i32
      %cond3A_1143 = arith.constant 0 : i32
      %cond3A_1144 = arith.cmpi ne, %convert_element_type3A_1142, %cond3A_1143 : i32
      scf.if %cond3A_1144 {
        %add3A_1431 = arith.constant 8 : i32
        %add3A_1432 = arith.addi %add3A_1005, %add3A_1431 : i32
        %jit3A_1433 = arith.constant 16 : i32
        %div3A_1434 = arith.divsi %add3A_1432, %jit3A_1433 : i32
        %sign3A_1435 = arith.constant 0 : i32
        %sign3A_1436 = arith.cmpi sgt, %add3A_1432, %sign3A_1435 : i32
        %sign3A_1437 = arith.extui %sign3A_1436 : i1 to i32
        %sign3A_1438 = arith.constant 0 : i32
        %sign3A_1439 = arith.cmpi slt, %add3A_1432, %sign3A_1438 : i32
        %sign3A_1440 = arith.extui %sign3A_1439 : i1 to i32
        %sign3A_1441 = arith.subi %sign3A_1437, %sign3A_1440 : i32
        %sign3A_1442 = arith.constant 0 : i32
        %sign3A_1443 = arith.cmpi sgt, %jit3A_1433, %sign3A_1442 : i32
        %sign3A_1444 = arith.extui %sign3A_1443 : i1 to i32
        %sign3A_1445 = arith.constant 0 : i32
        %sign3A_1446 = arith.cmpi slt, %jit3A_1433, %sign3A_1445 : i32
        %sign3A_1447 = arith.extui %sign3A_1446 : i1 to i32
        %sign3A_1448 = arith.subi %sign3A_1444, %sign3A_1447 : i32
        %ne3A_1449 = arith.cmpi ne, %sign3A_1441, %sign3A_1448 : i32
        %rem3A_1450 = arith.remsi %add3A_1432, %jit3A_1433 : i32
        %ne3A_1451 = arith.constant 0 : i32
        %ne3A_1452 = arith.cmpi ne, %rem3A_1450, %ne3A_1451 : i32
        %and3A_1453 = arith.andi %ne3A_1449, %ne3A_1452 : i1
        %sub3A_1454 = arith.constant 1 : i32
        %sub3A_1455 = arith.subi %div3A_1434, %sub3A_1454 : i32
        %select_n3A_1456 = arith.select %and3A_1453, %sub3A_1455, %div3A_1434 : i32
        %mul3A_1457 = arith.constant 16 : i32
        %mul3A_1458 = arith.muli %select_n3A_1456, %mul3A_1457 : i32
        %get3A_1459 = arith.index_cast %mul3A_1458 : i32 to index
        %get3A_1460 = tpu.vector_load %arg6[%get3A_1459] {strides = array<i32>} : memref<256xi32, #tpu.memory_space<vmem>>, vector<16xi32>,
        %jit3A_1461 = arith.constant 16 : i32
        %eq3A_1462 = arith.constant 0 : i32
        %eq3A_1463 = arith.cmpi eq, %jit3A_1461, %eq3A_1462 : i32
        %jit3A_1464 = arith.constant 1 : i32
        %select_n3A_1465 = arith.select %eq3A_1463, %jit3A_1464, %jit3A_1461 : i32
        %rem3A_1466 = arith.remsi %add3A_1432, %select_n3A_1465 : i32
        %ne3A_1467 = arith.constant 0 : i32
        %ne3A_1468 = arith.cmpi ne, %rem3A_1466, %ne3A_1467 : i32
        %lt3A_1469 = arith.constant 0 : i32
        %lt3A_1470 = arith.cmpi slt, %rem3A_1466, %lt3A_1469 : i32
        %lt3A_1471 = arith.constant 0 : i32
        %lt3A_1472 = arith.cmpi slt, %select_n3A_1465, %lt3A_1471 : i32
        %ne3A_1473 = arith.xori %lt3A_1470, %lt3A_1472 : i1
        %and3A_1474 = arith.andi %ne3A_1473, %ne3A_1468 : i1
        %add3A_1475 = arith.addi %rem3A_1466, %select_n3A_1465 : i32
        %select_n3A_1476 = arith.select %and3A_1474, %add3A_1475, %rem3A_1466 : i32
        %eq3A_1477 = vector.broadcast %select_n3A_1476 : i32 to vector<16xi32>
        %eq3A_1478 = arith.cmpi eq, %iota3A, %eq3A_1477 : vector<16xi32>
        %jit3A_1479 = arith.constant 0 : i32
        %broadcast_in_dim3A_1480 = vector.broadcast %jit3A_1479 : i32 to vector<16xi32>
        %select_n3A_1481 = arith.select %eq3A_1478, %get3A_1460, %broadcast_in_dim3A_1480 : vector<16xi1>, vector<16xi32>
        %reduce_max3A_1482 = arith.constant true
        %reduce_max3A_1483 = vector.broadcast %reduce_max3A_1482 : i1 to vector<16xi1>
        %reduce_max3A_1484 = arith.constant -2147483648 : i32
        %reduce_max3A_1485 = vector.broadcast %reduce_max3A_1484 : i32 to vector<16xi32>
        %reduce_max3A_1486 = arith.xori %select_n3A_1481, %reduce_max3A_1485 : vector<16xi32>
        %reduce_max3A_1487 = tpu.scan <max>, %reduce_max3A_1486 masked %reduce_max3A_1483 : vector<16xi32>, vector<16xi1> -> vector<16xi32>
        %reduce_max3A_1488 = arith.xori %reduce_max3A_1487, %reduce_max3A_1485 : vector<16xi32>
        %reduce_max3A_1489 = vector.extract %reduce_max3A_1488[15] : i32 from vector<16xi32>
        %shift_right_arithmetic3A_1490 = arith.constant 7 : i32
        %shift_right_arithmetic3A_1491 = arith.shrsi %reduce_max3A_1489, %shift_right_arithmetic3A_1490 : i32
        %mul3A_1492 = arith.constant 128 : i32
        %mul3A_1493 = arith.muli %shift_right_arithmetic3A_1491, %mul3A_1492 : i32
        %multiple_of3A_1494 = tpu.assume_multiple %mul3A_1493, 128 : i32
        %dma_start3A_1495 = arith.constant 5 : i32
        %dma_start3A_1496 = arith.constant 0 : i32
        %dma_start3A_1497 = arith.constant 0 : i32
        %dma_start3A_1498 = tpu.memref_slice %arg7[%dma_start3A_1495, %dma_start3A_1496, %dma_start3A_1497] : memref<8x64x128xf32, #tpu.memory_space<vmem>> -> memref<1x64x128xf32, #tpu.memory_space<vmem>>
        %dma_start3A_1499 = tpu.memref_squeeze %dma_start3A_1498 : memref<1x64x128xf32, #tpu.memory_space<vmem>> -> memref<64x128xf32, #tpu.memory_space<vmem>>
        %dma_start3A_1500 = arith.constant 0 : i32
        %dma_start3A_1501 = tpu.memref_slice %arg3[%dma_start3A_1500, %multiple_of3A_1494] : memref<64x1000000xf32, #tpu.memory_space<hbm>> -> memref<64x128xf32, #tpu.memory_space<hbm>>
        %dma_start3A_1502 = arith.constant 0 : i32
        %dma_start3A_1503 = arith.constant 0 : i32
        %dma_start3A_1504 = tpu.memref_slice %arg7[%dma_start3A_1495, %dma_start3A_1502, %dma_start3A_1503] : memref<8x64x128xf32, #tpu.memory_space<vmem>> -> memref<1x64x128xf32, #tpu.memory_space<vmem>>
        %dma_start3A_1505 = tpu.memref_squeeze %dma_start3A_1504 : memref<1x64x128xf32, #tpu.memory_space<vmem>> -> memref<64x128xf32, #tpu.memory_space<vmem>>
        %dma_start3A_1506 = arith.constant 0 : i32
        %dma_start3A_1507 = tpu.memref_slice %arg3[%dma_start3A_1506, %multiple_of3A_1494] : memref<64x1000000xf32, #tpu.memory_space<hbm>> -> memref<64x128xf32, #tpu.memory_space<hbm>>
        tpu.enqueue_dma source(%dma_start3A_1507 : memref<64x128xf32, #tpu.memory_space<hbm>>) target(%dma_start3A_1505 : memref<64x128xf32, #tpu.memory_space<vmem>>) target_semaphore(%arg15 : memref<!tpu.dma_semaphore, #tpu.memory_space<semaphore_mem>>)
      } else {
      }
      %mul3A_1145 = arith.constant 8 : i32
      %mul3A_1146 = arith.muli %scan3A_291, %mul3A_1145 : i32
      %add3A_1147 = arith.constant 6 : i32
      %add3A_1148 = arith.addi %mul3A_1146, %add3A_1147 : i32
      %dma_wait3A_1149 = arith.constant 6 : i32
      %dma_wait3A_1150 = arith.constant 0 : i32
      %dma_wait3A_1151 = arith.constant 0 : i32
      %dma_wait3A_1152 = tpu.memref_slice %arg7[%dma_wait3A_1149, %dma_wait3A_1150, %dma_wait3A_1151] : memref<8x64x128xf32, #tpu.memory_space<vmem>> -> memref<1x64x128xf32, #tpu.memory_space<vmem>>
      %dma_wait3A_1153 = tpu.memref_squeeze %dma_wait3A_1152 : memref<1x64x128xf32, #tpu.memory_space<vmem>> -> memref<64x128xf32, #tpu.memory_space<vmem>>
      %dma_wait3A_1154 = arith.constant 0 : i32
      %dma_wait3A_1155 = arith.constant 0 : i32
      %dma_wait3A_1156 = tpu.memref_slice %arg3[%dma_wait3A_1154, %dma_wait3A_1155] : memref<64x1000000xf32, #tpu.memory_space<hbm>> -> memref<64x128xf32, #tpu.memory_space<hbm>>
      %dma_wait3A_1157 = arith.constant 0 : i32
      %dma_wait3A_1158 = arith.constant 0 : i32
      %dma_wait3A_1159 = tpu.memref_slice %arg7[%dma_wait3A_1149, %dma_wait3A_1157, %dma_wait3A_1158] : memref<8x64x128xf32, #tpu.memory_space<vmem>> -> memref<1x64x128xf32, #tpu.memory_space<vmem>>
      %dma_wait3A_1160 = tpu.memref_squeeze %dma_wait3A_1159 : memref<1x64x128xf32, #tpu.memory_space<vmem>> -> memref<64x128xf32, #tpu.memory_space<vmem>>
      %dma_wait3A_1161 = arith.constant 0 : i32
      %dma_wait3A_1162 = arith.constant 0 : i32
      %dma_wait3A_1163 = tpu.memref_slice %arg3[%dma_wait3A_1161, %dma_wait3A_1162] : memref<64x1000000xf32, #tpu.memory_space<hbm>> -> memref<64x128xf32, #tpu.memory_space<hbm>>
      tpu.wait_dma2 semaphore(%arg16 : memref<!tpu.dma_semaphore, #tpu.memory_space<semaphore_mem>>) src(%dma_wait3A_1163 : memref<64x128xf32, #tpu.memory_space<hbm>>) dst(%dma_wait3A_1160 : memref<64x128xf32, #tpu.memory_space<vmem>>)
      %jit3A_1164 = arith.constant 16 : i32
      %div3A_1165 = arith.divsi %add3A_1148, %jit3A_1164 : i32
      %sign3A_1166 = arith.constant 0 : i32
      %sign3A_1167 = arith.cmpi sgt, %add3A_1148, %sign3A_1166 : i32
      %sign3A_1168 = arith.extui %sign3A_1167 : i1 to i32
      %sign3A_1169 = arith.constant 0 : i32
      %sign3A_1170 = arith.cmpi slt, %add3A_1148, %sign3A_1169 : i32
      %sign3A_1171 = arith.extui %sign3A_1170 : i1 to i32
      %sign3A_1172 = arith.subi %sign3A_1168, %sign3A_1171 : i32
      %sign3A_1173 = arith.constant 0 : i32
      %sign3A_1174 = arith.cmpi sgt, %jit3A_1164, %sign3A_1173 : i32
      %sign3A_1175 = arith.extui %sign3A_1174 : i1 to i32
      %sign3A_1176 = arith.constant 0 : i32
      %sign3A_1177 = arith.cmpi slt, %jit3A_1164, %sign3A_1176 : i32
      %sign3A_1178 = arith.extui %sign3A_1177 : i1 to i32
      %sign3A_1179 = arith.subi %sign3A_1175, %sign3A_1178 : i32
      %ne3A_1180 = arith.cmpi ne, %sign3A_1172, %sign3A_1179 : i32
      %rem3A_1181 = arith.remsi %add3A_1148, %jit3A_1164 : i32
      %ne3A_1182 = arith.constant 0 : i32
      %ne3A_1183 = arith.cmpi ne, %rem3A_1181, %ne3A_1182 : i32
      %and3A_1184 = arith.andi %ne3A_1180, %ne3A_1183 : i1
      %sub3A_1185 = arith.constant 1 : i32
      %sub3A_1186 = arith.subi %div3A_1165, %sub3A_1185 : i32
      %select_n3A_1187 = arith.select %and3A_1184, %sub3A_1186, %div3A_1165 : i32
      %mul3A_1188 = arith.constant 16 : i32
      %mul3A_1189 = arith.muli %select_n3A_1187, %mul3A_1188 : i32
      %get3A_1190 = arith.index_cast %mul3A_1189 : i32 to index
      %get3A_1191 = tpu.vector_load %arg6[%get3A_1190] {strides = array<i32>} : memref<256xi32, #tpu.memory_space<vmem>>, vector<16xi32>,
      %jit3A_1192 = arith.constant 16 : i32
      %eq3A_1193 = arith.constant 0 : i32
      %eq3A_1194 = arith.cmpi eq, %jit3A_1192, %eq3A_1193 : i32
      %jit3A_1195 = arith.constant 1 : i32
      %select_n3A_1196 = arith.select %eq3A_1194, %jit3A_1195, %jit3A_1192 : i32
      %rem3A_1197 = arith.remsi %add3A_1148, %select_n3A_1196 : i32
      %ne3A_1198 = arith.constant 0 : i32
      %ne3A_1199 = arith.cmpi ne, %rem3A_1197, %ne3A_1198 : i32
      %lt3A_1200 = arith.constant 0 : i32
      %lt3A_1201 = arith.cmpi slt, %rem3A_1197, %lt3A_1200 : i32
      %lt3A_1202 = arith.constant 0 : i32
      %lt3A_1203 = arith.cmpi slt, %select_n3A_1196, %lt3A_1202 : i32
      %ne3A_1204 = arith.xori %lt3A_1201, %lt3A_1203 : i1
      %and3A_1205 = arith.andi %ne3A_1204, %ne3A_1199 : i1
      %add3A_1206 = arith.addi %rem3A_1197, %select_n3A_1196 : i32
      %select_n3A_1207 = arith.select %and3A_1205, %add3A_1206, %rem3A_1197 : i32
      %eq3A_1208 = vector.broadcast %select_n3A_1207 : i32 to vector<16xi32>
      %eq3A_1209 = arith.cmpi eq, %iota3A, %eq3A_1208 : vector<16xi32>
      %jit3A_1210 = arith.constant 0 : i32
      %broadcast_in_dim3A_1211 = vector.broadcast %jit3A_1210 : i32 to vector<16xi32>
      %select_n3A_1212 = arith.select %eq3A_1209, %get3A_1191, %broadcast_in_dim3A_1211 : vector<16xi1>, vector<16xi32>
      %reduce_max3A_1213 = arith.constant true
      %reduce_max3A_1214 = vector.broadcast %reduce_max3A_1213 : i1 to vector<16xi1>
      %reduce_max3A_1215 = arith.constant -2147483648 : i32
      %reduce_max3A_1216 = vector.broadcast %reduce_max3A_1215 : i32 to vector<16xi32>
      %reduce_max3A_1217 = arith.xori %select_n3A_1212, %reduce_max3A_1216 : vector<16xi32>
      %reduce_max3A_1218 = tpu.scan <max>, %reduce_max3A_1217 masked %reduce_max3A_1214 : vector<16xi32>, vector<16xi1> -> vector<16xi32>
      %reduce_max3A_1219 = arith.xori %reduce_max3A_1218, %reduce_max3A_1216 : vector<16xi32>
      %reduce_max3A_1220 = vector.extract %reduce_max3A_1219[15] : i32 from vector<16xi32>
      %broadcast_in_dim3A_1221 = vector.broadcast %add3A_1148 : i32 to vector<16xi32>
      %and3A_1222 = arith.constant 127 : i32
      %and3A_1223 = arith.andi %reduce_max3A_1220, %and3A_1222 : i32
      %broadcast_in_dim3A_1224 = vector.broadcast %and3A_1223 : i32 to vector<16xi32>
      %broadcast_in_dim3A_1225 = arith.constant 6 : i32
      %broadcast_in_dim3A_1226 = vector.broadcast %broadcast_in_dim3A_1225 : i32 to vector<16xi32>
      %add3A_1227 = arith.constant 0 : i32
      %add3A_1228 = vector.broadcast %add3A_1227 : i32 to vector<16xi32>
      %add3A_1229 = arith.addi %add3A_1228, %iota3A : vector<16xi32>
      %gather3A_1230 = tpu.vector_load_idx %arg7[%broadcast_in_dim3A_1226, %add3A_1229, %broadcast_in_dim3A_1224] : memref<8x64x128xf32, #tpu.memory_space<vmem>>[vector<16xi32>, vector<16xi32>, vector<16xi32>], vector<16xf32>,
      %add3A_1231 = arith.constant 0 : i32
      %add3A_1232 = vector.broadcast %add3A_1231 : i32 to vector<16xi32>
      %add3A_1233 = arith.addi %add3A_1232, %iota3A : vector<16xi32>
      %gather3A_1234 = tpu.vector_load_idx %arg9[%add3A_1233, %broadcast_in_dim3A_1221] : memref<64x256xf32, #tpu.memory_space<vmem>>[vector<16xi32>, vector<16xi32>], vector<16xf32>,
      %add3A_1235 = arith.constant 0 : i32
      %add3A_1236 = vector.broadcast %add3A_1235 : i32 to vector<16xi32>
      %add3A_1237 = arith.addi %add3A_1236, %iota3A : vector<16xi32>
      %add3A_1238 = arith.addf %gather3A_1230, %gather3A_1234 : vector<16xf32>
      tpu.vector_store_idx %arg8[%add3A_1237, %broadcast_in_dim3A_1221], %add3A_1238 : memref<64x256xf32, #tpu.memory_space<vmem>>[vector<16xi32>, vector<16xi32>], vector<16xf32>,
      %broadcast_in_dim3A_1239 = arith.constant 6 : i32
      %broadcast_in_dim3A_1240 = vector.broadcast %broadcast_in_dim3A_1239 : i32 to vector<16xi32>
      %add3A_1241 = arith.constant 16 : i32
      %add3A_1242 = vector.broadcast %add3A_1241 : i32 to vector<16xi32>
      %add3A_1243 = arith.addi %add3A_1242, %iota3A : vector<16xi32>
      %gather3A_1244 = tpu.vector_load_idx %arg7[%broadcast_in_dim3A_1240, %add3A_1243, %broadcast_in_dim3A_1224] : memref<8x64x128xf32, #tpu.memory_space<vmem>>[vector<16xi32>, vector<16xi32>, vector<16xi32>], vector<16xf32>,
      %add3A_1245 = arith.constant 16 : i32
      %add3A_1246 = vector.broadcast %add3A_1245 : i32 to vector<16xi32>
      %add3A_1247 = arith.addi %add3A_1246, %iota3A : vector<16xi32>
      %gather3A_1248 = tpu.vector_load_idx %arg9[%add3A_1247, %broadcast_in_dim3A_1221] : memref<64x256xf32, #tpu.memory_space<vmem>>[vector<16xi32>, vector<16xi32>], vector<16xf32>,
      %add3A_1249 = arith.constant 16 : i32
      %add3A_1250 = vector.broadcast %add3A_1249 : i32 to vector<16xi32>
      %add3A_1251 = arith.addi %add3A_1250, %iota3A : vector<16xi32>
      %add3A_1252 = arith.addf %gather3A_1244, %gather3A_1248 : vector<16xf32>
      tpu.vector_store_idx %arg8[%add3A_1251, %broadcast_in_dim3A_1221], %add3A_1252 : memref<64x256xf32, #tpu.memory_space<vmem>>[vector<16xi32>, vector<16xi32>], vector<16xf32>,
      %broadcast_in_dim3A_1253 = arith.constant 6 : i32
      %broadcast_in_dim3A_1254 = vector.broadcast %broadcast_in_dim3A_1253 : i32 to vector<16xi32>
      %add3A_1255 = arith.constant 32 : i32
      %add3A_1256 = vector.broadcast %add3A_1255 : i32 to vector<16xi32>
      %add3A_1257 = arith.addi %add3A_1256, %iota3A : vector<16xi32>
      %gather3A_1258 = tpu.vector_load_idx %arg7[%broadcast_in_dim3A_1254, %add3A_1257, %broadcast_in_dim3A_1224] : memref<8x64x128xf32, #tpu.memory_space<vmem>>[vector<16xi32>, vector<16xi32>, vector<16xi32>], vector<16xf32>,
      %add3A_1259 = arith.constant 32 : i32
      %add3A_1260 = vector.broadcast %add3A_1259 : i32 to vector<16xi32>
      %add3A_1261 = arith.addi %add3A_1260, %iota3A : vector<16xi32>
      %gather3A_1262 = tpu.vector_load_idx %arg9[%add3A_1261, %broadcast_in_dim3A_1221] : memref<64x256xf32, #tpu.memory_space<vmem>>[vector<16xi32>, vector<16xi32>], vector<16xf32>,
      %add3A_1263 = arith.constant 32 : i32
      %add3A_1264 = vector.broadcast %add3A_1263 : i32 to vector<16xi32>
      %add3A_1265 = arith.addi %add3A_1264, %iota3A : vector<16xi32>
      %add3A_1266 = arith.addf %gather3A_1258, %gather3A_1262 : vector<16xf32>
      tpu.vector_store_idx %arg8[%add3A_1265, %broadcast_in_dim3A_1221], %add3A_1266 : memref<64x256xf32, #tpu.memory_space<vmem>>[vector<16xi32>, vector<16xi32>], vector<16xf32>,
      %broadcast_in_dim3A_1267 = arith.constant 6 : i32
      %broadcast_in_dim3A_1268 = vector.broadcast %broadcast_in_dim3A_1267 : i32 to vector<16xi32>
      %add3A_1269 = arith.constant 48 : i32
      %add3A_1270 = vector.broadcast %add3A_1269 : i32 to vector<16xi32>
      %add3A_1271 = arith.addi %add3A_1270, %iota3A : vector<16xi32>
      %gather3A_1272 = tpu.vector_load_idx %arg7[%broadcast_in_dim3A_1268, %add3A_1271, %broadcast_in_dim3A_1224] : memref<8x64x128xf32, #tpu.memory_space<vmem>>[vector<16xi32>, vector<16xi32>, vector<16xi32>], vector<16xf32>,
      %add3A_1273 = arith.constant 48 : i32
      %add3A_1274 = vector.broadcast %add3A_1273 : i32 to vector<16xi32>
      %add3A_1275 = arith.addi %add3A_1274, %iota3A : vector<16xi32>
      %gather3A_1276 = tpu.vector_load_idx %arg9[%add3A_1275, %broadcast_in_dim3A_1221] : memref<64x256xf32, #tpu.memory_space<vmem>>[vector<16xi32>, vector<16xi32>], vector<16xf32>,
      %add3A_1277 = arith.constant 48 : i32
      %add3A_1278 = vector.broadcast %add3A_1277 : i32 to vector<16xi32>
      %add3A_1279 = arith.addi %add3A_1278, %iota3A : vector<16xi32>
      %add3A_1280 = arith.addf %gather3A_1272, %gather3A_1276 : vector<16xf32>
      tpu.vector_store_idx %arg8[%add3A_1279, %broadcast_in_dim3A_1221], %add3A_1280 : memref<64x256xf32, #tpu.memory_space<vmem>>[vector<16xi32>, vector<16xi32>], vector<16xf32>,
      %add3A_1281 = arith.constant 8 : i32
      %add3A_1282 = arith.addi %add3A_1148, %add3A_1281 : i32
      %lt3A_1283 = arith.constant 256 : i32
      %lt3A_1284 = arith.cmpi slt, %add3A_1282, %lt3A_1283 : i32
      %convert_element_type3A_1285 = arith.extui %lt3A_1284 : i1 to i32
      %cond3A_1286 = arith.constant 0 : i32
      %cond3A_1287 = arith.cmpi ne, %convert_element_type3A_1285, %cond3A_1286 : i32
      scf.if %cond3A_1287 {
        %add3A_1431 = arith.constant 8 : i32
        %add3A_1432 = arith.addi %add3A_1148, %add3A_1431 : i32
        %jit3A_1433 = arith.constant 16 : i32
        %div3A_1434 = arith.divsi %add3A_1432, %jit3A_1433 : i32
        %sign3A_1435 = arith.constant 0 : i32
        %sign3A_1436 = arith.cmpi sgt, %add3A_1432, %sign3A_1435 : i32
        %sign3A_1437 = arith.extui %sign3A_1436 : i1 to i32
        %sign3A_1438 = arith.constant 0 : i32
        %sign3A_1439 = arith.cmpi slt, %add3A_1432, %sign3A_1438 : i32
        %sign3A_1440 = arith.extui %sign3A_1439 : i1 to i32
        %sign3A_1441 = arith.subi %sign3A_1437, %sign3A_1440 : i32
        %sign3A_1442 = arith.constant 0 : i32
        %sign3A_1443 = arith.cmpi sgt, %jit3A_1433, %sign3A_1442 : i32
        %sign3A_1444 = arith.extui %sign3A_1443 : i1 to i32
        %sign3A_1445 = arith.constant 0 : i32
        %sign3A_1446 = arith.cmpi slt, %jit3A_1433, %sign3A_1445 : i32
        %sign3A_1447 = arith.extui %sign3A_1446 : i1 to i32
        %sign3A_1448 = arith.subi %sign3A_1444, %sign3A_1447 : i32
        %ne3A_1449 = arith.cmpi ne, %sign3A_1441, %sign3A_1448 : i32
        %rem3A_1450 = arith.remsi %add3A_1432, %jit3A_1433 : i32
        %ne3A_1451 = arith.constant 0 : i32
        %ne3A_1452 = arith.cmpi ne, %rem3A_1450, %ne3A_1451 : i32
        %and3A_1453 = arith.andi %ne3A_1449, %ne3A_1452 : i1
        %sub3A_1454 = arith.constant 1 : i32
        %sub3A_1455 = arith.subi %div3A_1434, %sub3A_1454 : i32
        %select_n3A_1456 = arith.select %and3A_1453, %sub3A_1455, %div3A_1434 : i32
        %mul3A_1457 = arith.constant 16 : i32
        %mul3A_1458 = arith.muli %select_n3A_1456, %mul3A_1457 : i32
        %get3A_1459 = arith.index_cast %mul3A_1458 : i32 to index
        %get3A_1460 = tpu.vector_load %arg6[%get3A_1459] {strides = array<i32>} : memref<256xi32, #tpu.memory_space<vmem>>, vector<16xi32>,
        %jit3A_1461 = arith.constant 16 : i32
        %eq3A_1462 = arith.constant 0 : i32
        %eq3A_1463 = arith.cmpi eq, %jit3A_1461, %eq3A_1462 : i32
        %jit3A_1464 = arith.constant 1 : i32
        %select_n3A_1465 = arith.select %eq3A_1463, %jit3A_1464, %jit3A_1461 : i32
        %rem3A_1466 = arith.remsi %add3A_1432, %select_n3A_1465 : i32
        %ne3A_1467 = arith.constant 0 : i32
        %ne3A_1468 = arith.cmpi ne, %rem3A_1466, %ne3A_1467 : i32
        %lt3A_1469 = arith.constant 0 : i32
        %lt3A_1470 = arith.cmpi slt, %rem3A_1466, %lt3A_1469 : i32
        %lt3A_1471 = arith.constant 0 : i32
        %lt3A_1472 = arith.cmpi slt, %select_n3A_1465, %lt3A_1471 : i32
        %ne3A_1473 = arith.xori %lt3A_1470, %lt3A_1472 : i1
        %and3A_1474 = arith.andi %ne3A_1473, %ne3A_1468 : i1
        %add3A_1475 = arith.addi %rem3A_1466, %select_n3A_1465 : i32
        %select_n3A_1476 = arith.select %and3A_1474, %add3A_1475, %rem3A_1466 : i32
        %eq3A_1477 = vector.broadcast %select_n3A_1476 : i32 to vector<16xi32>
        %eq3A_1478 = arith.cmpi eq, %iota3A, %eq3A_1477 : vector<16xi32>
        %jit3A_1479 = arith.constant 0 : i32
        %broadcast_in_dim3A_1480 = vector.broadcast %jit3A_1479 : i32 to vector<16xi32>
        %select_n3A_1481 = arith.select %eq3A_1478, %get3A_1460, %broadcast_in_dim3A_1480 : vector<16xi1>, vector<16xi32>
        %reduce_max3A_1482 = arith.constant true
        %reduce_max3A_1483 = vector.broadcast %reduce_max3A_1482 : i1 to vector<16xi1>
        %reduce_max3A_1484 = arith.constant -2147483648 : i32
        %reduce_max3A_1485 = vector.broadcast %reduce_max3A_1484 : i32 to vector<16xi32>
        %reduce_max3A_1486 = arith.xori %select_n3A_1481, %reduce_max3A_1485 : vector<16xi32>
        %reduce_max3A_1487 = tpu.scan <max>, %reduce_max3A_1486 masked %reduce_max3A_1483 : vector<16xi32>, vector<16xi1> -> vector<16xi32>
        %reduce_max3A_1488 = arith.xori %reduce_max3A_1487, %reduce_max3A_1485 : vector<16xi32>
        %reduce_max3A_1489 = vector.extract %reduce_max3A_1488[15] : i32 from vector<16xi32>
        %shift_right_arithmetic3A_1490 = arith.constant 7 : i32
        %shift_right_arithmetic3A_1491 = arith.shrsi %reduce_max3A_1489, %shift_right_arithmetic3A_1490 : i32
        %mul3A_1492 = arith.constant 128 : i32
        %mul3A_1493 = arith.muli %shift_right_arithmetic3A_1491, %mul3A_1492 : i32
        %multiple_of3A_1494 = tpu.assume_multiple %mul3A_1493, 128 : i32
        %dma_start3A_1495 = arith.constant 6 : i32
        %dma_start3A_1496 = arith.constant 0 : i32
        %dma_start3A_1497 = arith.constant 0 : i32
        %dma_start3A_1498 = tpu.memref_slice %arg7[%dma_start3A_1495, %dma_start3A_1496, %dma_start3A_1497] : memref<8x64x128xf32, #tpu.memory_space<vmem>> -> memref<1x64x128xf32, #tpu.memory_space<vmem>>
        %dma_start3A_1499 = tpu.memref_squeeze %dma_start3A_1498 : memref<1x64x128xf32, #tpu.memory_space<vmem>> -> memref<64x128xf32, #tpu.memory_space<vmem>>
        %dma_start3A_1500 = arith.constant 0 : i32
        %dma_start3A_1501 = tpu.memref_slice %arg3[%dma_start3A_1500, %multiple_of3A_1494] : memref<64x1000000xf32, #tpu.memory_space<hbm>> -> memref<64x128xf32, #tpu.memory_space<hbm>>
        %dma_start3A_1502 = arith.constant 0 : i32
        %dma_start3A_1503 = arith.constant 0 : i32
        %dma_start3A_1504 = tpu.memref_slice %arg7[%dma_start3A_1495, %dma_start3A_1502, %dma_start3A_1503] : memref<8x64x128xf32, #tpu.memory_space<vmem>> -> memref<1x64x128xf32, #tpu.memory_space<vmem>>
        %dma_start3A_1505 = tpu.memref_squeeze %dma_start3A_1504 : memref<1x64x128xf32, #tpu.memory_space<vmem>> -> memref<64x128xf32, #tpu.memory_space<vmem>>
        %dma_start3A_1506 = arith.constant 0 : i32
        %dma_start3A_1507 = tpu.memref_slice %arg3[%dma_start3A_1506, %multiple_of3A_1494] : memref<64x1000000xf32, #tpu.memory_space<hbm>> -> memref<64x128xf32, #tpu.memory_space<hbm>>
        tpu.enqueue_dma source(%dma_start3A_1507 : memref<64x128xf32, #tpu.memory_space<hbm>>) target(%dma_start3A_1505 : memref<64x128xf32, #tpu.memory_space<vmem>>) target_semaphore(%arg16 : memref<!tpu.dma_semaphore, #tpu.memory_space<semaphore_mem>>)
      } else {
      }
      %mul3A_1288 = arith.constant 8 : i32
      %mul3A_1289 = arith.muli %scan3A_291, %mul3A_1288 : i32
      %add3A_1290 = arith.constant 7 : i32
      %add3A_1291 = arith.addi %mul3A_1289, %add3A_1290 : i32
      %dma_wait3A_1292 = arith.constant 7 : i32
      %dma_wait3A_1293 = arith.constant 0 : i32
      %dma_wait3A_1294 = arith.constant 0 : i32
      %dma_wait3A_1295 = tpu.memref_slice %arg7[%dma_wait3A_1292, %dma_wait3A_1293, %dma_wait3A_1294] : memref<8x64x128xf32, #tpu.memory_space<vmem>> -> memref<1x64x128xf32, #tpu.memory_space<vmem>>
      %dma_wait3A_1296 = tpu.memref_squeeze %dma_wait3A_1295 : memref<1x64x128xf32, #tpu.memory_space<vmem>> -> memref<64x128xf32, #tpu.memory_space<vmem>>
      %dma_wait3A_1297 = arith.constant 0 : i32
      %dma_wait3A_1298 = arith.constant 0 : i32
      %dma_wait3A_1299 = tpu.memref_slice %arg3[%dma_wait3A_1297, %dma_wait3A_1298] : memref<64x1000000xf32, #tpu.memory_space<hbm>> -> memref<64x128xf32, #tpu.memory_space<hbm>>
      %dma_wait3A_1300 = arith.constant 0 : i32
      %dma_wait3A_1301 = arith.constant 0 : i32
      %dma_wait3A_1302 = tpu.memref_slice %arg7[%dma_wait3A_1292, %dma_wait3A_1300, %dma_wait3A_1301] : memref<8x64x128xf32, #tpu.memory_space<vmem>> -> memref<1x64x128xf32, #tpu.memory_space<vmem>>
      %dma_wait3A_1303 = tpu.memref_squeeze %dma_wait3A_1302 : memref<1x64x128xf32, #tpu.memory_space<vmem>> -> memref<64x128xf32, #tpu.memory_space<vmem>>
      %dma_wait3A_1304 = arith.constant 0 : i32
      %dma_wait3A_1305 = arith.constant 0 : i32
      %dma_wait3A_1306 = tpu.memref_slice %arg3[%dma_wait3A_1304, %dma_wait3A_1305] : memref<64x1000000xf32, #tpu.memory_space<hbm>> -> memref<64x128xf32, #tpu.memory_space<hbm>>
      tpu.wait_dma2 semaphore(%arg17 : memref<!tpu.dma_semaphore, #tpu.memory_space<semaphore_mem>>) src(%dma_wait3A_1306 : memref<64x128xf32, #tpu.memory_space<hbm>>) dst(%dma_wait3A_1303 : memref<64x128xf32, #tpu.memory_space<vmem>>)
      %jit3A_1307 = arith.constant 16 : i32
      %div3A_1308 = arith.divsi %add3A_1291, %jit3A_1307 : i32
      %sign3A_1309 = arith.constant 0 : i32
      %sign3A_1310 = arith.cmpi sgt, %add3A_1291, %sign3A_1309 : i32
      %sign3A_1311 = arith.extui %sign3A_1310 : i1 to i32
      %sign3A_1312 = arith.constant 0 : i32
      %sign3A_1313 = arith.cmpi slt, %add3A_1291, %sign3A_1312 : i32
      %sign3A_1314 = arith.extui %sign3A_1313 : i1 to i32
      %sign3A_1315 = arith.subi %sign3A_1311, %sign3A_1314 : i32
      %sign3A_1316 = arith.constant 0 : i32
      %sign3A_1317 = arith.cmpi sgt, %jit3A_1307, %sign3A_1316 : i32
      %sign3A_1318 = arith.extui %sign3A_1317 : i1 to i32
      %sign3A_1319 = arith.constant 0 : i32
      %sign3A_1320 = arith.cmpi slt, %jit3A_1307, %sign3A_1319 : i32
      %sign3A_1321 = arith.extui %sign3A_1320 : i1 to i32
      %sign3A_1322 = arith.subi %sign3A_1318, %sign3A_1321 : i32
      %ne3A_1323 = arith.cmpi ne, %sign3A_1315, %sign3A_1322 : i32
      %rem3A_1324 = arith.remsi %add3A_1291, %jit3A_1307 : i32
      %ne3A_1325 = arith.constant 0 : i32
      %ne3A_1326 = arith.cmpi ne, %rem3A_1324, %ne3A_1325 : i32
      %and3A_1327 = arith.andi %ne3A_1323, %ne3A_1326 : i1
      %sub3A_1328 = arith.constant 1 : i32
      %sub3A_1329 = arith.subi %div3A_1308, %sub3A_1328 : i32
      %select_n3A_1330 = arith.select %and3A_1327, %sub3A_1329, %div3A_1308 : i32
      %mul3A_1331 = arith.constant 16 : i32
      %mul3A_1332 = arith.muli %select_n3A_1330, %mul3A_1331 : i32
      %get3A_1333 = arith.index_cast %mul3A_1332 : i32 to index
      %get3A_1334 = tpu.vector_load %arg6[%get3A_1333] {strides = array<i32>} : memref<256xi32, #tpu.memory_space<vmem>>, vector<16xi32>,
      %jit3A_1335 = arith.constant 16 : i32
      %eq3A_1336 = arith.constant 0 : i32
      %eq3A_1337 = arith.cmpi eq, %jit3A_1335, %eq3A_1336 : i32
      %jit3A_1338 = arith.constant 1 : i32
      %select_n3A_1339 = arith.select %eq3A_1337, %jit3A_1338, %jit3A_1335 : i32
      %rem3A_1340 = arith.remsi %add3A_1291, %select_n3A_1339 : i32
      %ne3A_1341 = arith.constant 0 : i32
      %ne3A_1342 = arith.cmpi ne, %rem3A_1340, %ne3A_1341 : i32
      %lt3A_1343 = arith.constant 0 : i32
      %lt3A_1344 = arith.cmpi slt, %rem3A_1340, %lt3A_1343 : i32
      %lt3A_1345 = arith.constant 0 : i32
      %lt3A_1346 = arith.cmpi slt, %select_n3A_1339, %lt3A_1345 : i32
      %ne3A_1347 = arith.xori %lt3A_1344, %lt3A_1346 : i1
      %and3A_1348 = arith.andi %ne3A_1347, %ne3A_1342 : i1
      %add3A_1349 = arith.addi %rem3A_1340, %select_n3A_1339 : i32
      %select_n3A_1350 = arith.select %and3A_1348, %add3A_1349, %rem3A_1340 : i32
      %eq3A_1351 = vector.broadcast %select_n3A_1350 : i32 to vector<16xi32>
      %eq3A_1352 = arith.cmpi eq, %iota3A, %eq3A_1351 : vector<16xi32>
      %jit3A_1353 = arith.constant 0 : i32
      %broadcast_in_dim3A_1354 = vector.broadcast %jit3A_1353 : i32 to vector<16xi32>
      %select_n3A_1355 = arith.select %eq3A_1352, %get3A_1334, %broadcast_in_dim3A_1354 : vector<16xi1>, vector<16xi32>
      %reduce_max3A_1356 = arith.constant true
      %reduce_max3A_1357 = vector.broadcast %reduce_max3A_1356 : i1 to vector<16xi1>
      %reduce_max3A_1358 = arith.constant -2147483648 : i32
      %reduce_max3A_1359 = vector.broadcast %reduce_max3A_1358 : i32 to vector<16xi32>
      %reduce_max3A_1360 = arith.xori %select_n3A_1355, %reduce_max3A_1359 : vector<16xi32>
      %reduce_max3A_1361 = tpu.scan <max>, %reduce_max3A_1360 masked %reduce_max3A_1357 : vector<16xi32>, vector<16xi1> -> vector<16xi32>
      %reduce_max3A_1362 = arith.xori %reduce_max3A_1361, %reduce_max3A_1359 : vector<16xi32>
      %reduce_max3A_1363 = vector.extract %reduce_max3A_1362[15] : i32 from vector<16xi32>
      %broadcast_in_dim3A_1364 = vector.broadcast %add3A_1291 : i32 to vector<16xi32>
      %and3A_1365 = arith.constant 127 : i32
      %and3A_1366 = arith.andi %reduce_max3A_1363, %and3A_1365 : i32
      %broadcast_in_dim3A_1367 = vector.broadcast %and3A_1366 : i32 to vector<16xi32>
      %broadcast_in_dim3A_1368 = arith.constant 7 : i32
      %broadcast_in_dim3A_1369 = vector.broadcast %broadcast_in_dim3A_1368 : i32 to vector<16xi32>
      %add3A_1370 = arith.constant 0 : i32
      %add3A_1371 = vector.broadcast %add3A_1370 : i32 to vector<16xi32>
      %add3A_1372 = arith.addi %add3A_1371, %iota3A : vector<16xi32>
      %gather3A_1373 = tpu.vector_load_idx %arg7[%broadcast_in_dim3A_1369, %add3A_1372, %broadcast_in_dim3A_1367] : memref<8x64x128xf32, #tpu.memory_space<vmem>>[vector<16xi32>, vector<16xi32>, vector<16xi32>], vector<16xf32>,
      %add3A_1374 = arith.constant 0 : i32
      %add3A_1375 = vector.broadcast %add3A_1374 : i32 to vector<16xi32>
      %add3A_1376 = arith.addi %add3A_1375, %iota3A : vector<16xi32>
      %gather3A_1377 = tpu.vector_load_idx %arg9[%add3A_1376, %broadcast_in_dim3A_1364] : memref<64x256xf32, #tpu.memory_space<vmem>>[vector<16xi32>, vector<16xi32>], vector<16xf32>,
      %add3A_1378 = arith.constant 0 : i32
      %add3A_1379 = vector.broadcast %add3A_1378 : i32 to vector<16xi32>
      %add3A_1380 = arith.addi %add3A_1379, %iota3A : vector<16xi32>
      %add3A_1381 = arith.addf %gather3A_1373, %gather3A_1377 : vector<16xf32>
      tpu.vector_store_idx %arg8[%add3A_1380, %broadcast_in_dim3A_1364], %add3A_1381 : memref<64x256xf32, #tpu.memory_space<vmem>>[vector<16xi32>, vector<16xi32>], vector<16xf32>,
      %broadcast_in_dim3A_1382 = arith.constant 7 : i32
      %broadcast_in_dim3A_1383 = vector.broadcast %broadcast_in_dim3A_1382 : i32 to vector<16xi32>
      %add3A_1384 = arith.constant 16 : i32
      %add3A_1385 = vector.broadcast %add3A_1384 : i32 to vector<16xi32>
      %add3A_1386 = arith.addi %add3A_1385, %iota3A : vector<16xi32>
      %gather3A_1387 = tpu.vector_load_idx %arg7[%broadcast_in_dim3A_1383, %add3A_1386, %broadcast_in_dim3A_1367] : memref<8x64x128xf32, #tpu.memory_space<vmem>>[vector<16xi32>, vector<16xi32>, vector<16xi32>], vector<16xf32>,
      %add3A_1388 = arith.constant 16 : i32
      %add3A_1389 = vector.broadcast %add3A_1388 : i32 to vector<16xi32>
      %add3A_1390 = arith.addi %add3A_1389, %iota3A : vector<16xi32>
      %gather3A_1391 = tpu.vector_load_idx %arg9[%add3A_1390, %broadcast_in_dim3A_1364] : memref<64x256xf32, #tpu.memory_space<vmem>>[vector<16xi32>, vector<16xi32>], vector<16xf32>,
      %add3A_1392 = arith.constant 16 : i32
      %add3A_1393 = vector.broadcast %add3A_1392 : i32 to vector<16xi32>
      %add3A_1394 = arith.addi %add3A_1393, %iota3A : vector<16xi32>
      %add3A_1395 = arith.addf %gather3A_1387, %gather3A_1391 : vector<16xf32>
      tpu.vector_store_idx %arg8[%add3A_1394, %broadcast_in_dim3A_1364], %add3A_1395 : memref<64x256xf32, #tpu.memory_space<vmem>>[vector<16xi32>, vector<16xi32>], vector<16xf32>,
      %broadcast_in_dim3A_1396 = arith.constant 7 : i32
      %broadcast_in_dim3A_1397 = vector.broadcast %broadcast_in_dim3A_1396 : i32 to vector<16xi32>
      %add3A_1398 = arith.constant 32 : i32
      %add3A_1399 = vector.broadcast %add3A_1398 : i32 to vector<16xi32>
      %add3A_1400 = arith.addi %add3A_1399, %iota3A : vector<16xi32>
      %gather3A_1401 = tpu.vector_load_idx %arg7[%broadcast_in_dim3A_1397, %add3A_1400, %broadcast_in_dim3A_1367] : memref<8x64x128xf32, #tpu.memory_space<vmem>>[vector<16xi32>, vector<16xi32>, vector<16xi32>], vector<16xf32>,
      %add3A_1402 = arith.constant 32 : i32
      %add3A_1403 = vector.broadcast %add3A_1402 : i32 to vector<16xi32>
      %add3A_1404 = arith.addi %add3A_1403, %iota3A : vector<16xi32>
      %gather3A_1405 = tpu.vector_load_idx %arg9[%add3A_1404, %broadcast_in_dim3A_1364] : memref<64x256xf32, #tpu.memory_space<vmem>>[vector<16xi32>, vector<16xi32>], vector<16xf32>,
      %add3A_1406 = arith.constant 32 : i32
      %add3A_1407 = vector.broadcast %add3A_1406 : i32 to vector<16xi32>
      %add3A_1408 = arith.addi %add3A_1407, %iota3A : vector<16xi32>
      %add3A_1409 = arith.addf %gather3A_1401, %gather3A_1405 : vector<16xf32>
      tpu.vector_store_idx %arg8[%add3A_1408, %broadcast_in_dim3A_1364], %add3A_1409 : memref<64x256xf32, #tpu.memory_space<vmem>>[vector<16xi32>, vector<16xi32>], vector<16xf32>,
      %broadcast_in_dim3A_1410 = arith.constant 7 : i32
      %broadcast_in_dim3A_1411 = vector.broadcast %broadcast_in_dim3A_1410 : i32 to vector<16xi32>
      %add3A_1412 = arith.constant 48 : i32
      %add3A_1413 = vector.broadcast %add3A_1412 : i32 to vector<16xi32>
      %add3A_1414 = arith.addi %add3A_1413, %iota3A : vector<16xi32>
      %gather3A_1415 = tpu.vector_load_idx %arg7[%broadcast_in_dim3A_1411, %add3A_1414, %broadcast_in_dim3A_1367] : memref<8x64x128xf32, #tpu.memory_space<vmem>>[vector<16xi32>, vector<16xi32>, vector<16xi32>], vector<16xf32>,
      %add3A_1416 = arith.constant 48 : i32
      %add3A_1417 = vector.broadcast %add3A_1416 : i32 to vector<16xi32>
      %add3A_1418 = arith.addi %add3A_1417, %iota3A : vector<16xi32>
      %gather3A_1419 = tpu.vector_load_idx %arg9[%add3A_1418, %broadcast_in_dim3A_1364] : memref<64x256xf32, #tpu.memory_space<vmem>>[vector<16xi32>, vector<16xi32>], vector<16xf32>,
      %add3A_1420 = arith.constant 48 : i32
      %add3A_1421 = vector.broadcast %add3A_1420 : i32 to vector<16xi32>
      %add3A_1422 = arith.addi %add3A_1421, %iota3A : vector<16xi32>
      %add3A_1423 = arith.addf %gather3A_1415, %gather3A_1419 : vector<16xf32>
      tpu.vector_store_idx %arg8[%add3A_1422, %broadcast_in_dim3A_1364], %add3A_1423 : memref<64x256xf32, #tpu.memory_space<vmem>>[vector<16xi32>, vector<16xi32>], vector<16xf32>,
      %add3A_1424 = arith.constant 8 : i32
      %add3A_1425 = arith.addi %add3A_1291, %add3A_1424 : i32
      %lt3A_1426 = arith.constant 256 : i32
      %lt3A_1427 = arith.cmpi slt, %add3A_1425, %lt3A_1426 : i32
      %convert_element_type3A_1428 = arith.extui %lt3A_1427 : i1 to i32
      %cond3A_1429 = arith.constant 0 : i32
      %cond3A_1430 = arith.cmpi ne, %convert_element_type3A_1428, %cond3A_1429 : i32
      scf.if %cond3A_1430 {
        %add3A_1431 = arith.constant 8 : i32
        %add3A_1432 = arith.addi %add3A_1291, %add3A_1431 : i32
        %jit3A_1433 = arith.constant 16 : i32
        %div3A_1434 = arith.divsi %add3A_1432, %jit3A_1433 : i32
        %sign3A_1435 = arith.constant 0 : i32
        %sign3A_1436 = arith.cmpi sgt, %add3A_1432, %sign3A_1435 : i32
        %sign3A_1437 = arith.extui %sign3A_1436 : i1 to i32
        %sign3A_1438 = arith.constant 0 : i32
        %sign3A_1439 = arith.cmpi slt, %add3A_1432, %sign3A_1438 : i32
        %sign3A_1440 = arith.extui %sign3A_1439 : i1 to i32
        %sign3A_1441 = arith.subi %sign3A_1437, %sign3A_1440 : i32
        %sign3A_1442 = arith.constant 0 : i32
        %sign3A_1443 = arith.cmpi sgt, %jit3A_1433, %sign3A_1442 : i32
        %sign3A_1444 = arith.extui %sign3A_1443 : i1 to i32
        %sign3A_1445 = arith.constant 0 : i32
        %sign3A_1446 = arith.cmpi slt, %jit3A_1433, %sign3A_1445 : i32
        %sign3A_1447 = arith.extui %sign3A_1446 : i1 to i32
        %sign3A_1448 = arith.subi %sign3A_1444, %sign3A_1447 : i32
        %ne3A_1449 = arith.cmpi ne, %sign3A_1441, %sign3A_1448 : i32
        %rem3A_1450 = arith.remsi %add3A_1432, %jit3A_1433 : i32
        %ne3A_1451 = arith.constant 0 : i32
        %ne3A_1452 = arith.cmpi ne, %rem3A_1450, %ne3A_1451 : i32
        %and3A_1453 = arith.andi %ne3A_1449, %ne3A_1452 : i1
        %sub3A_1454 = arith.constant 1 : i32
        %sub3A_1455 = arith.subi %div3A_1434, %sub3A_1454 : i32
        %select_n3A_1456 = arith.select %and3A_1453, %sub3A_1455, %div3A_1434 : i32
        %mul3A_1457 = arith.constant 16 : i32
        %mul3A_1458 = arith.muli %select_n3A_1456, %mul3A_1457 : i32
        %get3A_1459 = arith.index_cast %mul3A_1458 : i32 to index
        %get3A_1460 = tpu.vector_load %arg6[%get3A_1459] {strides = array<i32>} : memref<256xi32, #tpu.memory_space<vmem>>, vector<16xi32>,
        %jit3A_1461 = arith.constant 16 : i32
        %eq3A_1462 = arith.constant 0 : i32
        %eq3A_1463 = arith.cmpi eq, %jit3A_1461, %eq3A_1462 : i32
        %jit3A_1464 = arith.constant 1 : i32
        %select_n3A_1465 = arith.select %eq3A_1463, %jit3A_1464, %jit3A_1461 : i32
        %rem3A_1466 = arith.remsi %add3A_1432, %select_n3A_1465 : i32
        %ne3A_1467 = arith.constant 0 : i32
        %ne3A_1468 = arith.cmpi ne, %rem3A_1466, %ne3A_1467 : i32
        %lt3A_1469 = arith.constant 0 : i32
        %lt3A_1470 = arith.cmpi slt, %rem3A_1466, %lt3A_1469 : i32
        %lt3A_1471 = arith.constant 0 : i32
        %lt3A_1472 = arith.cmpi slt, %select_n3A_1465, %lt3A_1471 : i32
        %ne3A_1473 = arith.xori %lt3A_1470, %lt3A_1472 : i1
        %and3A_1474 = arith.andi %ne3A_1473, %ne3A_1468 : i1
        %add3A_1475 = arith.addi %rem3A_1466, %select_n3A_1465 : i32
        %select_n3A_1476 = arith.select %and3A_1474, %add3A_1475, %rem3A_1466 : i32
        %eq3A_1477 = vector.broadcast %select_n3A_1476 : i32 to vector<16xi32>
        %eq3A_1478 = arith.cmpi eq, %iota3A, %eq3A_1477 : vector<16xi32>
        %jit3A_1479 = arith.constant 0 : i32
        %broadcast_in_dim3A_1480 = vector.broadcast %jit3A_1479 : i32 to vector<16xi32>
        %select_n3A_1481 = arith.select %eq3A_1478, %get3A_1460, %broadcast_in_dim3A_1480 : vector<16xi1>, vector<16xi32>
        %reduce_max3A_1482 = arith.constant true
        %reduce_max3A_1483 = vector.broadcast %reduce_max3A_1482 : i1 to vector<16xi1>
        %reduce_max3A_1484 = arith.constant -2147483648 : i32
        %reduce_max3A_1485 = vector.broadcast %reduce_max3A_1484 : i32 to vector<16xi32>
        %reduce_max3A_1486 = arith.xori %select_n3A_1481, %reduce_max3A_1485 : vector<16xi32>
        %reduce_max3A_1487 = tpu.scan <max>, %reduce_max3A_1486 masked %reduce_max3A_1483 : vector<16xi32>, vector<16xi1> -> vector<16xi32>
        %reduce_max3A_1488 = arith.xori %reduce_max3A_1487, %reduce_max3A_1485 : vector<16xi32>
        %reduce_max3A_1489 = vector.extract %reduce_max3A_1488[15] : i32 from vector<16xi32>
        %shift_right_arithmetic3A_1490 = arith.constant 7 : i32
        %shift_right_arithmetic3A_1491 = arith.shrsi %reduce_max3A_1489, %shift_right_arithmetic3A_1490 : i32
        %mul3A_1492 = arith.constant 128 : i32
        %mul3A_1493 = arith.muli %shift_right_arithmetic3A_1491, %mul3A_1492 : i32
        %multiple_of3A_1494 = tpu.assume_multiple %mul3A_1493, 128 : i32
        %dma_start3A_1495 = arith.constant 7 : i32
        %dma_start3A_1496 = arith.constant 0 : i32
        %dma_start3A_1497 = arith.constant 0 : i32
        %dma_start3A_1498 = tpu.memref_slice %arg7[%dma_start3A_1495, %dma_start3A_1496, %dma_start3A_1497] : memref<8x64x128xf32, #tpu.memory_space<vmem>> -> memref<1x64x128xf32, #tpu.memory_space<vmem>>
        %dma_start3A_1499 = tpu.memref_squeeze %dma_start3A_1498 : memref<1x64x128xf32, #tpu.memory_space<vmem>> -> memref<64x128xf32, #tpu.memory_space<vmem>>
        %dma_start3A_1500 = arith.constant 0 : i32
        %dma_start3A_1501 = tpu.memref_slice %arg3[%dma_start3A_1500, %multiple_of3A_1494] : memref<64x1000000xf32, #tpu.memory_space<hbm>> -> memref<64x128xf32, #tpu.memory_space<hbm>>
        %dma_start3A_1502 = arith.constant 0 : i32
        %dma_start3A_1503 = arith.constant 0 : i32
        %dma_start3A_1504 = tpu.memref_slice %arg7[%dma_start3A_1495, %dma_start3A_1502, %dma_start3A_1503] : memref<8x64x128xf32, #tpu.memory_space<vmem>> -> memref<1x64x128xf32, #tpu.memory_space<vmem>>
        %dma_start3A_1505 = tpu.memref_squeeze %dma_start3A_1504 : memref<1x64x128xf32, #tpu.memory_space<vmem>> -> memref<64x128xf32, #tpu.memory_space<vmem>>
        %dma_start3A_1506 = arith.constant 0 : i32
        %dma_start3A_1507 = tpu.memref_slice %arg3[%dma_start3A_1506, %multiple_of3A_1494] : memref<64x1000000xf32, #tpu.memory_space<hbm>> -> memref<64x128xf32, #tpu.memory_space<hbm>>
        tpu.enqueue_dma source(%dma_start3A_1507 : memref<64x128xf32, #tpu.memory_space<hbm>>) target(%dma_start3A_1505 : memref<64x128xf32, #tpu.memory_space<vmem>>) target_semaphore(%arg17 : memref<!tpu.dma_semaphore, #tpu.memory_space<semaphore_mem>>)
      } else {
      }
    }
    %scan3A_290 = arith.constant 32 : i32
    "tpu.region"() ({
      %run_scoped3A = tpu.sem_alloc : memref<!tpu.dma_semaphore, #tpu.memory_space<semaphore_mem>>
      %dma_start3A_291 = arith.constant 0 : i32
      %dma_start3A_292 = tpu.memref_slice %arg5[%select_n3A, %dma_start3A_291, %rem3A_20] : memref<4x64x2048xf32, #tpu.memory_space<hbm>> -> memref<1x64x256xf32, #tpu.memory_space<hbm>>
      %dma_start3A_293 = tpu.memref_squeeze %dma_start3A_292 : memref<1x64x256xf32, #tpu.memory_space<hbm>> -> memref<64x256xf32, #tpu.memory_space<hbm>>
      %dma_start3A_294 = arith.constant 0 : i32
      %dma_start3A_295 = tpu.memref_slice %arg5[%select_n3A, %dma_start3A_294, %rem3A_20] : memref<4x64x2048xf32, #tpu.memory_space<hbm>> -> memref<1x64x256xf32, #tpu.memory_space<hbm>>
      %dma_start3A_296 = tpu.memref_squeeze %dma_start3A_295 : memref<1x64x256xf32, #tpu.memory_space<hbm>> -> memref<64x256xf32, #tpu.memory_space<hbm>>
      tpu.enqueue_dma source(%arg8 : memref<64x256xf32, #tpu.memory_space<vmem>>) target(%dma_start3A_296 : memref<64x256xf32, #tpu.memory_space<hbm>>) target_semaphore(%run_scoped3A : memref<!tpu.dma_semaphore, #tpu.memory_space<semaphore_mem>>)
      %dma_wait3A = arith.constant 0 : i32
      %dma_wait3A_297 = tpu.memref_slice %arg5[%select_n3A, %dma_wait3A, %rem3A_20] : memref<4x64x2048xf32, #tpu.memory_space<hbm>> -> memref<1x64x256xf32, #tpu.memory_space<hbm>>
      %dma_wait3A_298 = tpu.memref_squeeze %dma_wait3A_297 : memref<1x64x256xf32, #tpu.memory_space<hbm>> -> memref<64x256xf32, #tpu.memory_space<hbm>>
      %dma_wait3A_299 = arith.constant 0 : i32
      %dma_wait3A_300 = tpu.memref_slice %arg5[%select_n3A, %dma_wait3A_299, %rem3A_20] : memref<4x64x2048xf32, #tpu.memory_space<hbm>> -> memref<1x64x256xf32, #tpu.memory_space<hbm>>
      %dma_wait3A_301 = tpu.memref_squeeze %dma_wait3A_300 : memref<1x64x256xf32, #tpu.memory_space<hbm>> -> memref<64x256xf32, #tpu.memory_space<hbm>>
      tpu.wait_dma2 semaphore(%run_scoped3A : memref<!tpu.dma_semaphore, #tpu.memory_space<semaphore_mem>>) src(%arg8 : memref<64x256xf32, #tpu.memory_space<vmem>>) dst(%dma_wait3A_301 : memref<64x256xf32, #tpu.memory_space<hbm>>)
      tpu.yield
    }) : () -> ()
    return
  }
}

</mosaic_0001>

<sc_bundles>
// kernel: _emb_lookup.3.cloned.1.call-start
scs
__scs_entry_jumppad:
0x0: {  	(pc) =	sbr.rel $0x88, $3  }
0x1: {  	(tag) =	ssettag $0x0;
	lr =	simm.s32 $0x1  }
0x2: {  	[smem:$0x3F9E] =	sst lr;
	_ =	strace $0xD0000000  }
0x3: {  	_ = 	snop  }
0x4: {  	_ = 	snop  }
0x5: {  	_ = 	snop  }
0x6: {  	_ = 	snop  }
0x7: {  	_ = 	snop  }
__scs_overlays_trampoline_lowered:
0x8: {  	[smem:$0x3FAD] =	sst s0  }
0x9: {  	[smem:$0x3FAE] =	sst s1  }
0xa: {  	[smem:$0x3FAF] =	sst s2  }
0xb: {  	[smem:$0x3FB0] =	sst s3  }
0xc: {  	[smem:$0x3FB1] =	sst s4  }
0xd: {  	[smem:$0x3FB2] =	sst s5  }
0xe: {  	[smem:$0x3FB3] =	sst s6  }
0xf: {  	[smem:$0x3FB4] =	sst s7  }
0x10: {  	[smem:$0x3FB5] =	sst s8  }
0x11: {  	[smem:$0x3FB6] =	sst s9;
	s0 =	simm.s32 @!p0 $0x0  }
0x12: {  	s1 =	sld [smem:$0x3F9C];
	s0 =	simm.s32 @p0 $0x1  }
0x13: {  	[smem:$0x3FB7] =	sst s0;
	s0 =	simm.s32 @!p1 $0x0  }
0x14: {  	s2 =	sld [smem:$0x3F9B];
	s0 =	simm.s32 @p1 $0x1  }
0x15: {  	[smem:$0x3FB8] =	sst s0;
	s0 =	simm.s32 @!p2 $0x0  }
0x16: {  	s3 =	sld [smem:$0x3FDB];
	s0 =	simm.s32 @p2 $0x1  }
0x17: {  	s4 =	simm.s32 $0x1BF5;
	[smem:$0x3FBA] =	sst s0  }
0x18: {  	s0 =	sld [smem:$0x3F9D];
	_ =	swait.ge [sflag:s4], $0x0  }
0x19: {  	s7 =	sld [smem:$0x3F9E]  }
0x1a: {  	s8 =	sadd.s32 $0xFFFFE003, lr  }
0x1b: {  	s9 =	sadd.s32 $0xFFFFFEF7, lr;
	s5 =	simm.s32 $0xFFFFFFFF;
	p2 =	slt.u32 s8, $0xFFFFF086  }
0x1c: {  	p1 =	slt.u32 s9, $0xF7A;
	s5 =	simm.s32 @!p2 $0x0  }
0x1d: {  	s5 =	simm.s32 @p1 $0x1;
	p0 =	seq.s32 s7, s2  }
0x1e: {  	s7 =	smul.u32 @!p0 $0xF7A, s2;
	p2 =	seq.s32 @!p0 s5, $0x0  }
0x1f: {  	s9 =	smul.u32 $0xF7A, s1;
	s8 =	simm.s32 @!p0 $0x1BF5;
	p2 =	por !p2, p0  }
0x20: {  	[sflag:s8] =	ssyncset.s32 @!p0 $0xFFFFF086;
	s6 =	sadd.s32 @!p0 s3, s7;
	s7 =	simm.s32 @!p0 $0x108  }
0x21: {  	s3 =	sadd.s32 s3, s9;
	s6 =	sadd.s32 @!p0 $0x88, s6;
	s7 =	simm.s32 @p2 $0x1082  }
0x22: {  	[simem:s7], [sflag:s8] =	dma.local @!p0 [hbm:s6], $0xF7A  }
0x23: {  	s9 =	sor.u32 $0xD0000000, s2;
	s6 =	simm.s32 $0x108;
	_ =	swait.ge @!p0 [sflag:s8], $0x0  }
0x24: {  	s3 =	sadd.s32 $0x88, s3;
	s6 =	simm.s32 @!p1 $0x1082;
	[sflag:s4] =	ssyncset.s32 $0xFFFFF086  }
0x25: {  	[simem:s6], [sflag:s4] =	dma.local [hbm:s3], $0xF7A  }
0x26: {  	[smem:$0x3F9E] =	sst s1;
	(tag) =	ssettag s2;
	_ =	strace s9  }
0x27: {  	s1 =	sld [smem:$0x3FAE]  }
0x28: {  	s2 =	sld [smem:$0x3FAF]  }
0x29: {  	s4 =	sld [smem:$0x3FB1]  }
0x2a: {  	p0 =	seq.s32 s5, $0x0;
	s5 =	sld [smem:$0x3FB2]  }
0x2b: {  	s6 =	sld [smem:$0x3FB3]  }
0x2c: {  	s7 =	sld [smem:$0x3FB4]  }
0x2d: {  	s3 =	simm.s32 $0x108;
	s8 =	sld [smem:$0x3FB5]  }
0x2e: {  	s3 =	simm.s32 @!p0 $0x1082;
	s9 =	sld [smem:$0x3FB6]  }
0x2f: {  	lr =	sadd.s32 s0, s3;
	s0 =	sld [smem:$0x3FAD]  }
0x30: {  	s3 =	sld [smem:$0x3FB0]  }
0x31: {  	[smem:$0x3FB9] =	sst s10  }
0x32: {  	s10 =	sld [smem:$0x3FB7];
	_ =	sdelay $0x3  }
0x33: {  	p0 =	seq.s32 s10, $0x1;
	s10 =	sld [smem:$0x3FB9];
	_ =	sdelay $0x3  }
0x34: {  	[smem:$0x3FB9] =	sst s10  }
0x35: {  	s10 =	sld [smem:$0x3FB8];
	_ =	sdelay $0x3  }
0x36: {  	p1 =	seq.s32 s10, $0x1;
	s10 =	sld [smem:$0x3FB9];
	_ =	sdelay $0x3  }
0x37: {  	[smem:$0x3FB9] =	sst s10  }
0x38: {  	s10 =	sld [smem:$0x3FBA]  }
0x39: {  	_ = 	snop;
	(pc) =	sbr.ind lr, $3  }
0x3a: {  	_ = 	snop  }
0x3b: {  	_ = 	snop  }
0x3c: {  	p2 =	seq.s32 s10, $0x1;
	s10 =	sld [smem:$0x3FB9]  }
0x3d: {  	_ =	shalt  }
0x3e: {  	_ =	shalt  }
0x3f: {  	_ =	shalt  }
0x40: {  	_ =	shalt  }
0x41: {  	_ =	shalt  }
0x42: {  	_ =	shalt  }
0x43: {  	_ =	shalt  }
0x44: {  	_ =	shalt  }
0x45: {  	_ =	shalt  }
0x46: {  	_ =	shalt  }
0x47: {  	_ =	shalt  }
0x48: {  	_ =	shalt  }
0x49: {  	_ =	shalt  }
0x4a: {  	_ =	shalt  }
0x4b: {  	_ =	shalt  }
0x4c: {  	_ =	shalt  }
0x4d: {  	_ =	shalt  }
0x4e: {  	_ =	shalt  }
0x4f: {  	_ =	shalt  }
0x50: {  	_ =	shalt  }
0x51: {  	_ =	shalt  }
0x52: {  	_ =	shalt  }
0x53: {  	_ =	shalt  }
0x54: {  	_ =	shalt  }
0x55: {  	_ =	shalt  }
0x56: {  	_ =	shalt  }
0x57: {  	_ =	shalt  }
0x58: {  	_ =	shalt  }
0x59: {  	_ =	shalt  }
0x5a: {  	_ =	shalt  }
0x5b: {  	_ =	shalt  }
0x5c: {  	_ =	shalt  }
0x5d: {  	_ =	shalt  }
0x5e: {  	_ =	shalt  }
0x5f: {  	_ =	shalt  }
0x60: {  	_ =	shalt  }
0x61: {  	_ =	shalt  }
0x62: {  	_ =	shalt  }
0x63: {  	_ =	shalt  }
0x64: {  	_ =	shalt  }
0x65: {  	_ =	shalt  }
0x66: {  	_ =	shalt  }
0x67: {  	_ =	shalt  }
0x68: {  	_ =	shalt  }
0x69: {  	_ =	shalt  }
0x6a: {  	_ =	shalt  }
0x6b: {  	_ =	shalt  }
0x6c: {  	_ =	shalt  }
0x6d: {  	_ =	shalt  }
0x6e: {  	_ =	shalt  }
0x6f: {  	_ =	shalt  }
0x70: {  	_ =	shalt  }
0x71: {  	_ =	shalt  }
0x72: {  	_ =	shalt  }
0x73: {  	_ =	shalt  }
0x74: {  	_ =	shalt  }
0x75: {  	_ =	shalt  }
0x76: {  	_ =	shalt  }
0x77: {  	_ =	shalt  }
0x78: {  	_ =	shalt  }
0x79: {  	_ =	shalt  }
0x7a: {  	_ =	shalt  }
0x7b: {  	_ =	shalt  }
0x7c: {  	_ =	shalt  }
0x7d: {  	_ =	shalt  }
0x7e: {  	_ =	shalt  }
0x7f: {  	_ =	shalt  }
0x80: {  	_ =	shalt  }
0x81: {  	_ =	shalt  }
0x82: {  	_ =	shalt  }
0x83: {  	_ =	shalt  }
0x84: {  	_ =	shalt  }
0x85: {  	_ =	shalt  }
0x86: {  	_ =	shalt  }
0x87: {  	_ =	shalt  }
.Lfunc_end0:
.L_simem_size_0:
called_computation_lowered:
.L_overlay_start_0:
0x88: {  	s2 =	sld [smem:$0x3FD9]  }
0x89: {  	s3 =	sld [smem:$0x3FFE];
	_ =	sdelay $0x1  }
0x8a: {  	s1 =	srdreg.scid  }
0x8b: {  	s0 =	sand.u32 $0x1, s1  }
0x8c: {  	s18 =	sshll.u32 s0, $0xA;
	s2 =	sadd.s32 s3, s2  }
0x8d: {  	s2 =	sadd.s32 s2, s18  }
0x8e: {  	[smem:$0x3FC5] =	sst s2  }
0x8f: {  	_ = 	snop  }
0x90: {  	s2 =	sld [smem:$0x3FC9]  }
0x91: {  	s19 =	sld [smem:$0x3FC8]  }
0x92: {  	s4 =	sld [smem:$0x3FC7]  }
0x93: {  	s5 =	sld [smem:$0x3FD0];
	(tm) =	ssettm $0x1  }
0x94: {  	s6 =	sld [smem:$0x3FFB];
	_ =	sdelay $0x3  }
0x95: {  	_ =	strace s6  }
0x96: {  	s6 =	sld [smem:$0x3FFC];
	_ =	sdelay $0x3  }
0x97: {  	_ =	strace s6  }
0x98: {  	s6 =	sld [smem:$0x3FFD];
	_ =	sdelay $0x3  }
0x99: {  	_ =	strace s6  }
0x9a: {  	_ =	strace $0x8FFFFFFF  }
0x9b: {  	s20 =	sld [smem:$0x3FDB];
	_ =	sdelay $0x1  }
0x9c: {  	s7 =	simm.s32 $_scs_section_size  }
0x9d: {  	s8 =	simm.s32 $_size__tile_overlayer_lowered;
	s9 =	simm.s32 $_tile_overlayer_lowered  }
0x9e: {  	s23 =	simm.s32 $0x1BFF;
	s22 =	sshll.u32 s9, $0x1;
	s6 =	sadd.s32 s7, s20  }
0x9f: {  	s10 =	simm.s32 $0x0;
	s21 =	sshll.u32 s8, $0x1;
	s8 =	sadd.s32 s22, s6  }
0xa0: {  	[timem:s10], [sflag:s23] =	dma.local [hbm:s8], s21  }
0xa1: {  	_ =	swait.ge [sflag:s23], s21  }
0xa2: {  	s7 =	ssub.s32 $0x0, s21;
	[sflag:s23] =	ssyncset.done $0x0  }
0xa3: {  	[sflag:s23] =	ssyncadd.s32 s7;
	_ =	sdelay $0x1  }
0xa4: {  	s24 =	simm.s32 $0x1B8B  }
0xa5: {  	_ =	swait.ge [sflag:s24], $0x1  }
0xa6: {  	[sflag:s24] =	ssyncset.done $0x0  }
0xa7: {  	s25 =	simm.s32 $0x1B8E;
	[sflag:s24] =	ssyncadd.s32 $0xFFFFFFFF  }
0xa8: {  	s26 =	simm.s32 $execute0_lowered;
	[smem:$0x3FD2] =	sst s25  }
0xa9: {  	s7 =	sshll.u32 s26, $0x1;
	_ =	strace $0x80000046;
	[dreg:$0x1] =	wrdreg $0xFFFFFFFF  }
0xaa: {  	s28 =	simm.s32 $_size_execute0_lowered;
	s6 =	sadd.s32 s6, s7;
	[dreg:$0x0] =	wrdreg $0x0  }
0xab: {  	s7 =	sshll.u32 s28, $0x1;
	[dreg:$0x2] =	wrdreg s6  }
0xac: {  	[dreg:$0x3] =	wrdreg s7  }
0xad: {  	[dreg:$0x4] =	wrdreg $0xC0  }
0xae: {  	_ =	task [dreg:s10], $0x5FFFF  }
0xaf: {  	[dreg:$0x1] =	wrdreg $0xFFFFFFFF  }
0xb0: {  	[dreg:$0x0] =	wrdreg $0x60  }
0xb1: {  	[dreg:$0x2] =	wrdreg s2  }
0xb2: {  	[dreg:$0x3] =	wrdreg s19  }
0xb3: {  	[dreg:$0x4] =	wrdreg s4  }
0xb4: {  	[dreg:$0x5] =	wrdreg s5  }
0xb5: {  	[dreg:$0x6] =	wrdreg $0x9  }
0xb6: {  	_ =	task.clear_ibuf [dreg:s10], $0x7FFFF;
	_ =	strace $0x90000046  }
0xb7: {  	s29 =	simm.s32 $0x9;
	_ =	strace $0x80000048  }
0xb8: {  	_ =	swait.ge [sflag:s29], $0x1  }
0xb9: {  	[sflag:s29] =	ssyncadd.s32 $0xFFFFFFFF  }
0xba: {  	_ =	strace $0x90000048  }
0xbb: {  	_ =	sfence  }
0xbc: {  	s30 =	sld [smem:$0x0];
	_ =	sdelay $0x2  }
0xbd: {  	s31 =	sshll.u32 s1, $0xD;
	s1 =	sshrl.u32 s1, $0x2  }
0xbe: {  	s3 =	sand.u32 $0x4000, s31;
	s1 =	sadd.s32 s1, s30  }
0xbf: {  	s0 =	sor.u32 s3, s0;
	s1 =	sshll.u32 s1, $0x11  }
0xc0: {  	s0 =	sor.u32 s1, s0  }
0xc1: {  	s0 =	sadd.s32 $0x8F2B, s0  }
0xc2: {  	[sflag:s0] =	ssyncadd.remote.s32 $0x1  }
0xc3: {  	_ =	sfence.sel $0xFFFF  }
0xc4: {  	[dreg:$0x0] =	wrdreg $0xFFFFFFFF;
	(pc) =	sbr.abs _section_cstart, $3  }
0xc5: {  	[dreg:$0x1] =	wrdreg $0xFFFFFFFF  }
0xc6: {  	_ =	task.clear_ibuf [dreg:s10], $0x2FFFF;
	_ =	strace $0x9FFFFFFF  }
0xc7: {  	(tm) =	ssettm $0x7FFFFFFF  }
tec
execute0_lowered:
.L_overlay_start_1:
0x0: {  	(tag) =	ssettag $0x1  }
0x1: {  	v0 =	vimm.s32 $0xB80;
	vm1 =	vcmask $0x300;
	vm2 =	vcmask $0x704  }
0x2: {  	vm3 =	vcmask $0xB08;
	vm5 =	vcmask $0xF0C;
	vm6 =	vcmask $0x1310  }
0x3: {  	vm7 =	vcmask $0x1714;
	vm0 =	vmmov $0x1;
	vm4 =	vcmask $0x1B18  }
0x4: {  	v1 =	vimm.s32 $0x1B80;
	v2 =	vimm.s32 $0x2B80;
	v3 =	vimm.s32 $0x3B80  }
0x5: {  	vm8 =	vcmask $0x1F1C;
	v0 =	vsel vm1, $0x0, v0;
	v1 =	vsel vm1, $0x1000, v1  }
0x6: {  	v2 =	vsel vm1, $0x2000, v2;
	v3 =	vsel vm1, $0x3000, v3;
	vm1 =	vcmask $0x308  }
0x7: {  	v0 =	vsel vm2, $0x80, v0;
	v1 =	vsel vm2, $0x1080, v1;
	v2 =	vsel vm2, $0x2080, v2  }
0x8: {  	v3 =	vsel vm2, $0x3080, v3;
	vm2 =	vcmask $0x70C;
	v0 =	vsel vm3, $0x100, v0  }
0x9: {  	v1 =	vsel vm3, $0x1100, v1;
	v2 =	vsel vm3, $0x2100, v2;
	v3 =	vsel vm3, $0x3100, v3  }
0xa: {  	vm3 =	vcmask $0xB10;
	v0 =	vsel vm5, $0x180, v0;
	v1 =	vsel vm5, $0x1180, v1  }
0xb: {  	v2 =	vsel vm5, $0x2180, v2;
	v3 =	vsel vm5, $0x3180, v3;
	vm5 =	vcmask $0x2320  }
0xc: {  	v0 =	vsel vm6, $0x200, v0;
	v1 =	vsel vm6, $0x1200, v1;
	v2 =	vsel vm6, $0x2200, v2  }
0xd: {  	v3 =	vsel vm6, $0x3200, v3;
	vm6 =	vcmask $0x2724;
	v0 =	vsel vm7, $0x280, v0  }
0xe: {  	v1 =	vsel vm7, $0x1280, v1;
	v2 =	vsel vm7, $0x2280, v2;
	v3 =	vsel vm7, $0x3280, v3  }
0xf: {  	vm7 =	vcmask $0x2B28;
	v0 =	vsel vm4, $0x300, v0;
	v1 =	vsel vm4, $0x1300, v1  }
0x10: {  	v2 =	vsel vm4, $0x2300, v2;
	v3 =	vsel vm4, $0x3300, v3;
	vm4 =	vcmask $0xF14  }
0x11: {  	v0 =	vsel vm8, $0x380, v0;
	v1 =	vsel vm8, $0x1380, v1;
	v2 =	vsel vm8, $0x2380, v2  }
0x12: {  	v3 =	vsel vm8, $0x3380, v3;
	vm8 =	vcmask $0x2F2C;
	v0 =	vsel vm5, $0x800, v0  }
0x13: {  	v1 =	vsel vm5, $0x1800, v1;
	v2 =	vsel vm5, $0x2800, v2;
	v3 =	vsel vm5, $0x3800, v3  }
0x14: {  	vm5 =	vcmask $0x1318;
	v0 =	vsel vm6, $0x880, v0;
	v1 =	vsel vm6, $0x1880, v1  }
0x15: {  	v2 =	vsel vm6, $0x2880, v2;
	v3 =	vsel vm6, $0x3880, v3;
	vm6 =	vcmask $0x171C  }
0x16: {  	v0 =	vsel vm7, $0x900, v0;
	v1 =	vsel vm7, $0x1900, v1;
	v2 =	vsel vm7, $0x2900, v2  }
0x17: {  	v3 =	vsel vm7, $0x3900, v3;
	vm7 =	vcmask $0x3330;
	v4 =	vsel vm8, $0x980, v0  }
0x18: {  	s1 =	rddreg [dreg:$0x0];
	v1 =	vsel vm8, $0x1980, v1;
	v2 =	vsel vm8, $0x2980, v2;
	v3 =	vsel vm8, $0x3980, v3  }
0x19: {  	s0 =	rddreg [dreg:$0x1];
	v0 =	vlaneseq.u32;
	v4 =	vsel vm7, $0xA00, v4;
	v5 =	vsel vm7, $0x1A00, v1  }
0x1a: {  	s2 =	rddreg [dreg:$0x2];
	v2 =	vsel vm7, $0x2A00, v2;
	v3 =	vsel vm7, $0x3A00, v3;
	vm7 =	vcmask $0x3734  }
0x1b: {  	s3 =	rddreg [dreg:$0x3];
	s4 =	simm.s32 $0x0;
	s22 =	srdreg.scid;
	v1 =	vmul.u32 $0x80, v0;
	v4 =	vsel vm7, $0xA80, v4;
	v5 =	vsel vm7, $0x1A80, v5  }
0x1c: {  	s8 =	stileid.u32;
	s9 =	simm.s32 $0x4000;
	s10 =	simm.s32 $0x14100;
	v6 =	vsel vm7, $0x2A80, v2;
	v7 =	vsel vm7, $0x3A80, v3;
	vm7 =	vcmask $0x3B38  }
0x1d: {  	s12 =	simm.s32 $0x400;
	s13 =	simm.s32 $0x7A1400;
	s14 =	simm.s32 $0x100;
	v2 =	vsel vm7, $0xB00, v4;
	v3 =	vsel vm7, $0x1B00, v5;
	v4 =	vsel vm7, $0x2B00, v6  }
0x1e: {  	s20 =	simm.s32 $0xC100;
	s21 =	simm.s32 $0xE100;
	s28 =	simm.s32 $0x5;
	v5 =	vsel vm7, $0x3B00, v7;
	vm7 =	vcmask $0x1B20;
	v6 =	vor.u32 $0x800, v1  }
0x1f: {  	s29 =	simm.s32 $0x6;
	s30 =	simm.s32 $0x7;
	s31 =	simm.s32 $0x8;
	v7 =	vor.u32 $0x1000, v1;
	v8 =	vor.u32 $0x1800, v1;
	v9 =	vor.u32 $0x2000, v1  }
0x20: {  	[smem:$0x7FF] =	sst s4;
	s4 =	sand.u32 $0x1, s22;
	s6 =	sshll.u32 s8, $0x9;
	v10 =	vor.u32 $0x2800, v1;
	v11 =	vor.u32 $0x3000, v1;
	v12 =	vor.u32 $0x3800, v1  }
0x21: {  	s23 =	sshll.u32 s8, $0xC;
	s8 =	simm.s32 $0x800;
	s22 =	simm.s32 $0x1;
	v13 =	vor.u32 $0x4000, v1;
	v14 =	vor.u32 $0x4800, v1;
	v15 =	vor.u32 $0x5000, v1  }
0x22: {  	_ =	strace $0x80000047;
	s5 =	ssub.s32 $0x2, s4;
	s4 =	sshll.u32 s4, $0x8;
	v16 =	vor.u32 $0x5800, v1;
	v17 =	vor.u32 $0x6000, v1;
	v18 =	vor.u32 $0x6800, v1  }
0x23: {  	s7 =	sshrl.u32 s5, $0x1;
	s4 =	sor.u32 s4, s6;
	s6 =	sand.u32 $0xC000, s23;
	v19 =	vor.u32 $0x7000, v1;
	v20 =	vor.u32 $0x7800, v1;
	v21 =	vor.u32 $0x8000, v1  }
.Ltmp0:
0x24: {  	s23 =	simm.s32 $0x10100;
	s11 =	ssub.s32 s5, s7;
	v22 =	vor.u32 $0x8800, v1;
	v23 =	vor.u32 $0x9000, v1;
	v24 =	vor.u32 $0x9800, v1;
	(pc) =	sbr.rel .LBB2_1-.Ltmp0, $4  }
0x25: {  	s24 =	sshrl.u32 s4, $0x3;
	s25 =	sand.u32 $0x700, s4;
	s26 =	sadd.s32 s3, s6;
	v25 =	vor.u32 $0xA000, v1;
	v26 =	vor.u32 $0xA800, v1;
	v27 =	vor.u32 $0xB000, v1  }
0x26: {  	s7 =	simm.s32 $0x9;
	s4 =	sadd.s32 s1, s24;
	s5 =	sadd.s32 s2, s25;
	v28 =	vor.u32 $0xB800, v1;
	v29 =	vor.u32 $0xC000, v1;
	v30 =	vor.u32 $0xC800, v1  }
0x27: {  	s6 =	sadd.s32 s25, s26;
	s11 =	smax.u32 s11, $0x1;
	s24 =	simm.s32 $0x2;
	v31 =	vor.u32 $0xD000, v1;
	v32 =	vor.u32 $0xD800, v1;
	v33 =	vor.u32 $0xE000, v1  }
0x28: {  	s25 =	simm.s32 $0x3;
	s26 =	simm.s32 $0x4;
	s1 =	simm.s32 $0x0;
	v34 =	vor.u32 $0xE800, v1;
	v35 =	vor.u32 $0xF000, v1;
	v36 =	vor.u32 $0xF800, v1  }
.LBB2_4:
0x29: {  	s1 =	sadd.s32 $0x1, s1  }
0x2a: {  	p0 =	sne.s32 s1, s11  }
.Ltmp1:
0x2b: {  	_ = 	snop;
	(pc) =	sbr.rel @!p0 .LBB2_5-.Ltmp1, $4  }
0x2c: {  	[hbm4b:s6+s8] =	stream.strided.scatter [tilespmem:s23], [sflag:$0x9], $0x4000, s9, s8, $0x38;
	[tilespmem:$0x18100] =	vst v63  }
0x2d: {  	_ =	swait.ge [sflag:s7], $0x4000  }
0x2e: {  	[sflag:s7] =	ssyncset.done $0x0  }
0x2f: {  	[sflag:s7] =	ssyncadd.s32 $0xFFFFC000  }
.LBB2_1:
0x30: {  	s2 =	simm.s32 $0x0  }
0x31: {  	[tilespmem:s2], [sflag:$0x9] =	stream.linear.gather [hbm4b:s4+s2], $0x100, $0x38;
	[tilespmem:$0x18100] =	vst v63  }
0x32: {  	_ =	swait.ge [sflag:s7], $0x100  }
0x33: {  	[sflag:s7] =	ssyncset.done $0x0  }
0x34: {  	[sflag:s7] =	ssyncadd.s32 $0xFFFFFF00  }
0x35: {  	[tilespmem:s10], [sflag:$0x9] =	stream.strided.gather [hbm4b:s5+s8], $0x4000, s9, s8, $0x38;
	[tilespmem:$0x18100] =	vst v63  }
0x36: {  	_ =	swait.ge [sflag:s7], $0x4000  }
0x37: {  	[sflag:s7] =	ssyncset.done $0x0  }
0x38: {  	[sflag:s7] =	ssyncadd.s32 $0xFFFFC000  }
0x39: {  	v37 =	vld [tilespmem:$0x0];
	_ =	sdelay $0x4  }
0x3a: {  	v37 =	vnsel vm0, $0x0, v37  }
0x3b: {  	v37 =	vxor.u32 $0x80000000, v37  }
0x3c: {  	(xrf0) =	vmax.scan.msk.u32 $0xffff, v37;
	_ =	sdelay $0x5  }
0x3d: {  	v37, _, _ =	vpop (xrf0)  }
0x3e: {  	(v2sf) =	vpush v37, $0xF;
	_ =	sdelay $0xe  }
0x3f: {  	s3 =	spop (v2sf)  }
0x40: {  	s2 =	sand.u32 $0x1FFFFF80, s3  }
0x41: {  	s2 =	sadd.s32 s0, s2  }
0x42: {  	[tilespmem:s14], [sflag:$0x1] =	stream.strided.gather [hbm4b:s2+s12], $0x2000, s13, s12, $0x38;
	[tilespmem:$0x18100] =	vst v63  }
0x43: {  	v57 =	vld [tilespmem:$0x0];
	_ =	sdelay $0x4  }
0x44: {  	v37 =	vsel vm1, $0x0, v57  }
0x45: {  	v37 =	vxor.u32 $0x80000000, v37  }
0x46: {  	(xrf0) =	vmax.scan.msk.u32 $0xffff, v37;
	_ =	sdelay $0x5  }
0x47: {  	v37, _, _ =	vpop (xrf0)  }
0x48: {  	(v2sf) =	vpush v37, $0xF;
	_ =	sdelay $0xe  }
0x49: {  	s15 =	spop (v2sf)  }
0x4a: {  	s2 =	sand.u32 $0x1FFFFF80, s15  }
0x4b: {  	s3 =	simm.s32 $0x2100;
	s2 =	sadd.s32 s0, s2  }
0x4c: {  	[tilespmem:s3], [sflag:$0x2] =	stream.strided.gather [hbm4b:s2+s12], $0x2000, s13, s12, $0x38;
	[tilespmem:$0x18100] =	vst v63  }
0x4d: {  	v58 =	vld [tilespmem:$0x0];
	_ =	sdelay $0x4  }
0x4e: {  	v37 =	vsel vm2, $0x0, v58  }
0x4f: {  	v37 =	vxor.u32 $0x80000000, v37  }
0x50: {  	(xrf0) =	vmax.scan.msk.u32 $0xffff, v37;
	_ =	sdelay $0x5  }
0x51: {  	v37, _, _ =	vpop (xrf0)  }
0x52: {  	(v2sf) =	vpush v37, $0xF;
	_ =	sdelay $0xe  }
0x53: {  	s16 =	spop (v2sf)  }
0x54: {  	s2 =	sand.u32 $0x1FFFFF80, s16  }
0x55: {  	s17 =	simm.s32 $0x4100;
	s2 =	sadd.s32 s0, s2  }
0x56: {  	[tilespmem:s17], [sflag:$0x3] =	stream.strided.gather [hbm4b:s2+s12], $0x2000, s13, s12, $0x38;
	[tilespmem:$0x18100] =	vst v63  }
0x57: {  	v59 =	vld [tilespmem:$0x0];
	_ =	sdelay $0x4  }
0x58: {  	v37 =	vsel vm3, $0x0, v59  }
0x59: {  	v37 =	vxor.u32 $0x80000000, v37  }
0x5a: {  	(xrf0) =	vmax.scan.msk.u32 $0xffff, v37;
	_ =	sdelay $0x5  }
0x5b: {  	v37, _, _ =	vpop (xrf0)  }
0x5c: {  	(v2sf) =	vpush v37, $0xF;
	_ =	sdelay $0xe  }
0x5d: {  	s18 =	spop (v2sf)  }
0x5e: {  	s2 =	sand.u32 $0x1FFFFF80, s18  }
0x5f: {  	s19 =	simm.s32 $0x6100;
	s2 =	sadd.s32 s0, s2  }
0x60: {  	[tilespmem:s19], [sflag:$0x4] =	stream.strided.gather [hbm4b:s2+s12], $0x2000, s13, s12, $0x38;
	[tilespmem:$0x18100] =	vst v63  }
0x61: {  	v60 =	vld [tilespmem:$0x0];
	_ =	sdelay $0x4  }
0x62: {  	v37 =	vsel vm4, $0x0, v60  }
0x63: {  	v37 =	vxor.u32 $0x80000000, v37  }
0x64: {  	(xrf0) =	vmax.scan.msk.u32 $0xffff, v37;
	_ =	sdelay $0x5  }
0x65: {  	v37, _, _ =	vpop (xrf0)  }
0x66: {  	(v2sf) =	vpush v37, $0xF;
	_ =	sdelay $0xe  }
0x67: {  	s3 =	spop (v2sf)  }
0x68: {  	s2 =	sand.u32 $0x1FFFFF80, s3  }
0x69: {  	s15 =	simm.s32 $0x8100;
	s2 =	sadd.s32 s0, s2  }
0x6a: {  	[tilespmem:s15], [sflag:$0x5] =	stream.strided.gather [hbm4b:s2+s12], $0x2000, s13, s12, $0x38;
	[tilespmem:$0x18100] =	vst v63  }
0x6b: {  	v61 =	vld [tilespmem:$0x0];
	_ =	sdelay $0x4  }
0x6c: {  	v37 =	vsel vm5, $0x0, v61  }
0x6d: {  	v37 =	vxor.u32 $0x80000000, v37  }
0x6e: {  	(xrf0) =	vmax.scan.msk.u32 $0xffff, v37;
	_ =	sdelay $0x5  }
0x6f: {  	v37, _, _ =	vpop (xrf0)  }
0x70: {  	(v2sf) =	vpush v37, $0xF;
	_ =	sdelay $0xe  }
0x71: {  	s16 =	spop (v2sf)  }
0x72: {  	s2 =	sand.u32 $0x1FFFFF80, s16  }
0x73: {  	s17 =	simm.s32 $0xA100;
	s2 =	sadd.s32 s0, s2  }
0x74: {  	[tilespmem:s17], [sflag:$0x6] =	stream.strided.gather [hbm4b:s2+s12], $0x2000, s13, s12, $0x38;
	[tilespmem:$0x18100] =	vst v63  }
0x75: {  	v62 =	vld [tilespmem:$0x0];
	_ =	sdelay $0x4  }
0x76: {  	v37 =	vsel vm6, $0x0, v62  }
0x77: {  	v37 =	vxor.u32 $0x80000000, v37  }
0x78: {  	(xrf0) =	vmax.scan.msk.u32 $0xffff, v37;
	_ =	sdelay $0x5  }
0x79: {  	v37, _, _ =	vpop (xrf0)  }
0x7a: {  	(v2sf) =	vpush v37, $0xF;
	_ =	sdelay $0xe  }
0x7b: {  	s18 =	spop (v2sf)  }
0x7c: {  	s2 =	sand.u32 $0x1FFFFF80, s18  }
0x7d: {  	s2 =	sadd.s32 s0, s2  }
0x7e: {  	[tilespmem:s20], [sflag:$0x7] =	stream.strided.gather [hbm4b:s2+s12], $0x2000, s13, s12, $0x38;
	[tilespmem:$0x18100] =	vst v63  }
0x7f: {  	v63 =	vld [tilespmem:$0x0];
	_ =	sdelay $0x4  }
0x80: {  	v37 =	vsel vm7, $0x0, v63  }
0x81: {  	v37 =	vxor.u32 $0x80000000, v37  }
0x82: {  	(xrf0) =	vmax.scan.msk.u32 $0xffff, v37;
	_ =	sdelay $0x5  }
0x83: {  	v37, _, _ =	vpop (xrf0)  }
0x84: {  	(v2sf) =	vpush v37, $0xF;
	_ =	sdelay $0xe  }
0x85: {  	s19 =	spop (v2sf)  }
0x86: {  	s2 =	sand.u32 $0x1FFFFF80, s19  }
0x87: {  	s2 =	sadd.s32 s0, s2  }
0x88: {  	[tilespmem:s21], [sflag:$0x8] =	stream.strided.gather [hbm4b:s2+s12], $0x2000, s13, s12, $0x38;
	[tilespmem:$0x18100] =	vst v63  }
0x89: {  	s3 =	simm.s32 $0x3C;
	s2 =	simm.s32 $0x0  }
.LBB2_2:
0x8a: {  	_ =	swait.ge [sflag:s22], $0x2000;
	s15 =	sadd.s32 $0xFFFFFFC4, s3  }
0x8b: {  	[sflag:s22] =	ssyncset.done $0x0;
	s15 =	sand.u32 $0x3C0, s15  }
0x8c: {  	[sflag:s22] =	ssyncadd.s32 $0xFFFFE000;
	s15 =	sshrl.u32 s15, $0x2  }
0x8d: {  	v37 =	vld [tilespmem:s15+$0x0];
	_ =	sdelay $0x2  }
0x8e: {  	s16 =	sand.u32 $0x8, s2  }
0x8f: {  	v38 =	vmov s16  }
0x90: {  	vm8 =	veq.s32 v38, v0;
	v37 =	vxor.u32 $0x80000000, v37  }
0x91: {  	v37 =	vnsel vm8, $0x80000000, v37  }
0x92: {  	(xrf0) =	vmax.scan.msk.u32 $0xffff, v37;
	_ =	sdelay $0x5  }
0x93: {  	v37, _, _ =	vpop (xrf0)  }
0x94: {  	(v2sf) =	vpush v37, $0xF;
	_ =	sdelay $0xb  }
0x95: {  	v45 =	vmov s2  }
0x96: {  	v46 =	vshll.u32 v45, $0x3  }
0x97: {  	v38 =	vand.u32 $0x400, v46;
	v37 =	vand.u32 $0x78, v45  }
0x98: {  	v37 =	vor.u32 v37, v38;
	s18 =	spop (v2sf)  }
0x99: {  	v38 =	vor.u32 v2, v37;
	s16 =	sand.u32 $0x7F, s18  }
0x9a: {  	v39 =	vor.u32 s16, v1;
	_ =	sdelay $0x3  }
0x9b: {  	v40 =	vld.idx.msk [tilespmem:v38+s10+$0x0], $0xffff  }
0x9c: {  	v39 =	vld.idx.msk [tilespmem:v39+s14+$0x0], $0xffff;
	_ =	sdelay $0x2  }
0x9d: {  	v41 =	vor.u32 s16, v6  }
0x9e: {  	v42 =	vor.u32 v3, v37  }
0x9f: {  	v39 =	vadd.f32 v40, v39;
	_ =	sdelay $0x1  }
0xa0: {  	[tilespmem:v38+s23+$0x0] =	vst.idx.msk $0xffff, v39  }
0xa1: {  	v38 =	vld.idx.msk [tilespmem:v41+s14+$0x0], $0xffff  }
0xa2: {  	v39 =	vld.idx.msk [tilespmem:v42+s10+$0x0], $0xffff;
	_ =	sdelay $0x2  }
0xa3: {  	v47 =	vor.u32 s16, v7  }
0xa4: {  	v48 =	vor.u32 v4, v37  }
0xa5: {  	v38 =	vadd.f32 v39, v38;
	_ =	sdelay $0x1  }
0xa6: {  	[tilespmem:v42+s23+$0x0] =	vst.idx.msk $0xffff, v38  }
0xa7: {  	v38 =	vld.idx.msk [tilespmem:v47+s14+$0x0], $0xffff  }
0xa8: {  	v49 =	vld.idx.msk [tilespmem:v48+s10+$0x0], $0xffff;
	_ =	sdelay $0x2  }
0xa9: {  	v50 =	vor.u32 s16, v8  }
0xaa: {  	v37 =	vor.u32 v5, v37  }
0xab: {  	v38 =	vadd.f32 v49, v38;
	_ =	sdelay $0x1  }
0xac: {  	[tilespmem:v48+s23+$0x0] =	vst.idx.msk $0xffff, v38  }
0xad: {  	v38 =	vld.idx.msk [tilespmem:v50+s14+$0x0], $0xffff  }
0xae: {  	v51 =	vld.idx.msk [tilespmem:v37+s10+$0x0], $0xffff;
	_ =	sdelay $0x3  }
0xaf: {  	p0 =	seq.s32 s2, $0xF8  }
0xb0: {  	s16 =	sadd.s32 @!p0 $0xFFFFFFE4, s3;
	v38 =	vadd.f32 v51, v38  }
0xb1: {  	s16 =	sand.u32 @!p0 $0x7C0, s16  }
0xb2: {  	s16 =	sshrl.u32 @!p0 s16, $0x2;
	[tilespmem:v37+s23+$0x0] =	vst.idx.msk $0xffff, v38  }
0xb3: {  	v38 =	vld @!p0 [tilespmem:s16+$0x0];
	_ =	sdelay $0x1  }
0xb4: {  	s16 =	sxor.u32 @!p0 $0xFFFFFFFF, s2  }
0xb5: {  	s16 =	sand.u32 @!p0 $0x8, s16  }
0xb6: {  	v37 =	vlaneseq.u32 @!p0;
	v39 =	vmov @!p0 s16  }
0xb7: {  	vm8 =	veq.s32 @!p0 v39, v37;
	v38 =	vxor.u32 @!p0 $0x80000000, v38  }
0xb8: {  	v38 =	vnsel @!p0 vm8, $0x80000000, v38  }
0xb9: {  	(xrf0) =	vmax.scan.msk.u32 @!p0 $0xffff, v38;
	_ =	sdelay $0x5  }
0xba: {  	v38, _, _ =	vpop @!p0 (xrf0)  }
0xbb: {  	(v2sf) =	vpush @!p0 v38, $0xF;
	_ =	sdelay $0xe  }
0xbc: {  	s16 =	spop @!p0 (v2sf)  }
0xbd: {  	s17 =	simm.s32 @!p0 $0x7A1400;
	s16 =	sand.u32 @!p0 $0x1FFFFF80, s16  }
0xbe: {  	s19 =	simm.s32 @!p0 $0x100;
	s18 =	sadd.s32 @!p0 s0, s16;
	s16 =	simm.s32 @!p0 $0x400  }
0xbf: {  	[tilespmem:s19], [sflag:$0x1] =	stream.strided.gather @!p0 [hbm4b:s18+s16], $0x2000, s17, s16, $0x38;
	[tilespmem:$0x18100] =	vst v63  }
0xc0: {  	_ =	swait.ge [sflag:s24], $0x2000  }
0xc1: {  	[sflag:s24] =	ssyncset.done $0x0  }
0xc2: {  	[sflag:s24] =	ssyncadd.s32 $0xFFFFE000  }
0xc3: {  	v52 =	vld [tilespmem:s15+$0x0];
	_ =	sdelay $0x1  }
0xc4: {  	s18 =	sadd.s32 $0x1, s2  }
0xc5: {  	s19 =	sand.u32 $0x9, s18  }
0xc6: {  	v53 =	vmov s19  }
0xc7: {  	vm8 =	veq.s32 v53, v0;
	v38 =	vxor.u32 $0x80000000, v52  }
0xc8: {  	v38 =	vnsel vm8, $0x80000000, v38  }
0xc9: {  	(xrf0) =	vmax.scan.msk.u32 $0xffff, v38;
	_ =	sdelay $0x5  }
0xca: {  	v38, _, _ =	vpop (xrf0)  }
0xcb: {  	(v2sf) =	vpush v38, $0xF;
	_ =	sdelay $0xb  }
0xcc: {  	v54 =	vmov s18  }
0xcd: {  	v55 =	vshll.u32 v54, $0x3  }
0xce: {  	v39 =	vand.u32 $0x400, v55;
	v38 =	vand.u32 $0x79, v54  }
0xcf: {  	v38 =	vor.u32 v38, v39;
	s19 =	spop (v2sf)  }
0xd0: {  	v39 =	vor.u32 v2, v38;
	s18 =	sand.u32 $0x7F, s19  }
0xd1: {  	v56 =	vor.u32 s18, v9;
	_ =	sdelay $0x3  }
0xd2: {  	v57 =	vld.idx.msk [tilespmem:v39+s10+$0x0], $0xffff  }
0xd3: {  	v40 =	vld.idx.msk [tilespmem:v56+s14+$0x0], $0xffff;
	_ =	sdelay $0x2  }
0xd4: {  	v58 =	vor.u32 s18, v10  }
0xd5: {  	v43 =	vor.u32 v3, v38  }
0xd6: {  	v40 =	vadd.f32 v57, v40;
	_ =	sdelay $0x1  }
0xd7: {  	[tilespmem:v39+s23+$0x0] =	vst.idx.msk $0xffff, v40  }
0xd8: {  	v39 =	vld.idx.msk [tilespmem:v58+s14+$0x0], $0xffff  }
0xd9: {  	v40 =	vld.idx.msk [tilespmem:v43+s10+$0x0], $0xffff;
	_ =	sdelay $0x2  }
0xda: {  	v59 =	vor.u32 s18, v11  }
0xdb: {  	v60 =	vor.u32 v4, v38  }
0xdc: {  	v39 =	vadd.f32 v40, v39;
	_ =	sdelay $0x1  }
0xdd: {  	[tilespmem:v43+s23+$0x0] =	vst.idx.msk $0xffff, v39  }
0xde: {  	v39 =	vld.idx.msk [tilespmem:v59+s14+$0x0], $0xffff  }
0xdf: {  	v61 =	vld.idx.msk [tilespmem:v60+s10+$0x0], $0xffff;
	_ =	sdelay $0x2  }
0xe0: {  	v62 =	vor.u32 s18, v12  }
0xe1: {  	v38 =	vor.u32 v5, v38  }
0xe2: {  	v39 =	vadd.f32 v61, v39;
	_ =	sdelay $0x1  }
0xe3: {  	[tilespmem:v60+s23+$0x0] =	vst.idx.msk $0xffff, v39  }
0xe4: {  	v39 =	vld.idx.msk [tilespmem:v62+s14+$0x0], $0xffff  }
0xe5: {  	v63 =	vld.idx.msk [tilespmem:v38+s10+$0x0], $0xffff;
	_ =	sdelay $0x4  }
0xe6: {  	s18 =	sadd.s32 @!p0 $0xFFFFFFE8, s3;
	v39 =	vadd.f32 v63, v39  }
0xe7: {  	s18 =	sand.u32 @!p0 $0x7C0, s18  }
0xe8: {  	s18 =	sshrl.u32 @!p0 s18, $0x2;
	[tilespmem:v38+s23+$0x0] =	vst.idx.msk $0xffff, v39  }
0xe9: {  	v38 =	vld @!p0 [tilespmem:s18+$0x0];
	_ =	sdelay $0x1  }
0xea: {  	s18 =	sadd.s32 @!p0 $0x9, s2  }
0xeb: {  	s18 =	sand.u32 @!p0 $0x9, s18  }
0xec: {  	v39 =	vmov @!p0 s18  }
0xed: {  	vm8 =	veq.s32 @!p0 v39, v37;
	v38 =	vxor.u32 @!p0 $0x80000000, v38  }
0xee: {  	v38 =	vnsel @!p0 vm8, $0x80000000, v38  }
0xef: {  	(xrf0) =	vmax.scan.msk.u32 @!p0 $0xffff, v38;
	_ =	sdelay $0x5  }
0xf0: {  	v38, _, _ =	vpop @!p0 (xrf0)  }
0xf1: {  	(v2sf) =	vpush @!p0 v38, $0xF;
	_ =	sdelay $0xe  }
0xf2: {  	s18 =	spop @!p0 (v2sf)  }
0xf3: {  	s18 =	sand.u32 @!p0 $0x1FFFFF80, s18  }
0xf4: {  	s19 =	simm.s32 @!p0 $0x2100;
	s18 =	sadd.s32 @!p0 s0, s18  }
0xf5: {  	[tilespmem:s19], [sflag:$0x2] =	stream.strided.gather @!p0 [hbm4b:s18+s16], $0x2000, s17, s16, $0x38;
	[tilespmem:$0x18100] =	vst v63  }
0xf6: {  	_ =	swait.ge [sflag:s25], $0x2000  }
0xf7: {  	[sflag:s25] =	ssyncset.done $0x0  }
0xf8: {  	[sflag:s25] =	ssyncadd.s32 $0xFFFFE000  }
0xf9: {  	v44 =	vld [tilespmem:s15+$0x0];
	_ =	sdelay $0x1  }
0xfa: {  	s18 =	sadd.s32 $0x2, s2  }
0xfb: {  	s19 =	sand.u32 $0xA, s18  }
0xfc: {  	v45 =	vmov s19  }
0xfd: {  	vm8 =	veq.s32 v45, v0;
	v38 =	vxor.u32 $0x80000000, v44  }
0xfe: {  	v38 =	vnsel vm8, $0x80000000, v38  }
0xff: {  	(xrf0) =	vmax.scan.msk.u32 $0xffff, v38;
	_ =	sdelay $0x5  }
0x100: {  	v38, _, _ =	vpop (xrf0)  }
0x101: {  	(v2sf) =	vpush v38, $0xF;
	_ =	sdelay $0xb  }
0x102: {  	v46 =	vmov s18  }
0x103: {  	v47 =	vshll.u32 v46, $0x3  }
0x104: {  	v39 =	vand.u32 $0x400, v47;
	v38 =	vand.u32 $0x7A, v46  }
0x105: {  	v38 =	vor.u32 v38, v39;
	s19 =	spop (v2sf)  }
0x106: {  	v39 =	vor.u32 v2, v38;
	s18 =	sand.u32 $0x7F, s19  }
0x107: {  	v48 =	vor.u32 s18, v13;
	_ =	sdelay $0x3  }
0x108: {  	v49 =	vld.idx.msk [tilespmem:v39+s10+$0x0], $0xffff  }
0x109: {  	v40 =	vld.idx.msk [tilespmem:v48+s14+$0x0], $0xffff;
	_ =	sdelay $0x2  }
0x10a: {  	v50 =	vor.u32 s18, v14  }
0x10b: {  	v51 =	vor.u32 v3, v38  }
0x10c: {  	v40 =	vadd.f32 v49, v40;
	_ =	sdelay $0x1  }
0x10d: {  	[tilespmem:v39+s23+$0x0] =	vst.idx.msk $0xffff, v40  }
0x10e: {  	v39 =	vld.idx.msk [tilespmem:v50+s14+$0x0], $0xffff  }
0x10f: {  	v40 =	vld.idx.msk [tilespmem:v51+s10+$0x0], $0xffff;
	_ =	sdelay $0x2  }
0x110: {  	v52 =	vor.u32 s18, v15  }
0x111: {  	v53 =	vor.u32 v4, v38  }
0x112: {  	v39 =	vadd.f32 v40, v39;
	_ =	sdelay $0x1  }
0x113: {  	[tilespmem:v51+s23+$0x0] =	vst.idx.msk $0xffff, v39  }
0x114: {  	v39 =	vld.idx.msk [tilespmem:v52+s14+$0x0], $0xffff  }
0x115: {  	v54 =	vld.idx.msk [tilespmem:v53+s10+$0x0], $0xffff;
	_ =	sdelay $0x2  }
0x116: {  	v55 =	vor.u32 s18, v16  }
0x117: {  	v38 =	vor.u32 v5, v38  }
0x118: {  	v39 =	vadd.f32 v54, v39;
	_ =	sdelay $0x1  }
0x119: {  	[tilespmem:v53+s23+$0x0] =	vst.idx.msk $0xffff, v39  }
0x11a: {  	v39 =	vld.idx.msk [tilespmem:v55+s14+$0x0], $0xffff  }
0x11b: {  	v56 =	vld.idx.msk [tilespmem:v38+s10+$0x0], $0xffff;
	_ =	sdelay $0x4  }
0x11c: {  	s18 =	sadd.s32 @!p0 $0xFFFFFFEC, s3;
	v39 =	vadd.f32 v56, v39  }
0x11d: {  	s18 =	sand.u32 @!p0 $0x7C0, s18  }
0x11e: {  	s18 =	sshrl.u32 @!p0 s18, $0x2;
	[tilespmem:v38+s23+$0x0] =	vst.idx.msk $0xffff, v39  }
0x11f: {  	v38 =	vld @!p0 [tilespmem:s18+$0x0];
	_ =	sdelay $0x1  }
0x120: {  	s18 =	sadd.s32 @!p0 $0xA, s2  }
0x121: {  	s18 =	sand.u32 @!p0 $0xA, s18  }
0x122: {  	v39 =	vmov @!p0 s18  }
0x123: {  	vm8 =	veq.s32 @!p0 v39, v37;
	v38 =	vxor.u32 @!p0 $0x80000000, v38  }
0x124: {  	v38 =	vnsel @!p0 vm8, $0x80000000, v38  }
0x125: {  	(xrf0) =	vmax.scan.msk.u32 @!p0 $0xffff, v38;
	_ =	sdelay $0x5  }
0x126: {  	v38, _, _ =	vpop @!p0 (xrf0)  }
0x127: {  	(v2sf) =	vpush @!p0 v38, $0xF;
	_ =	sdelay $0xe  }
0x128: {  	s18 =	spop @!p0 (v2sf)  }
0x129: {  	s18 =	sand.u32 @!p0 $0x1FFFFF80, s18  }
0x12a: {  	s19 =	simm.s32 @!p0 $0x4100;
	s18 =	sadd.s32 @!p0 s0, s18  }
0x12b: {  	[tilespmem:s19], [sflag:$0x3] =	stream.strided.gather @!p0 [hbm4b:s18+s16], $0x2000, s17, s16, $0x38;
	[tilespmem:$0x18100] =	vst v63  }
0x12c: {  	_ =	swait.ge [sflag:s26], $0x2000  }
0x12d: {  	[sflag:s26] =	ssyncset.done $0x0  }
0x12e: {  	[sflag:s26] =	ssyncadd.s32 $0xFFFFE000  }
0x12f: {  	v57 =	vld [tilespmem:s15+$0x0];
	_ =	sdelay $0x1  }
0x130: {  	s18 =	sadd.s32 $0x3, s2  }
0x131: {  	s19 =	sand.u32 $0xB, s18  }
0x132: {  	v58 =	vmov s19  }
0x133: {  	vm8 =	veq.s32 v58, v0;
	v38 =	vxor.u32 $0x80000000, v57  }
0x134: {  	v38 =	vnsel vm8, $0x80000000, v38  }
0x135: {  	(xrf0) =	vmax.scan.msk.u32 $0xffff, v38;
	_ =	sdelay $0x5  }
0x136: {  	v38, _, _ =	vpop (xrf0)  }
0x137: {  	(v2sf) =	vpush v38, $0xF;
	_ =	sdelay $0xb  }
0x138: {  	v59 =	vmov s18  }
0x139: {  	v60 =	vshll.u32 v59, $0x3  }
0x13a: {  	v39 =	vand.u32 $0x400, v60;
	v38 =	vand.u32 $0x7B, v59  }
0x13b: {  	v38 =	vor.u32 v38, v39;
	s19 =	spop (v2sf)  }
0x13c: {  	v39 =	vor.u32 v2, v38;
	s18 =	sand.u32 $0x7F, s19  }
0x13d: {  	v61 =	vor.u32 s18, v17;
	_ =	sdelay $0x3  }
0x13e: {  	v62 =	vld.idx.msk [tilespmem:v39+s10+$0x0], $0xffff  }
0x13f: {  	v40 =	vld.idx.msk [tilespmem:v61+s14+$0x0], $0xffff;
	_ =	sdelay $0x2  }
0x140: {  	v63 =	vor.u32 s18, v18  }
0x141: {  	v45 =	vor.u32 v3, v38  }
0x142: {  	v40 =	vadd.f32 v62, v40;
	_ =	sdelay $0x1  }
0x143: {  	[tilespmem:v39+s23+$0x0] =	vst.idx.msk $0xffff, v40  }
0x144: {  	v39 =	vld.idx.msk [tilespmem:v63+s14+$0x0], $0xffff  }
0x145: {  	v40 =	vld.idx.msk [tilespmem:v45+s10+$0x0], $0xffff;
	_ =	sdelay $0x2  }
0x146: {  	v46 =	vor.u32 s18, v19  }
0x147: {  	v47 =	vor.u32 v4, v38  }
0x148: {  	v39 =	vadd.f32 v40, v39;
	_ =	sdelay $0x1  }
0x149: {  	[tilespmem:v45+s23+$0x0] =	vst.idx.msk $0xffff, v39  }
0x14a: {  	v39 =	vld.idx.msk [tilespmem:v46+s14+$0x0], $0xffff  }
0x14b: {  	v48 =	vld.idx.msk [tilespmem:v47+s10+$0x0], $0xffff;
	_ =	sdelay $0x2  }
0x14c: {  	v49 =	vor.u32 s18, v20  }
0x14d: {  	v38 =	vor.u32 v5, v38  }
0x14e: {  	v39 =	vadd.f32 v48, v39;
	_ =	sdelay $0x1  }
0x14f: {  	[tilespmem:v47+s23+$0x0] =	vst.idx.msk $0xffff, v39  }
0x150: {  	v39 =	vld.idx.msk [tilespmem:v49+s14+$0x0], $0xffff  }
0x151: {  	v50 =	vld.idx.msk [tilespmem:v38+s10+$0x0], $0xffff;
	_ =	sdelay $0x4  }
0x152: {  	s18 =	sadd.s32 @!p0 $0xFFFFFFF0, s3;
	v39 =	vadd.f32 v50, v39  }
0x153: {  	s18 =	sand.u32 @!p0 $0x7C0, s18  }
0x154: {  	s18 =	sshrl.u32 @!p0 s18, $0x2;
	[tilespmem:v38+s23+$0x0] =	vst.idx.msk $0xffff, v39  }
0x155: {  	v38 =	vld @!p0 [tilespmem:s18+$0x0];
	_ =	sdelay $0x1  }
0x156: {  	s18 =	sadd.s32 @!p0 $0xB, s2  }
0x157: {  	s18 =	sand.u32 @!p0 $0xB, s18  }
0x158: {  	v39 =	vmov @!p0 s18  }
0x159: {  	vm8 =	veq.s32 @!p0 v39, v37;
	v38 =	vxor.u32 @!p0 $0x80000000, v38  }
0x15a: {  	v38 =	vnsel @!p0 vm8, $0x80000000, v38  }
0x15b: {  	(xrf0) =	vmax.scan.msk.u32 @!p0 $0xffff, v38;
	_ =	sdelay $0x5  }
0x15c: {  	v38, _, _ =	vpop @!p0 (xrf0)  }
0x15d: {  	(v2sf) =	vpush @!p0 v38, $0xF;
	_ =	sdelay $0xe  }
0x15e: {  	s18 =	spop @!p0 (v2sf)  }
0x15f: {  	s18 =	sand.u32 @!p0 $0x1FFFFF80, s18  }
0x160: {  	s19 =	simm.s32 @!p0 $0x6100;
	s18 =	sadd.s32 @!p0 s0, s18  }
0x161: {  	[tilespmem:s19], [sflag:$0x4] =	stream.strided.gather @!p0 [hbm4b:s18+s16], $0x2000, s17, s16, $0x38;
	[tilespmem:$0x18100] =	vst v63  }
0x162: {  	_ =	swait.ge [sflag:s28], $0x2000  }
0x163: {  	[sflag:s28] =	ssyncset.done $0x0  }
0x164: {  	[sflag:s28] =	ssyncadd.s32 $0xFFFFE000  }
0x165: {  	v51 =	vld [tilespmem:s15+$0x0];
	_ =	sdelay $0x1  }
0x166: {  	s18 =	sadd.s32 $0x4, s2  }
0x167: {  	s19 =	sand.u32 $0xC, s18  }
0x168: {  	v52 =	vmov s19  }
0x169: {  	vm8 =	veq.s32 v52, v0;
	v38 =	vxor.u32 $0x80000000, v51  }
0x16a: {  	v38 =	vnsel vm8, $0x80000000, v38  }
0x16b: {  	(xrf0) =	vmax.scan.msk.u32 $0xffff, v38;
	_ =	sdelay $0x5  }
0x16c: {  	v38, _, _ =	vpop (xrf0)  }
0x16d: {  	(v2sf) =	vpush v38, $0xF;
	_ =	sdelay $0xb  }
0x16e: {  	v53 =	vmov s18  }
0x16f: {  	v54 =	vshll.u32 v53, $0x3  }
0x170: {  	v39 =	vand.u32 $0x400, v54;
	v38 =	vand.u32 $0x7C, v53  }
0x171: {  	v38 =	vor.u32 v38, v39;
	s19 =	spop (v2sf)  }
0x172: {  	v39 =	vor.u32 v2, v38;
	s18 =	sand.u32 $0x7F, s19  }
0x173: {  	v55 =	vor.u32 s18, v21;
	_ =	sdelay $0x3  }
0x174: {  	v56 =	vld.idx.msk [tilespmem:v39+s10+$0x0], $0xffff  }
0x175: {  	v40 =	vld.idx.msk [tilespmem:v55+s14+$0x0], $0xffff;
	_ =	sdelay $0x2  }
0x176: {  	v57 =	vor.u32 s18, v22  }
0x177: {  	v58 =	vor.u32 v3, v38  }
0x178: {  	v40 =	vadd.f32 v56, v40;
	_ =	sdelay $0x1  }
0x179: {  	[tilespmem:v39+s23+$0x0] =	vst.idx.msk $0xffff, v40  }
0x17a: {  	v39 =	vld.idx.msk [tilespmem:v57+s14+$0x0], $0xffff  }
0x17b: {  	v40 =	vld.idx.msk [tilespmem:v58+s10+$0x0], $0xffff;
	_ =	sdelay $0x2  }
0x17c: {  	v59 =	vor.u32 s18, v23  }
0x17d: {  	v60 =	vor.u32 v4, v38  }
0x17e: {  	v39 =	vadd.f32 v40, v39;
	_ =	sdelay $0x1  }
0x17f: {  	[tilespmem:v58+s23+$0x0] =	vst.idx.msk $0xffff, v39  }
0x180: {  	v39 =	vld.idx.msk [tilespmem:v59+s14+$0x0], $0xffff  }
0x181: {  	v61 =	vld.idx.msk [tilespmem:v60+s10+$0x0], $0xffff;
	_ =	sdelay $0x2  }
0x182: {  	v62 =	vor.u32 s18, v24  }
0x183: {  	v38 =	vor.u32 v5, v38  }
0x184: {  	v39 =	vadd.f32 v61, v39;
	_ =	sdelay $0x1  }
0x185: {  	[tilespmem:v60+s23+$0x0] =	vst.idx.msk $0xffff, v39  }
0x186: {  	v39 =	vld.idx.msk [tilespmem:v62+s14+$0x0], $0xffff  }
0x187: {  	v63 =	vld.idx.msk [tilespmem:v38+s10+$0x0], $0xffff;
	_ =	sdelay $0x4  }
0x188: {  	s18 =	sadd.s32 @!p0 $0xFFFFFFF4, s3;
	v39 =	vadd.f32 v63, v39  }
0x189: {  	s18 =	sand.u32 @!p0 $0x7C0, s18  }
0x18a: {  	s18 =	sshrl.u32 @!p0 s18, $0x2;
	[tilespmem:v38+s23+$0x0] =	vst.idx.msk $0xffff, v39  }
0x18b: {  	v38 =	vld @!p0 [tilespmem:s18+$0x0];
	_ =	sdelay $0x1  }
0x18c: {  	s18 =	sadd.s32 @!p0 $0xC, s2  }
0x18d: {  	s18 =	sand.u32 @!p0 $0xC, s18  }
0x18e: {  	v39 =	vmov @!p0 s18  }
0x18f: {  	vm8 =	veq.s32 @!p0 v39, v37;
	v38 =	vxor.u32 @!p0 $0x80000000, v38  }
0x190: {  	v38 =	vnsel @!p0 vm8, $0x80000000, v38  }
0x191: {  	(xrf0) =	vmax.scan.msk.u32 @!p0 $0xffff, v38;
	_ =	sdelay $0x5  }
0x192: {  	v38, _, _ =	vpop @!p0 (xrf0)  }
0x193: {  	(v2sf) =	vpush @!p0 v38, $0xF;
	_ =	sdelay $0xe  }
0x194: {  	s18 =	spop @!p0 (v2sf)  }
0x195: {  	s18 =	sand.u32 @!p0 $0x1FFFFF80, s18  }
0x196: {  	s19 =	simm.s32 @!p0 $0x8100;
	s18 =	sadd.s32 @!p0 s0, s18  }
0x197: {  	[tilespmem:s19], [sflag:$0x5] =	stream.strided.gather @!p0 [hbm4b:s18+s16], $0x2000, s17, s16, $0x38;
	[tilespmem:$0x18100] =	vst v63  }
0x198: {  	_ =	swait.ge [sflag:s29], $0x2000  }
0x199: {  	[sflag:s29] =	ssyncset.done $0x0  }
0x19a: {  	[sflag:s29] =	ssyncadd.s32 $0xFFFFE000  }
0x19b: {  	v44 =	vld [tilespmem:s15+$0x0];
	_ =	sdelay $0x1  }
0x19c: {  	s18 =	sadd.s32 $0x5, s2  }
0x19d: {  	s19 =	sand.u32 $0xD, s18  }
0x19e: {  	v45 =	vmov s19  }
0x19f: {  	vm8 =	veq.s32 v45, v0;
	v38 =	vxor.u32 $0x80000000, v44  }
0x1a0: {  	v38 =	vnsel vm8, $0x80000000, v38  }
0x1a1: {  	(xrf0) =	vmax.scan.msk.u32 $0xffff, v38;
	_ =	sdelay $0x5  }
0x1a2: {  	v38, _, _ =	vpop (xrf0)  }
0x1a3: {  	(v2sf) =	vpush v38, $0xF;
	_ =	sdelay $0xb  }
0x1a4: {  	v46 =	vmov s18  }
0x1a5: {  	v47 =	vshll.u32 v46, $0x3  }
0x1a6: {  	v39 =	vand.u32 $0x400, v47;
	v38 =	vand.u32 $0x7D, v46  }
0x1a7: {  	v38 =	vor.u32 v38, v39;
	s19 =	spop (v2sf)  }
0x1a8: {  	v39 =	vor.u32 v2, v38;
	s18 =	sand.u32 $0x7F, s19  }
0x1a9: {  	v48 =	vor.u32 s18, v25;
	_ =	sdelay $0x3  }
0x1aa: {  	v49 =	vld.idx.msk [tilespmem:v39+s10+$0x0], $0xffff  }
0x1ab: {  	v40 =	vld.idx.msk [tilespmem:v48+s14+$0x0], $0xffff;
	_ =	sdelay $0x2  }
0x1ac: {  	v50 =	vor.u32 s18, v26  }
0x1ad: {  	v51 =	vor.u32 v3, v38  }
0x1ae: {  	v40 =	vadd.f32 v49, v40;
	_ =	sdelay $0x1  }
0x1af: {  	[tilespmem:v39+s23+$0x0] =	vst.idx.msk $0xffff, v40  }
0x1b0: {  	v39 =	vld.idx.msk [tilespmem:v50+s14+$0x0], $0xffff  }
0x1b1: {  	v40 =	vld.idx.msk [tilespmem:v51+s10+$0x0], $0xffff;
	_ =	sdelay $0x2  }
0x1b2: {  	v52 =	vor.u32 s18, v27  }
0x1b3: {  	v53 =	vor.u32 v4, v38  }
0x1b4: {  	v39 =	vadd.f32 v40, v39;
	_ =	sdelay $0x1  }
0x1b5: {  	[tilespmem:v51+s23+$0x0] =	vst.idx.msk $0xffff, v39  }
0x1b6: {  	v39 =	vld.idx.msk [tilespmem:v52+s14+$0x0], $0xffff  }
0x1b7: {  	v54 =	vld.idx.msk [tilespmem:v53+s10+$0x0], $0xffff;
	_ =	sdelay $0x2  }
0x1b8: {  	v55 =	vor.u32 s18, v28  }
0x1b9: {  	v38 =	vor.u32 v5, v38  }
0x1ba: {  	v39 =	vadd.f32 v54, v39;
	_ =	sdelay $0x1  }
0x1bb: {  	[tilespmem:v53+s23+$0x0] =	vst.idx.msk $0xffff, v39  }
0x1bc: {  	v39 =	vld.idx.msk [tilespmem:v55+s14+$0x0], $0xffff  }
0x1bd: {  	v56 =	vld.idx.msk [tilespmem:v38+s10+$0x0], $0xffff;
	_ =	sdelay $0x4  }
0x1be: {  	s18 =	sadd.s32 @!p0 $0xFFFFFFF8, s3;
	v39 =	vadd.f32 v56, v39  }
0x1bf: {  	s18 =	sand.u32 @!p0 $0x7C0, s18  }
0x1c0: {  	s18 =	sshrl.u32 @!p0 s18, $0x2;
	[tilespmem:v38+s23+$0x0] =	vst.idx.msk $0xffff, v39  }
0x1c1: {  	v38 =	vld @!p0 [tilespmem:s18+$0x0];
	_ =	sdelay $0x1  }
0x1c2: {  	s18 =	sadd.s32 @!p0 $0xD, s2  }
0x1c3: {  	s18 =	sand.u32 @!p0 $0xD, s18  }
0x1c4: {  	v39 =	vmov @!p0 s18  }
0x1c5: {  	vm8 =	veq.s32 @!p0 v39, v37;
	v38 =	vxor.u32 @!p0 $0x80000000, v38  }
0x1c6: {  	v38 =	vnsel @!p0 vm8, $0x80000000, v38  }
0x1c7: {  	(xrf0) =	vmax.scan.msk.u32 @!p0 $0xffff, v38;
	_ =	sdelay $0x5  }
0x1c8: {  	v38, _, _ =	vpop @!p0 (xrf0)  }
0x1c9: {  	(v2sf) =	vpush @!p0 v38, $0xF;
	_ =	sdelay $0xe  }
0x1ca: {  	s18 =	spop @!p0 (v2sf)  }
0x1cb: {  	s18 =	sand.u32 @!p0 $0x1FFFFF80, s18  }
0x1cc: {  	s19 =	simm.s32 @!p0 $0xA100;
	s18 =	sadd.s32 @!p0 s0, s18  }
0x1cd: {  	[tilespmem:s19], [sflag:$0x6] =	stream.strided.gather @!p0 [hbm4b:s18+s16], $0x2000, s17, s16, $0x38;
	[tilespmem:$0x18100] =	vst v63  }
0x1ce: {  	_ =	swait.ge [sflag:s30], $0x2000  }
0x1cf: {  	[sflag:s30] =	ssyncset.done $0x0  }
0x1d0: {  	[sflag:s30] =	ssyncadd.s32 $0xFFFFE000  }
0x1d1: {  	v57 =	vld [tilespmem:s15+$0x0];
	_ =	sdelay $0x1  }
0x1d2: {  	s18 =	sadd.s32 $0x6, s2  }
0x1d3: {  	s19 =	sand.u32 $0xE, s18  }
0x1d4: {  	v58 =	vmov s19  }
0x1d5: {  	vm8 =	veq.s32 v58, v0;
	v38 =	vxor.u32 $0x80000000, v57  }
0x1d6: {  	v38 =	vnsel vm8, $0x80000000, v38  }
0x1d7: {  	(xrf0) =	vmax.scan.msk.u32 $0xffff, v38;
	_ =	sdelay $0x5  }
0x1d8: {  	v38, _, _ =	vpop (xrf0)  }
0x1d9: {  	(v2sf) =	vpush v38, $0xF;
	_ =	sdelay $0xb  }
0x1da: {  	v59 =	vmov s18  }
0x1db: {  	v60 =	vshll.u32 v59, $0x3  }
0x1dc: {  	v39 =	vand.u32 $0x400, v60;
	v38 =	vand.u32 $0x7E, v59  }
0x1dd: {  	v38 =	vor.u32 v38, v39;
	s19 =	spop (v2sf)  }
0x1de: {  	v39 =	vor.u32 v2, v38;
	s18 =	sand.u32 $0x7F, s19  }
0x1df: {  	v61 =	vor.u32 s18, v29;
	_ =	sdelay $0x3  }
0x1e0: {  	v62 =	vld.idx.msk [tilespmem:v39+s10+$0x0], $0xffff  }
0x1e1: {  	v40 =	vld.idx.msk [tilespmem:v61+s14+$0x0], $0xffff;
	_ =	sdelay $0x2  }
0x1e2: {  	v63 =	vor.u32 s18, v30  }
0x1e3: {  	v45 =	vor.u32 v3, v38  }
0x1e4: {  	v40 =	vadd.f32 v62, v40;
	_ =	sdelay $0x1  }
0x1e5: {  	[tilespmem:v39+s23+$0x0] =	vst.idx.msk $0xffff, v40  }
0x1e6: {  	v39 =	vld.idx.msk [tilespmem:v63+s14+$0x0], $0xffff  }
0x1e7: {  	v40 =	vld.idx.msk [tilespmem:v45+s10+$0x0], $0xffff;
	_ =	sdelay $0x2  }
0x1e8: {  	v46 =	vor.u32 s18, v31  }
0x1e9: {  	v47 =	vor.u32 v4, v38  }
0x1ea: {  	v39 =	vadd.f32 v40, v39;
	_ =	sdelay $0x1  }
0x1eb: {  	[tilespmem:v45+s23+$0x0] =	vst.idx.msk $0xffff, v39  }
0x1ec: {  	v39 =	vld.idx.msk [tilespmem:v46+s14+$0x0], $0xffff  }
0x1ed: {  	v48 =	vld.idx.msk [tilespmem:v47+s10+$0x0], $0xffff;
	_ =	sdelay $0x2  }
0x1ee: {  	v49 =	vor.u32 s18, v32  }
0x1ef: {  	v38 =	vor.u32 v5, v38  }
0x1f0: {  	v39 =	vadd.f32 v48, v39;
	_ =	sdelay $0x1  }
0x1f1: {  	[tilespmem:v47+s23+$0x0] =	vst.idx.msk $0xffff, v39  }
0x1f2: {  	v39 =	vld.idx.msk [tilespmem:v49+s14+$0x0], $0xffff  }
0x1f3: {  	v50 =	vld.idx.msk [tilespmem:v38+s10+$0x0], $0xffff;
	_ =	sdelay $0x4  }
0x1f4: {  	s18 =	sadd.s32 @!p0 $0xFFFFFFFC, s3;
	v39 =	vadd.f32 v50, v39  }
0x1f5: {  	s18 =	sand.u32 @!p0 $0x7C0, s18  }
0x1f6: {  	s18 =	sshrl.u32 @!p0 s18, $0x2;
	[tilespmem:v38+s23+$0x0] =	vst.idx.msk $0xffff, v39  }
0x1f7: {  	v38 =	vld @!p0 [tilespmem:s18+$0x0];
	_ =	sdelay $0x1  }
0x1f8: {  	s18 =	sadd.s32 @!p0 $0xE, s2  }
0x1f9: {  	s18 =	sand.u32 @!p0 $0xE, s18  }
0x1fa: {  	v39 =	vmov @!p0 s18  }
0x1fb: {  	vm8 =	veq.s32 @!p0 v39, v37;
	v37 =	vxor.u32 @!p0 $0x80000000, v38  }
0x1fc: {  	v37 =	vnsel @!p0 vm8, $0x80000000, v37  }
0x1fd: {  	(xrf0) =	vmax.scan.msk.u32 @!p0 $0xffff, v37;
	_ =	sdelay $0x5  }
0x1fe: {  	v37, _, _ =	vpop @!p0 (xrf0)  }
0x1ff: {  	(v2sf) =	vpush @!p0 v37, $0xF;
	_ =	sdelay $0xe  }
0x200: {  	s18 =	spop @!p0 (v2sf)  }
0x201: {  	s18 =	sand.u32 @!p0 $0x1FFFFF80, s18  }
0x202: {  	s19 =	simm.s32 @!p0 $0xC100;
	s18 =	sadd.s32 @!p0 s0, s18  }
0x203: {  	[tilespmem:s19], [sflag:$0x7] =	stream.strided.gather @!p0 [hbm4b:s18+s16], $0x2000, s17, s16, $0x38;
	[tilespmem:$0x18100] =	vst v63  }
0x204: {  	_ =	swait.ge [sflag:s31], $0x2000  }
0x205: {  	[sflag:s31] =	ssyncset.done $0x0  }
0x206: {  	[sflag:s31] =	ssyncadd.s32 $0xFFFFE000  }
0x207: {  	v51 =	vld [tilespmem:s15+$0x0];
	_ =	sdelay $0x1  }
0x208: {  	s17 =	sadd.s32 $0x7, s2  }
0x209: {  	s18 =	sand.u32 $0xF, s17  }
0x20a: {  	v52 =	vmov s18  }
0x20b: {  	vm8 =	veq.s32 v52, v0;
	v37 =	vxor.u32 $0x80000000, v51  }
0x20c: {  	v37 =	vnsel vm8, $0x80000000, v37  }
0x20d: {  	(xrf0) =	vmax.scan.msk.u32 $0xffff, v37;
	_ =	sdelay $0x5  }
0x20e: {  	v37, _, _ =	vpop (xrf0)  }
0x20f: {  	(v2sf) =	vpush v37, $0xF;
	_ =	sdelay $0xb  }
0x210: {  	v53 =	vmov s17  }
0x211: {  	v54 =	vshll.u32 v53, $0x3  }
0x212: {  	v38 =	vand.u32 $0x400, v54;
	v37 =	vand.u32 $0x7F, v53  }
0x213: {  	v37 =	vor.u32 v37, v38;
	s19 =	spop (v2sf)  }
0x214: {  	v38 =	vor.u32 v2, v37;
	s15 =	sand.u32 $0x7F, s19  }
0x215: {  	v55 =	vor.u32 s15, v33;
	_ =	sdelay $0x3  }
0x216: {  	v56 =	vld.idx.msk [tilespmem:v38+s10+$0x0], $0xffff  }
0x217: {  	v39 =	vld.idx.msk [tilespmem:v55+s14+$0x0], $0xffff;
	_ =	sdelay $0x2  }
0x218: {  	v57 =	vor.u32 s15, v34  }
0x219: {  	v58 =	vor.u32 v3, v37  }
0x21a: {  	v39 =	vadd.f32 v56, v39;
	_ =	sdelay $0x1  }
0x21b: {  	[tilespmem:v38+s23+$0x0] =	vst.idx.msk $0xffff, v39  }
0x21c: {  	v38 =	vld.idx.msk [tilespmem:v57+s14+$0x0], $0xffff  }
0x21d: {  	v39 =	vld.idx.msk [tilespmem:v58+s10+$0x0], $0xffff;
	_ =	sdelay $0x2  }
0x21e: {  	v59 =	vor.u32 s15, v35  }
0x21f: {  	v60 =	vor.u32 v4, v37  }
0x220: {  	v38 =	vadd.f32 v39, v38;
	_ =	sdelay $0x1  }
0x221: {  	[tilespmem:v58+s23+$0x0] =	vst.idx.msk $0xffff, v38  }
0x222: {  	v38 =	vld.idx.msk [tilespmem:v59+s14+$0x0], $0xffff  }
0x223: {  	v61 =	vld.idx.msk [tilespmem:v60+s10+$0x0], $0xffff;
	_ =	sdelay $0x2  }
0x224: {  	v62 =	vor.u32 s15, v36  }
0x225: {  	v37 =	vor.u32 v5, v37  }
0x226: {  	v38 =	vadd.f32 v61, v38;
	_ =	sdelay $0x1  }
0x227: {  	[tilespmem:v60+s23+$0x0] =	vst.idx.msk $0xffff, v38  }
0x228: {  	v38 =	vld.idx.msk [tilespmem:v62+s14+$0x0], $0xffff  }
0x229: {  	v63 =	vld.idx.msk [tilespmem:v37+s10+$0x0], $0xffff;
	_ =	sdelay $0x2  }
.Ltmp2:
0x22a: {  	_ = 	snop;
	(pc) =	sbr.rel @p0 .LBB2_4-.Ltmp2, $3  }
0x22b: {  	_ = 	snop  }
0x22c: {  	v38 =	vadd.f32 v63, v38;
	_ =	sdelay $0x1  }
0x22d: {  	[tilespmem:v37+s23+$0x0] =	vst.idx.msk $0xffff, v38  }
0x22e: {  	s15 =	sand.u32 $0x7C0, s3  }
0x22f: {  	s15 =	sshrl.u32 s15, $0x2  }
0x230: {  	v37 =	vld [tilespmem:s15+$0x0];
	_ =	sdelay $0x1  }
0x231: {  	s18 =	sadd.s32 $0xFFFFFFFF, s2  }
0x232: {  	s15 =	sand.u32 $0xF, s18  }
0x233: {  	v38 =	vmov s15  }
0x234: {  	vm8 =	veq.s32 v38, v0;
	v37 =	vxor.u32 $0x80000000, v37  }
0x235: {  	v37 =	vnsel vm8, $0x80000000, v37  }
0x236: {  	(xrf0) =	vmax.scan.msk.u32 $0xffff, v37;
	_ =	sdelay $0x5  }
0x237: {  	v37, _, _ =	vpop (xrf0)  }
0x238: {  	(v2sf) =	vpush v37, $0xF;
	_ =	sdelay $0xd  }
.Ltmp3:
0x239: {  	_ = 	snop;
	(pc) =	sbr.rel .LBB2_2-.Ltmp3, $4  }
0x23a: {  	s19 =	spop (v2sf)  }
0x23b: {  	s15 =	sand.u32 $0x1FFFFF80, s19  }
0x23c: {  	s2 =	sadd.s32 $0x8, s2;
	s3 =	sadd.s32 $0x20, s3;
	s15 =	sadd.s32 s0, s15  }
0x23d: {  	[tilespmem:s21], [sflag:$0x8] =	stream.strided.gather [hbm4b:s15+s12], $0x2000, s13, s12, $0x38;
	[tilespmem:$0x18100] =	vst v63  }
.LBB2_5:
0x23e: {  	_ =	sfence.sel $0x180000  }
0x23f: {  	[bflag:$0x0] =	sbarrier.arrive $0xFFFF  }
0x240: {  	_ =	strace $0x90000047  }
0x241: {  	s0 =	stileid.u32;
	[bflag:$0x2] =	sbarrier.arrive $0xFFFF  }
0x242: {  	p0 =	sne.s32 s0, $0x0;
	s0 =	rddreg [dreg:$0x4]  }
0x243: {  	s0 =	sadd.s32 @!p0 $0x100000, s0  }
0x244: {  	[sflag:s0] =	ssyncadd.tile.s32 @!p0 $0x1;
	_ =	shalt  }
.Lfunc_end2:
_tile_overlayer_lowered:
.L_overlay_start_2:
0x245: {  	(tag) =	ssettag $0x2  }
0x246: {  	s0 =	rddreg [dreg:$0x0];
	s2 =	stileid.u32  }
0x247: {  	s1 =	rddreg [dreg:$0x1];
	p0 =	sne.s32 s2, $0x0  }
0x248: {  	s3 =	rddreg [dreg:$0x2];
	[bflag:$0x3] =	sbarrier.arrive $0xFFFF;
	s2 =	simm.s32 @!p0 $0x1C09  }
0x249: {  	[timem:s3], [sflag:s2] =	dma.local @!p0 [hbm:s0], s1  }
0x24a: {  	s0 =	simm.s32 @!p0 $0x9  }
0x24b: {  	_ =	swait.ge @!p0 [sflag:s0], s1  }
0x24c: {  	s1 =	ssub.s32 @!p0 $0x0, s1;
	[sflag:s0] =	ssyncset.done @!p0 $0x0  }
0x24d: {  	[sflag:s0] =	ssyncadd.s32 @!p0 s1  }
0x24e: {  	[bflag:$0x3] =	sbarrier.arrive $0xFFFF  }
0x24f: {  	_ =	shalt  }

</sc_bundles>
